<compile_context>
chip_gen: v7x
topology: tpu7x:2x2x1
jax: 0.10.2.dev20260603
libtpu: 0.0.44.dev20260713+nightly
codegen_flags: <defaults>
</compile_context>

<pallas_src>
import functools

import jax
import jax.numpy as jnp
from jax.experimental import pallas as pl
from jax.experimental.pallas import tpu as pltpu
from jax.experimental.pallas import tpu_sc as plsc

_B = 8
_NPER = 512
_RAND_ITER = 4
_G = _RAND_ITER * _B
_M = _NPER // 2
_MAX_ITER = 10


def _fps_body(xT_ref, start_ref, cent_ref):
    x0 = xT_ref[0]
    x1 = xT_ref[1]
    x2 = xT_ref[2]
    x96 = jnp.concatenate((x0, x1, x2), axis=0)
    iota_n = jax.lax.broadcasted_iota(jnp.int32, (_G, _NPER), 1)
    iota_m = jax.lax.broadcasted_iota(jnp.int32, (_G, _M), 1)
    st = start_ref[:, :]

    def extract(mask):
        m3 = jnp.concatenate((mask, mask, mask), axis=0)
        s = jnp.sum(m3 * x96, axis=1, keepdims=True)
        return s[0:_G], s[_G:2 * _G], s[2 * _G:3 * _G]

    oh = (iota_n == st).astype(jnp.float32)
    s0, s1, s2 = extract(oh)
    v0 = x0 - s0
    v1 = x1 - s1
    v2 = x2 - s2
    d = jnp.sqrt(jnp.maximum(v0 * v0 + v1 * v1 + v2 * v2, 1e-12))
    ohc = (iota_m == 0).astype(jnp.float32)
    c0 = s0 * ohc
    c1 = s1 * ohc
    c2 = s2 * ohc

    def one_step(i, carry):
        d, c0, c1, c2 = carry
        maxv = jnp.max(d, axis=1, keepdims=True)
        nxt = jnp.min(jnp.where(d == maxv, iota_n, _NPER), axis=1, keepdims=True)
        ohn = (iota_n == nxt).astype(jnp.float32)
        n0, n1, n2 = extract(ohn)
        ohci = (iota_m == i).astype(jnp.float32)
        c0 = c0 + n0 * ohci
        c1 = c1 + n1 * ohci
        c2 = c2 + n2 * ohci
        w0 = x0 - n0
        w1 = x1 - n1
        w2 = x2 - n2
        nd = jnp.sqrt(jnp.maximum(w0 * w0 + w1 * w1 + w2 * w2, 1e-12))
        return (jnp.minimum(d, nd), c0, c1, c2)

    _UNROLL = 5

    def body(it, carry):
        base = 1 + it * _UNROLL
        for j in range(_UNROLL):
            carry = one_step(base + j, carry)
        return carry

    d, c0, c1, c2 = jax.lax.fori_loop(
        0, (_M - 1) // _UNROLL, body, (d, c0, c1, c2))
    cent_ref[0] = c0
    cent_ref[1] = c1
    cent_ref[2] = c2


_P = 8


def _km_body(x4_ref, xT_ref, cent_ref, cls_ref, score_ref):
    iota_mT = jax.lax.broadcasted_iota(jnp.int32, (_M, _NPER), 0)
    x4s, xTs, xds, xxs = [], [], [], []
    for p in range(_P):
        x4s.append(x4_ref[p])
        xT = xT_ref[p]
        xTs.append(xT)
        xd = (xT[0], xT[1], xT[2])
        xds.append(xd)
        xxs.append((xd[0] * xd[0] + xd[1] * xd[1] + xd[2] * xd[2])[None, :])

    def assign(p, cent):
        xcT = jax.lax.dot_general(
            cent, xTs[p], (((1,), (0,)), ((), ())),
            preferred_element_type=jnp.float32)
        c0 = cent[:, 0:1]
        c1 = cent[:, 1:2]
        c2 = cent[:, 2:3]
        cc = c0 * c0 + c1 * c1 + c2 * c2
        sqT = jnp.maximum(xxs[p] + cc - 2.0 * xcT, 0.0)
        val, idx = sqT, iota_mT
        half = _M // 2
        while half >= 1:
            va, vb = val[:half], val[half:]
            ia, ib = idx[:half], idx[half:]
            blt = vb < va
            val = jnp.where(blt, vb, va)
            idx = jnp.where(blt, ib, ia)
            half //= 2
        cls = idx[0]
        ohT = (iota_mT == cls[None, :]).astype(jnp.float32)
        return cls, ohT

    def step(p, cent):
        _, ohT = assign(p, cent)
        sums4 = jax.lax.dot_general(
            ohT, x4s[p], (((1,), (0,)), ((), ())),
            preferred_element_type=jnp.float32)
        counts = sums4[:, 3:4]
        mean = sums4[:, 0:3] / jnp.maximum(counts, 1.0)
        mask = (counts > 0.0).astype(jnp.float32)
        return mean * mask + cent * (1.0 - mask)

    def body(i, cents):
        return tuple(step(p, cents[p]) for p in range(_P))

    cents = jax.lax.fori_loop(
        0, _MAX_ITER, body, tuple(cent_ref[p] for p in range(_P)))
    for p in range(_P):
        cent = cents[p]
        cls, ohT = assign(p, cent)
        p0 = jnp.sum(ohT * cent[:, 0:1], axis=0)
        p1 = jnp.sum(ohT * cent[:, 1:2], axis=0)
        p2 = jnp.sum(ohT * cent[:, 2:3], axis=0)
        xd0, xd1, xd2 = xds[p]
        pern = jnp.abs(xd0 - p0) + jnp.abs(xd1 - p1) + jnp.abs(xd2 - p2)
        score = jnp.sum(pern)
        cls_ref[p, 0, :] = cls
        score_ref[p, 0, :] = jnp.full((128,), score, jnp.float32)


@functools.lru_cache(maxsize=1)
def _make_select_kernel():
    mesh = plsc.VectorSubcoreMesh(core_axis_name="c", subcore_axis_name="s")

    @functools.partial(
        pl.kernel, mesh=mesh,
        out_type=jax.ShapeDtypeStruct((_B, _NPER), jnp.int32),
        scratch_types=[
            pltpu.VMEM((2 * _G,), jnp.float32),
            pltpu.VMEM((16,), jnp.float32),
            pltpu.VMEM((16,), jnp.int32),
            pltpu.VMEM((16, _NPER), jnp.int32),
            pltpu.SemaphoreType.DMA,
        ],
        compiler_params=pltpu.CompilerParams(needs_layout_passes=False),
    )
    def sel(scores_hbm, cls_hbm, out_hbm, sc_v, m_v, idx_v, rows_v, sem):
        wid = jax.lax.axis_index("s") * 2 + jax.lax.axis_index("c")

        @pl.when(wid == 0)
        def _():
            pltpu.sync_copy(scores_hbm, sc_v.at[pl.ds(0, _G)])
            v0 = sc_v[pl.ds(0, 16)]
            v1 = sc_v[pl.ds(16, 16)]
            lane = jax.lax.iota(jnp.int32, 16)
            lo = lane < 8
            m = jnp.minimum(v0, v1)
            m_v[...] = m
            rot = plsc.load_gather(m_v, [(lane + 8) & 15])
            bv = jnp.minimum(m, rot)
            r01 = jnp.where(lo, 0, 1)
            r23 = jnp.where(lo, 2, 3)
            w0 = jnp.where(v0 == bv, r01, _G)
            w1 = jnp.where(v1 == bv, r23, _G)
            w = jnp.minimum(w0, w1)
            idx_v[...] = w
            wrot = plsc.load_gather(idx_v, [(lane + 8) & 15])
            best_r = jnp.minimum(w, wrot)
            idx_v[...] = best_r * _B + (lane & 7)
            pltpu.async_copy(cls_hbm.at[idx_v], rows_v, sem).wait()
            pltpu.sync_copy(rows_v.at[pl.ds(0, _B)], out_hbm)

    return sel


def kernel(pos, batch):
    x = pos.reshape(_B, _NPER, 3)
    xr = jnp.tile(x, (_RAND_ITER, 1, 1))
    xT = xr.transpose(2, 0, 1)
    start = jax.random.randint(jax.random.key(42), (_G,), 0, _NPER)
    start2d = start.astype(jnp.int32)[:, None]

    centT = pl.pallas_call(
        _fps_body,
        out_shape=jax.ShapeDtypeStruct((3, _G, _M), jnp.float32),
    )(xT, start2d)
    cent = centT.transpose(1, 2, 0)

    x4 = jnp.concatenate(
        (xr, jnp.ones((_G, _NPER, 1), jnp.float32)), axis=2)
    cls3, score3 = pl.pallas_call(
        _km_body,
        grid=(_G // _P,),
        in_specs=[
            pl.BlockSpec((_P, _NPER, 4), lambda g: (g, 0, 0)),
            pl.BlockSpec((_P, 3, _NPER), lambda g: (g, 0, 0)),
            pl.BlockSpec((_P, _M, 3), lambda g: (g, 0, 0)),
        ],
        out_specs=[
            pl.BlockSpec((_P, 1, _NPER), lambda g: (g, 0, 0)),
            pl.BlockSpec((_P, 1, 128), lambda g: (g, 0, 0)),
        ],
        out_shape=[
            jax.ShapeDtypeStruct((_G, 1, _NPER), jnp.int32),
            jax.ShapeDtypeStruct((_G, 1, 128), jnp.float32),
        ],
        compiler_params=pltpu.CompilerParams(
            dimension_semantics=("arbitrary",)),
    )(x4, xr.transpose(0, 2, 1), cent)

    scores32 = score3[:, 0, 0]
    clsflat = cls3[:, 0, :]
    best_cls = _make_select_kernel()(scores32, clsflat)
    return best_cls.reshape(-1), scores32.reshape(_RAND_ITER, _B)

# --- scband reference (transcript-rebuilt; emitter-appended) ---
"""Pipeline reference for scband-symmetric-kmeans-16226386444303 (READ-ONLY COPY).

The authoritative reference and input builder live on the scoring server;
editing this copy changes nothing except your own understanding.
"""

import jax, jax.numpy as jnp
import numpy as np

TOL = 0.001
MAX_ITER = 10
RAND_ITER = 4
SCORE_NORM = 1
FPS_RATIO = 0.5
B = 8
NPER = 512


def setup_inputs(seed: int = 0) -> dict:
    key = jax.random.key(seed)
    pos = jax.random.normal(key, (B * NPER, 3), dtype=jnp.float32)
    batch = jnp.repeat(jnp.arange(B, dtype=jnp.int32), NPER)
    return {"pos": pos, "batch": batch}


def _safe_sqrt(sq):
    return jnp.sqrt(jnp.maximum(sq, 1e-12))


def _pairwise_sq(x, c):
    # x: [G,n,3], c: [G,m,3] -> [G,n,m] squared euclidean distances
    xx = (x * x).sum(-1)[:, :, None]
    cc = (c * c).sum(-1)[:, None, :]
    xc = jnp.einsum('gnd,gmd->gnm', x, c)
    return jnp.maximum(xx + cc - 2.0 * xc, 0.0)


def _fps(x, m, start):
    # farthest point sampling per problem. x: [G,n,3], start: [G] int
    G, n, _ = x.shape
    gi = jnp.arange(G)
    d = _safe_sqrt(((x - x[gi, start][:, None, :]) ** 2).sum(-1))
    sel = jnp.zeros((G, m), dtype=jnp.int32).at[:, 0].set(start.astype(jnp.int32))

    def body(i, carry):
        d, sel = carry
        nxt = jnp.argmax(d, axis=1)
        sel = sel.at[:, i].set(nxt.astype(jnp.int32))
        nd = _safe_sqrt(((x - x[gi, nxt][:, None, :]) ** 2).sum(-1))
        return (jnp.minimum(d, nd), sel)

    d, sel = jax.lax.fori_loop(1, m, body, (d, sel))
    return sel


def _kmeans(x, cent, max_iter):
    # Lloyd iterations; empty clusters keep old centroid (mask trick from torch code)
    G, n, _ = x.shape
    m = cent.shape[1]

    def body(i, cent):
        sq = _pairwise_sq(x, cent)
        cls = jnp.argmin(sq, axis=-1)  # nearest(pos, centroids, batch, centroids_batch)
        onehot = jax.nn.one_hot(cls, m, dtype=x.dtype)  # [G,n,m]
        sums = jnp.einsum('gnm,gnd->gmd', onehot, x)    # scatter_add of pos per cluster
        counts = onehot.sum(1)                           # [G,m]
        mean = sums / jnp.maximum(counts[..., None], 1.0)  # scatter_mean
        mask = (counts > 0).astype(x.dtype)[..., None]   # scatter_mean of ones -> 1 where nonempty
        return mean * mask + cent * (1.0 - mask)

    cent = jax.lax.fori_loop(0, max_iter, body, cent)
    sq = _pairwise_sq(x, cent)
    cls = jnp.argmin(sq, axis=-1)
    return cent, cls


def _forward_scores(pos, batch):
    # SymmetricKMeans: replicate data rand_iter times with offset batch ids, run KMeans on all copies
    x = pos.reshape(B, NPER, 3)
    xr = jnp.tile(x, (RAND_ITER, 1, 1))  # big_pos grouped per (rand_iter, example): [R*B, n, 3]
    G = RAND_ITER * B
    m = int(NPER * FPS_RATIO)
    # fps(random_start=True): deterministic surrogate random start index per problem
    start = jax.random.randint(jax.random.key(42), (G,), 0, NPER)
    sel = _fps(xr, m, start)
    gi = jnp.arange(G)[:, None]
    cent = xr[gi, sel]  # centroids = start_pos[fps_indices]
    cent, cls = _kmeans(xr, cent, MAX_ITER)
    picked = jnp.take_along_axis(cent, jnp.broadcast_to(cls[..., None], (G, NPER, 3)), axis=1)
    # score: L1 norm per node (score_norm=1), scatter_add per example
    scores = jnp.abs(xr - picked).sum(-1).sum(-1).reshape(RAND_ITER, B)
    return scores, cls.reshape(RAND_ITER, B, NPER)


def reference(pos, batch):
    scores, cls = _forward_scores(pos, batch)
    # pick best-scoring random iteration per example (scores <= min_scores selection)
    best_r = jnp.argmin(scores, axis=0)  # [B]
    idx = jnp.broadcast_to(best_r[None, :, None], (1, B, NPER))
    best_cls = jnp.take_along_axis(cls, idx, axis=0)[0]  # [B, n]
    return best_cls.reshape(-1), scores

if __name__ == "__main__":
    import jax
    _d = setup_inputs()
    print(jax.jit(kernel)(*tuple(_d.values())))

</pallas_src>

<mosaic_0001>
#map = affine_map<(d0, d1) -> (0)>
#map1 = affine_map<(d0, d1) -> (0, 0)>
module attributes {stable_mosaic.version = 14 : i64} {
  func.func @sel(%arg0: i32, %arg1: i32, %arg2: memref<32xf32, #tpu.memory_space<hbm>>, %arg3: memref<32x512xi32, #tpu.memory_space<hbm>>, %arg4: memref<8x512xi32, #tpu.memory_space<hbm>>, %arg5: memref<64xf32, #tpu.memory_space<vmem>>, %arg6: memref<16xf32, #tpu.memory_space<vmem>>, %arg7: memref<16xi32, #tpu.memory_space<vmem>>, %arg8: memref<16x512xi32, #tpu.memory_space<vmem>>, %arg9: memref<!tpu.dma_semaphore, #tpu.memory_space<semaphore_mem>>) attributes {dimension_semantics = [#tpu.dimension_semantics<core_parallel>, #tpu.dimension_semantics<subcore_parallel>], iteration_bounds = array<i64: 2, 16>, scalar_prefetch = 0 : i64, scratch_operands = 5 : i64, tpu.core_type = #tpu.core_type<sc_vector_subcore>, window_params = [{transform_indices = #map}, {transform_indices = #map1}, {transform_indices = #map1}]} {
    %mul3A = arith.constant 2 : i32
    %mul3A_0 = arith.muli %arg1, %mul3A : i32
    %add3A = arith.addi %mul3A_0, %arg0 : i32
    %eq3A = arith.constant 0 : i32
    %eq3A_1 = arith.cmpi eq, %add3A, %eq3A : i32
    %convert_element_type3A = arith.extui %eq3A_1 : i1 to i32
    %cond3A = arith.constant 0 : i32
    %cond3A_2 = arith.cmpi ne, %convert_element_type3A, %cond3A : i32
    scf.if %cond3A_2 {
      "tpu.region"() ({
        %run_scoped3A = tpu.sem_alloc : memref<!tpu.dma_semaphore, #tpu.memory_space<semaphore_mem>>
        %dma_start3A_54 = arith.constant 0 : i32
        %dma_start3A_55 = tpu.memref_slice %arg5[%dma_start3A_54] : memref<64xf32, #tpu.memory_space<vmem>> -> memref<32xf32, #tpu.memory_space<vmem>>
        %dma_start3A_56 = arith.constant 0 : i32
        %dma_start3A_57 = tpu.memref_slice %arg5[%dma_start3A_56] : memref<64xf32, #tpu.memory_space<vmem>> -> memref<32xf32, #tpu.memory_space<vmem>>
        tpu.enqueue_dma source(%arg2 : memref<32xf32, #tpu.memory_space<hbm>>) target(%dma_start3A_57 : memref<32xf32, #tpu.memory_space<vmem>>) target_semaphore(%run_scoped3A : memref<!tpu.dma_semaphore, #tpu.memory_space<semaphore_mem>>)
        %dma_wait3A_58 = arith.constant 0 : i32
        %dma_wait3A_59 = tpu.memref_slice %arg5[%dma_wait3A_58] : memref<64xf32, #tpu.memory_space<vmem>> -> memref<32xf32, #tpu.memory_space<vmem>>
        %dma_wait3A_60 = arith.constant 0 : i32
        %dma_wait3A_61 = tpu.memref_slice %arg5[%dma_wait3A_60] : memref<64xf32, #tpu.memory_space<vmem>> -> memref<32xf32, #tpu.memory_space<vmem>>
        tpu.wait_dma2 semaphore(%run_scoped3A : memref<!tpu.dma_semaphore, #tpu.memory_space<semaphore_mem>>) src(%arg2 : memref<32xf32, #tpu.memory_space<hbm>>) dst(%dma_wait3A_61 : memref<32xf32, #tpu.memory_space<vmem>>)
        tpu.yield
      }) : () -> ()
      %get3A = arith.constant 0 : index
      %get3A_3 = tpu.vector_load %arg5[%get3A] {strides = array<i32>} : memref<64xf32, #tpu.memory_space<vmem>>, vector<16xf32>,
      %get3A_4 = arith.constant 16 : index
      %get3A_5 = tpu.vector_load %arg5[%get3A_4] {strides = array<i32>} : memref<64xf32, #tpu.memory_space<vmem>>, vector<16xf32>,
      %iota3A = tpu.iota {dimensions = array<i32: 0>} : vector<16xi32>
      %lt3A = arith.constant 8 : i32
      %lt3A_6 = vector.broadcast %lt3A : i32 to vector<16xi32>
      %lt3A_7 = arith.cmpi slt, %iota3A, %lt3A_6 : vector<16xi32>
      %min3A = arith.minimumf %get3A_3, %get3A_5 : vector<16xf32>
      %swap3A = arith.constant 0 : index
      %swap3A_8 = tpu.vector_load %arg6[%swap3A] {strides = array<i32>} : memref<16xf32, #tpu.memory_space<vmem>>, vector<16xf32>,
      tpu.vector_store %arg6[%swap3A], %min3A {strides = array<i32>} : memref<16xf32, #tpu.memory_space<vmem>>, vector<16xf32>,
      %add3A_9 = arith.constant 8 : i32
      %add3A_10 = vector.broadcast %add3A_9 : i32 to vector<16xi32>
      %add3A_11 = arith.addi %iota3A, %add3A_10 : vector<16xi32>
      %and3A = arith.constant 15 : i32
      %and3A_12 = vector.broadcast %and3A : i32 to vector<16xi32>
      %and3A_13 = arith.andi %add3A_11, %and3A_12 : vector<16xi32>
      %gather3A = tpu.vector_load_idx %arg6[%and3A_13] : memref<16xf32, #tpu.memory_space<vmem>>[vector<16xi32>], vector<16xf32>,
      %min3A_14 = arith.minimumf %min3A, %gather3A : vector<16xf32>
      %jit3A = arith.constant 0 : i32
      %jit3A_15 = arith.constant 1 : i32
      %broadcast_in_dim3A = vector.broadcast %jit3A : i32 to vector<16xi32>
      %broadcast_in_dim3A_16 = vector.broadcast %jit3A_15 : i32 to vector<16xi32>
      %select_n3A = arith.select %lt3A_7, %broadcast_in_dim3A, %broadcast_in_dim3A_16 : vector<16xi1>, vector<16xi32>
      %jit3A_17 = arith.constant 2 : i32
      %jit3A_18 = arith.constant 3 : i32
      %broadcast_in_dim3A_19 = vector.broadcast %jit3A_17 : i32 to vector<16xi32>
      %broadcast_in_dim3A_20 = vector.broadcast %jit3A_18 : i32 to vector<16xi32>
      %select_n3A_21 = arith.select %lt3A_7, %broadcast_in_dim3A_19, %broadcast_in_dim3A_20 : vector<16xi1>, vector<16xi32>
      %eq3A_22 = arith.cmpf oeq, %get3A_3, %min3A_14 : vector<16xf32>
      %jit3A_23 = arith.constant 32 : i32
      %broadcast_in_dim3A_24 = vector.broadcast %jit3A_23 : i32 to vector<16xi32>
      %select_n3A_25 = arith.select %eq3A_22, %select_n3A, %broadcast_in_dim3A_24 : vector<16xi1>, vector<16xi32>
      %eq3A_26 = arith.cmpf oeq, %get3A_5, %min3A_14 : vector<16xf32>
      %jit3A_27 = arith.constant 32 : i32
      %broadcast_in_dim3A_28 = vector.broadcast %jit3A_27 : i32 to vector<16xi32>
      %select_n3A_29 = arith.select %eq3A_26, %select_n3A_21, %broadcast_in_dim3A_28 : vector<16xi1>, vector<16xi32>
      %min3A_30 = arith.minsi %select_n3A_25, %select_n3A_29 : vector<16xi32>
      %swap3A_31 = arith.constant 0 : index
      %swap3A_32 = tpu.vector_load %arg7[%swap3A_31] {strides = array<i32>} : memref<16xi32, #tpu.memory_space<vmem>>, vector<16xi32>,
      tpu.vector_store %arg7[%swap3A_31], %min3A_30 {strides = array<i32>} : memref<16xi32, #tpu.memory_space<vmem>>, vector<16xi32>,
      %add3A_33 = arith.constant 8 : i32
      %add3A_34 = vector.broadcast %add3A_33 : i32 to vector<16xi32>
      %add3A_35 = arith.addi %iota3A, %add3A_34 : vector<16xi32>
      %and3A_36 = arith.constant 15 : i32
      %and3A_37 = vector.broadcast %and3A_36 : i32 to vector<16xi32>
      %and3A_38 = arith.andi %add3A_35, %and3A_37 : vector<16xi32>
      %gather3A_39 = tpu.vector_load_idx %arg7[%and3A_38] : memref<16xi32, #tpu.memory_space<vmem>>[vector<16xi32>], vector<16xi32>,
      %min3A_40 = arith.minsi %min3A_30, %gather3A_39 : vector<16xi32>
      %mul3A_41 = arith.constant 8 : i32
      %mul3A_42 = vector.broadcast %mul3A_41 : i32 to vector<16xi32>
      %mul3A_43 = arith.muli %min3A_40, %mul3A_42 : vector<16xi32>
      %and3A_44 = arith.constant 7 : i32
      %and3A_45 = vector.broadcast %and3A_44 : i32 to vector<16xi32>
      %and3A_46 = arith.andi %iota3A, %and3A_45 : vector<16xi32>
      %add3A_47 = arith.addi %mul3A_43, %and3A_46 : vector<16xi32>
      %swap3A_48 = arith.constant 0 : index
      %swap3A_49 = tpu.vector_load %arg7[%swap3A_48] {strides = array<i32>} : memref<16xi32, #tpu.memory_space<vmem>>, vector<16xi32>,
      tpu.vector_store %arg7[%swap3A_48], %add3A_47 {strides = array<i32>} : memref<16xi32, #tpu.memory_space<vmem>>, vector<16xi32>,
      %dma_start3A = arith.constant 0 : i32
      %dma_start3A_50 = arith.constant 0 : i32
      %dma_start3A_51 = tpu.memref_slice %arg3[%dma_start3A, %dma_start3A_50] : memref<32x512xi32, #tpu.memory_space<hbm>> -> memref<32x512xi32, #tpu.memory_space<hbm>>
      tpu.enqueue_indirect_dma source(%dma_start3A_51 : memref<32x512xi32, #tpu.memory_space<hbm>>) target(%arg8 : memref<16x512xi32, #tpu.memory_space<vmem>>) offsets(%arg7 : memref<16xi32, #tpu.memory_space<vmem>>) semaphore(%arg9 : memref<!tpu.dma_semaphore, #tpu.memory_space<semaphore_mem>>)
      %dma_wait3A = arith.constant 0 : i32
      %dma_wait3A_52 = arith.constant 0 : i32
      %dma_wait3A_53 = tpu.memref_slice %arg3[%dma_wait3A, %dma_wait3A_52] : memref<32x512xi32, #tpu.memory_space<hbm>> -> memref<32x512xi32, #tpu.memory_space<hbm>>
      tpu.wait_indirect_dma semaphore(%arg9 : memref<!tpu.dma_semaphore, #tpu.memory_space<semaphore_mem>>) src(%dma_wait3A_53 : memref<32x512xi32, #tpu.memory_space<hbm>>) dst(%arg8 : memref<16x512xi32, #tpu.memory_space<vmem>>)
      "tpu.region"() ({
        %run_scoped3A = tpu.sem_alloc : memref<!tpu.dma_semaphore, #tpu.memory_space<semaphore_mem>>
        %dma_start3A_54 = arith.constant 0 : i32
        %dma_start3A_55 = arith.constant 0 : i32
        %dma_start3A_56 = tpu.memref_slice %arg8[%dma_start3A_54, %dma_start3A_55] : memref<16x512xi32, #tpu.memory_space<vmem>> -> memref<8x512xi32, #tpu.memory_space<vmem>>
        %dma_start3A_57 = arith.constant 0 : i32
        %dma_start3A_58 = arith.constant 0 : i32
        %dma_start3A_59 = tpu.memref_slice %arg8[%dma_start3A_57, %dma_start3A_58] : memref<16x512xi32, #tpu.memory_space<vmem>> -> memref<8x512xi32, #tpu.memory_space<vmem>>
        tpu.enqueue_dma source(%dma_start3A_59 : memref<8x512xi32, #tpu.memory_space<vmem>>) target(%arg4 : memref<8x512xi32, #tpu.memory_space<hbm>>) target_semaphore(%run_scoped3A : memref<!tpu.dma_semaphore, #tpu.memory_space<semaphore_mem>>)
        %dma_wait3A_60 = arith.constant 0 : i32
        %dma_wait3A_61 = arith.constant 0 : i32
        %dma_wait3A_62 = tpu.memref_slice %arg8[%dma_wait3A_60, %dma_wait3A_61] : memref<16x512xi32, #tpu.memory_space<vmem>> -> memref<8x512xi32, #tpu.memory_space<vmem>>
        %dma_wait3A_63 = arith.constant 0 : i32
        %dma_wait3A_64 = arith.constant 0 : i32
        %dma_wait3A_65 = tpu.memref_slice %arg8[%dma_wait3A_63, %dma_wait3A_64] : memref<16x512xi32, #tpu.memory_space<vmem>> -> memref<8x512xi32, #tpu.memory_space<vmem>>
        tpu.wait_dma2 semaphore(%run_scoped3A : memref<!tpu.dma_semaphore, #tpu.memory_space<semaphore_mem>>) src(%dma_wait3A_65 : memref<8x512xi32, #tpu.memory_space<vmem>>) dst(%arg4 : memref<8x512xi32, #tpu.memory_space<hbm>>)
        tpu.yield
      }) : () -> ()
    } else {
    }
    return
  }
}

module attributes {stable_mosaic.version = 14 : i64} {
  func.func @_fps_body(%arg0: memref<3x32x512xf32, #tpu.memory_space<vmem>>, %arg1: memref<32x1xi32, #tpu.memory_space<vmem>>, %arg2: memref<3x32x256xf32, #tpu.memory_space<vmem>>) attributes {dimension_semantics = [], scalar_prefetch = 0 : i64, scratch_operands = 0 : i64, tpu.core_type = #tpu.core_type<tc>} {
    %get3A = arith.constant 0 : index
    %get3A_0 = arith.constant 0 : index
    %get3A_1 = arith.constant 0 : index
    %get3A_2 = vector.load %arg0[%get3A, %get3A_0, %get3A_1] : memref<3x32x512xf32, #tpu.memory_space<vmem>>, vector<1x32x512xf32>
    %get3A_3 = vector.shape_cast %get3A_2 : vector<1x32x512xf32> to vector<32x512xf32>
    %get3A_4 = arith.constant 1 : index
    %get3A_5 = arith.constant 0 : index
    %get3A_6 = arith.constant 0 : index
    %get3A_7 = vector.load %arg0[%get3A_4, %get3A_5, %get3A_6] : memref<3x32x512xf32, #tpu.memory_space<vmem>>, vector<1x32x512xf32>
    %get3A_8 = vector.shape_cast %get3A_7 : vector<1x32x512xf32> to vector<32x512xf32>
    %get3A_9 = arith.constant 2 : index
    %get3A_10 = arith.constant 0 : index
    %get3A_11 = arith.constant 0 : index
    %get3A_12 = vector.load %arg0[%get3A_9, %get3A_10, %get3A_11] : memref<3x32x512xf32, #tpu.memory_space<vmem>>, vector<1x32x512xf32>
    %get3A_13 = vector.shape_cast %get3A_12 : vector<1x32x512xf32> to vector<32x512xf32>
    %concatenate3A = tpu.concatenate %get3A_3, %get3A_8, %get3A_13 in 0 : vector<32x512xf32>, vector<32x512xf32>, vector<32x512xf32> -> vector<96x512xf32>
    %iota3A = tpu.iota {dimensions = array<i32: 1>} : vector<32x512xi32>
    %iota3A_14 = tpu.iota {dimensions = array<i32: 1>} : vector<32x256xi32>
    %get3A_15 = arith.constant 0 : index
    %get3A_16 = arith.constant 0 : index
    %get3A_17 = vector.load %arg1[%get3A_15, %get3A_16] : memref<32x1xi32, #tpu.memory_space<vmem>>, vector<32x1xi32>
    %eq3A = vector.broadcast %get3A_17 : vector<32x1xi32> to vector<32x512xi32>
    %eq3A_18 = arith.cmpi eq, %iota3A, %eq3A : vector<32x512xi32>
    %convert_element_type3A = arith.extui %eq3A_18 : vector<32x512xi1> to vector<32x512xi32>
    %convert_element_type3A_19 = arith.sitofp %convert_element_type3A : vector<32x512xi32> to vector<32x512xf32>
    %concatenate3A_20 = tpu.concatenate %convert_element_type3A_19, %convert_element_type3A_19, %convert_element_type3A_19 in 0 : vector<32x512xf32>, vector<32x512xf32>, vector<32x512xf32> -> vector<96x512xf32>
    %mul3A = arith.mulf %concatenate3A_20, %concatenate3A : vector<96x512xf32>
    %reduce_sum3A = arith.constant dense<0.000000e+00> : vector<96xf32>
    %reduce_sum3A_21 = vector.multi_reduction <add>, %mul3A, %reduce_sum3A [1] : vector<96x512xf32> to vector<96xf32>
    %broadcast_in_dim3A = vector.shape_cast %reduce_sum3A_21 : vector<96xf32> to vector<96x1xf32>
    %slice3A = vector.extract_strided_slice %broadcast_in_dim3A {offsets = [0, 0], sizes = [32, 1], strides = [1, 1]} : vector<96x1xf32> to vector<32x1xf32>
    %slice3A_22 = vector.extract_strided_slice %broadcast_in_dim3A {offsets = [32, 0], sizes = [32, 1], strides = [1, 1]} : vector<96x1xf32> to vector<32x1xf32>
    %slice3A_23 = vector.extract_strided_slice %broadcast_in_dim3A {offsets = [64, 0], sizes = [32, 1], strides = [1, 1]} : vector<96x1xf32> to vector<32x1xf32>
    %sub3A = vector.broadcast %slice3A : vector<32x1xf32> to vector<32x512xf32>
    %sub3A_24 = arith.subf %get3A_3, %sub3A : vector<32x512xf32>
    %sub3A_25 = vector.broadcast %slice3A_22 : vector<32x1xf32> to vector<32x512xf32>
    %sub3A_26 = arith.subf %get3A_8, %sub3A_25 : vector<32x512xf32>
    %sub3A_27 = vector.broadcast %slice3A_23 : vector<32x1xf32> to vector<32x512xf32>
    %sub3A_28 = arith.subf %get3A_13, %sub3A_27 : vector<32x512xf32>
    %mul3A_29 = arith.mulf %sub3A_24, %sub3A_24 : vector<32x512xf32>
    %mul3A_30 = arith.mulf %sub3A_26, %sub3A_26 : vector<32x512xf32>
    %add3A = arith.addf %mul3A_29, %mul3A_30 : vector<32x512xf32>
    %mul3A_31 = arith.mulf %sub3A_28, %sub3A_28 : vector<32x512xf32>
    %add3A_32 = arith.addf %add3A, %mul3A_31 : vector<32x512xf32>
    %max3A = arith.constant 9.99999996E-13 : f32
    %max3A_33 = vector.broadcast %max3A : f32 to vector<32x512xf32>
    %max3A_34 = arith.maximumf %add3A_32, %max3A_33 : vector<32x512xf32>
    %sqrt3A = math.sqrt %max3A_34 : vector<32x512xf32>
    %eq3A_35 = arith.constant 0 : i32
    %eq3A_36 = vector.broadcast %eq3A_35 : i32 to vector<32x256xi32>
    %eq3A_37 = arith.cmpi eq, %iota3A_14, %eq3A_36 : vector<32x256xi32>
    %convert_element_type3A_38 = arith.extui %eq3A_37 : vector<32x256xi1> to vector<32x256xi32>
    %convert_element_type3A_39 = arith.sitofp %convert_element_type3A_38 : vector<32x256xi32> to vector<32x256xf32>
    %mul3A_40 = vector.broadcast %slice3A : vector<32x1xf32> to vector<32x256xf32>
    %mul3A_41 = arith.mulf %mul3A_40, %convert_element_type3A_39 : vector<32x256xf32>
    %mul3A_42 = vector.broadcast %slice3A_22 : vector<32x1xf32> to vector<32x256xf32>
    %mul3A_43 = arith.mulf %mul3A_42, %convert_element_type3A_39 : vector<32x256xf32>
    %mul3A_44 = vector.broadcast %slice3A_23 : vector<32x1xf32> to vector<32x256xf32>
    %mul3A_45 = arith.mulf %mul3A_44, %convert_element_type3A_39 : vector<32x256xf32>
    %scan3A = arith.constant 0 : i32
    %scan3A_46 = arith.constant 51 : i32
    %scan3A_47 = arith.addi %scan3A, %scan3A_46 : i32
    %scan3A_48 = arith.constant 1 : i32
    %scan3A_49:4 = scf.for %scan3A_68 = %scan3A to %scan3A_47 step %scan3A_48 iter_args(%scan3A_69 = %sqrt3A, %scan3A_70 = %mul3A_41, %scan3A_71 = %mul3A_43, %scan3A_72 = %mul3A_45) -> (vector<32x512xf32>, vector<32x256xf32>, vector<32x256xf32>, vector<32x256xf32>)  : i32 {
      %mul3A_73 = arith.constant 5 : i32
      %mul3A_74 = arith.muli %scan3A_68, %mul3A_73 : i32
      %add3A_75 = arith.constant 1 : i32
      %add3A_76 = arith.addi %add3A_75, %mul3A_74 : i32
      %add3A_77 = arith.constant 0 : i32
      %add3A_78 = arith.addi %add3A_76, %add3A_77 : i32
      %reduce_max3A = arith.constant dense<0xFF800000> : vector<32xf32>
      %reduce_max3A_79 = vector.multi_reduction <maximumf>, %scan3A_69, %reduce_max3A [1] : vector<32x512xf32> to vector<32xf32>
      %broadcast_in_dim3A_80 = vector.shape_cast %reduce_max3A_79 : vector<32xf32> to vector<32x1xf32>
      %eq3A_81 = vector.broadcast %broadcast_in_dim3A_80 : vector<32x1xf32> to vector<32x512xf32>
      %eq3A_82 = arith.cmpf oeq, %scan3A_69, %eq3A_81 : vector<32x512xf32>
      %jit3A = arith.constant 512 : i32
      %broadcast_in_dim3A_83 = vector.broadcast %jit3A : i32 to vector<32x512xi32>
      %select_n3A = arith.select %eq3A_82, %iota3A, %broadcast_in_dim3A_83 : vector<32x512xi1>, vector<32x512xi32>
      %reduce_min3A = arith.constant dense<2147483647> : vector<32xi32>
      %reduce_min3A_84 = vector.multi_reduction <minsi>, %select_n3A, %reduce_min3A [1] : vector<32x512xi32> to vector<32xi32>
      %broadcast_in_dim3A_85 = vector.shape_cast %reduce_min3A_84 : vector<32xi32> to vector<32x1xi32>
      %eq3A_86 = vector.broadcast %broadcast_in_dim3A_85 : vector<32x1xi32> to vector<32x512xi32>
      %eq3A_87 = arith.cmpi eq, %iota3A, %eq3A_86 : vector<32x512xi32>
      %convert_element_type3A_88 = arith.extui %eq3A_87 : vector<32x512xi1> to vector<32x512xi32>
      %convert_element_type3A_89 = arith.sitofp %convert_element_type3A_88 : vector<32x512xi32> to vector<32x512xf32>
      %concatenate3A_90 = tpu.concatenate %convert_element_type3A_89, %convert_element_type3A_89, %convert_element_type3A_89 in 0 : vector<32x512xf32>, vector<32x512xf32>, vector<32x512xf32> -> vector<96x512xf32>
      %mul3A_91 = arith.mulf %concatenate3A_90, %concatenate3A : vector<96x512xf32>
      %reduce_sum3A_92 = arith.constant dense<0.000000e+00> : vector<96xf32>
      %reduce_sum3A_93 = vector.multi_reduction <add>, %mul3A_91, %reduce_sum3A_92 [1] : vector<96x512xf32> to vector<96xf32>
      %broadcast_in_dim3A_94 = vector.shape_cast %reduce_sum3A_93 : vector<96xf32> to vector<96x1xf32>
      %slice3A_95 = vector.extract_strided_slice %broadcast_in_dim3A_94 {offsets = [0, 0], sizes = [32, 1], strides = [1, 1]} : vector<96x1xf32> to vector<32x1xf32>
      %slice3A_96 = vector.extract_strided_slice %broadcast_in_dim3A_94 {offsets = [32, 0], sizes = [32, 1], strides = [1, 1]} : vector<96x1xf32> to vector<32x1xf32>
      %slice3A_97 = vector.extract_strided_slice %broadcast_in_dim3A_94 {offsets = [64, 0], sizes = [32, 1], strides = [1, 1]} : vector<96x1xf32> to vector<32x1xf32>
      %eq3A_98 = vector.broadcast %add3A_78 : i32 to vector<32x256xi32>
      %eq3A_99 = arith.cmpi eq, %iota3A_14, %eq3A_98 : vector<32x256xi32>
      %convert_element_type3A_100 = arith.extui %eq3A_99 : vector<32x256xi1> to vector<32x256xi32>
      %convert_element_type3A_101 = arith.sitofp %convert_element_type3A_100 : vector<32x256xi32> to vector<32x256xf32>
      %mul3A_102 = vector.broadcast %slice3A_95 : vector<32x1xf32> to vector<32x256xf32>
      %mul3A_103 = arith.mulf %mul3A_102, %convert_element_type3A_101 : vector<32x256xf32>
      %add3A_104 = arith.addf %scan3A_70, %mul3A_103 : vector<32x256xf32>
      %mul3A_105 = vector.broadcast %slice3A_96 : vector<32x1xf32> to vector<32x256xf32>
      %mul3A_106 = arith.mulf %mul3A_105, %convert_element_type3A_101 : vector<32x256xf32>
      %add3A_107 = arith.addf %scan3A_71, %mul3A_106 : vector<32x256xf32>
      %mul3A_108 = vector.broadcast %slice3A_97 : vector<32x1xf32> to vector<32x256xf32>
      %mul3A_109 = arith.mulf %mul3A_108, %convert_element_type3A_101 : vector<32x256xf32>
      %add3A_110 = arith.addf %scan3A_72, %mul3A_109 : vector<32x256xf32>
      %sub3A_111 = vector.broadcast %slice3A_95 : vector<32x1xf32> to vector<32x512xf32>
      %sub3A_112 = arith.subf %get3A_3, %sub3A_111 : vector<32x512xf32>
      %sub3A_113 = vector.broadcast %slice3A_96 : vector<32x1xf32> to vector<32x512xf32>
      %sub3A_114 = arith.subf %get3A_8, %sub3A_113 : vector<32x512xf32>
      %sub3A_115 = vector.broadcast %slice3A_97 : vector<32x1xf32> to vector<32x512xf32>
      %sub3A_116 = arith.subf %get3A_13, %sub3A_115 : vector<32x512xf32>
      %mul3A_117 = arith.mulf %sub3A_112, %sub3A_112 : vector<32x512xf32>
      %mul3A_118 = arith.mulf %sub3A_114, %sub3A_114 : vector<32x512xf32>
      %add3A_119 = arith.addf %mul3A_117, %mul3A_118 : vector<32x512xf32>
      %mul3A_120 = arith.mulf %sub3A_116, %sub3A_116 : vector<32x512xf32>
      %add3A_121 = arith.addf %add3A_119, %mul3A_120 : vector<32x512xf32>
      %max3A_122 = arith.constant 9.99999996E-13 : f32
      %max3A_123 = vector.broadcast %max3A_122 : f32 to vector<32x512xf32>
      %max3A_124 = arith.maximumf %add3A_121, %max3A_123 : vector<32x512xf32>
      %sqrt3A_125 = math.sqrt %max3A_124 : vector<32x512xf32>
      %min3A = arith.minimumf %scan3A_69, %sqrt3A_125 : vector<32x512xf32>
      %add3A_126 = arith.constant 1 : i32
      %add3A_127 = arith.addi %add3A_76, %add3A_126 : i32
      %reduce_max3A_128 = arith.constant dense<0xFF800000> : vector<32xf32>
      %reduce_max3A_129 = vector.multi_reduction <maximumf>, %min3A, %reduce_max3A_128 [1] : vector<32x512xf32> to vector<32xf32>
      %broadcast_in_dim3A_130 = vector.shape_cast %reduce_max3A_129 : vector<32xf32> to vector<32x1xf32>
      %eq3A_131 = vector.broadcast %broadcast_in_dim3A_130 : vector<32x1xf32> to vector<32x512xf32>
      %eq3A_132 = arith.cmpf oeq, %min3A, %eq3A_131 : vector<32x512xf32>
      %jit3A_133 = arith.constant 512 : i32
      %broadcast_in_dim3A_134 = vector.broadcast %jit3A_133 : i32 to vector<32x512xi32>
      %select_n3A_135 = arith.select %eq3A_132, %iota3A, %broadcast_in_dim3A_134 : vector<32x512xi1>, vector<32x512xi32>
      %reduce_min3A_136 = arith.constant dense<2147483647> : vector<32xi32>
      %reduce_min3A_137 = vector.multi_reduction <minsi>, %select_n3A_135, %reduce_min3A_136 [1] : vector<32x512xi32> to vector<32xi32>
      %broadcast_in_dim3A_138 = vector.shape_cast %reduce_min3A_137 : vector<32xi32> to vector<32x1xi32>
      %eq3A_139 = vector.broadcast %broadcast_in_dim3A_138 : vector<32x1xi32> to vector<32x512xi32>
      %eq3A_140 = arith.cmpi eq, %iota3A, %eq3A_139 : vector<32x512xi32>
      %convert_element_type3A_141 = arith.extui %eq3A_140 : vector<32x512xi1> to vector<32x512xi32>
      %convert_element_type3A_142 = arith.sitofp %convert_element_type3A_141 : vector<32x512xi32> to vector<32x512xf32>
      %concatenate3A_143 = tpu.concatenate %convert_element_type3A_142, %convert_element_type3A_142, %convert_element_type3A_142 in 0 : vector<32x512xf32>, vector<32x512xf32>, vector<32x512xf32> -> vector<96x512xf32>
      %mul3A_144 = arith.mulf %concatenate3A_143, %concatenate3A : vector<96x512xf32>
      %reduce_sum3A_145 = arith.constant dense<0.000000e+00> : vector<96xf32>
      %reduce_sum3A_146 = vector.multi_reduction <add>, %mul3A_144, %reduce_sum3A_145 [1] : vector<96x512xf32> to vector<96xf32>
      %broadcast_in_dim3A_147 = vector.shape_cast %reduce_sum3A_146 : vector<96xf32> to vector<96x1xf32>
      %slice3A_148 = vector.extract_strided_slice %broadcast_in_dim3A_147 {offsets = [0, 0], sizes = [32, 1], strides = [1, 1]} : vector<96x1xf32> to vector<32x1xf32>
      %slice3A_149 = vector.extract_strided_slice %broadcast_in_dim3A_147 {offsets = [32, 0], sizes = [32, 1], strides = [1, 1]} : vector<96x1xf32> to vector<32x1xf32>
      %slice3A_150 = vector.extract_strided_slice %broadcast_in_dim3A_147 {offsets = [64, 0], sizes = [32, 1], strides = [1, 1]} : vector<96x1xf32> to vector<32x1xf32>
      %eq3A_151 = vector.broadcast %add3A_127 : i32 to vector<32x256xi32>
      %eq3A_152 = arith.cmpi eq, %iota3A_14, %eq3A_151 : vector<32x256xi32>
      %convert_element_type3A_153 = arith.extui %eq3A_152 : vector<32x256xi1> to vector<32x256xi32>
      %convert_element_type3A_154 = arith.sitofp %convert_element_type3A_153 : vector<32x256xi32> to vector<32x256xf32>
      %mul3A_155 = vector.broadcast %slice3A_148 : vector<32x1xf32> to vector<32x256xf32>
      %mul3A_156 = arith.mulf %mul3A_155, %convert_element_type3A_154 : vector<32x256xf32>
      %add3A_157 = arith.addf %add3A_104, %mul3A_156 : vector<32x256xf32>
      %mul3A_158 = vector.broadcast %slice3A_149 : vector<32x1xf32> to vector<32x256xf32>
      %mul3A_159 = arith.mulf %mul3A_158, %convert_element_type3A_154 : vector<32x256xf32>
      %add3A_160 = arith.addf %add3A_107, %mul3A_159 : vector<32x256xf32>
      %mul3A_161 = vector.broadcast %slice3A_150 : vector<32x1xf32> to vector<32x256xf32>
      %mul3A_162 = arith.mulf %mul3A_161, %convert_element_type3A_154 : vector<32x256xf32>
      %add3A_163 = arith.addf %add3A_110, %mul3A_162 : vector<32x256xf32>
      %sub3A_164 = vector.broadcast %slice3A_148 : vector<32x1xf32> to vector<32x512xf32>
      %sub3A_165 = arith.subf %get3A_3, %sub3A_164 : vector<32x512xf32>
      %sub3A_166 = vector.broadcast %slice3A_149 : vector<32x1xf32> to vector<32x512xf32>
      %sub3A_167 = arith.subf %get3A_8, %sub3A_166 : vector<32x512xf32>
      %sub3A_168 = vector.broadcast %slice3A_150 : vector<32x1xf32> to vector<32x512xf32>
      %sub3A_169 = arith.subf %get3A_13, %sub3A_168 : vector<32x512xf32>
      %mul3A_170 = arith.mulf %sub3A_165, %sub3A_165 : vector<32x512xf32>
      %mul3A_171 = arith.mulf %sub3A_167, %sub3A_167 : vector<32x512xf32>
      %add3A_172 = arith.addf %mul3A_170, %mul3A_171 : vector<32x512xf32>
      %mul3A_173 = arith.mulf %sub3A_169, %sub3A_169 : vector<32x512xf32>
      %add3A_174 = arith.addf %add3A_172, %mul3A_173 : vector<32x512xf32>
      %max3A_175 = arith.constant 9.99999996E-13 : f32
      %max3A_176 = vector.broadcast %max3A_175 : f32 to vector<32x512xf32>
      %max3A_177 = arith.maximumf %add3A_174, %max3A_176 : vector<32x512xf32>
      %sqrt3A_178 = math.sqrt %max3A_177 : vector<32x512xf32>
      %min3A_179 = arith.minimumf %min3A, %sqrt3A_178 : vector<32x512xf32>
      %add3A_180 = arith.constant 2 : i32
      %add3A_181 = arith.addi %add3A_76, %add3A_180 : i32
      %reduce_max3A_182 = arith.constant dense<0xFF800000> : vector<32xf32>
      %reduce_max3A_183 = vector.multi_reduction <maximumf>, %min3A_179, %reduce_max3A_182 [1] : vector<32x512xf32> to vector<32xf32>
      %broadcast_in_dim3A_184 = vector.shape_cast %reduce_max3A_183 : vector<32xf32> to vector<32x1xf32>
      %eq3A_185 = vector.broadcast %broadcast_in_dim3A_184 : vector<32x1xf32> to vector<32x512xf32>
      %eq3A_186 = arith.cmpf oeq, %min3A_179, %eq3A_185 : vector<32x512xf32>
      %jit3A_187 = arith.constant 512 : i32
      %broadcast_in_dim3A_188 = vector.broadcast %jit3A_187 : i32 to vector<32x512xi32>
      %select_n3A_189 = arith.select %eq3A_186, %iota3A, %broadcast_in_dim3A_188 : vector<32x512xi1>, vector<32x512xi32>
      %reduce_min3A_190 = arith.constant dense<2147483647> : vector<32xi32>
      %reduce_min3A_191 = vector.multi_reduction <minsi>, %select_n3A_189, %reduce_min3A_190 [1] : vector<32x512xi32> to vector<32xi32>
      %broadcast_in_dim3A_192 = vector.shape_cast %reduce_min3A_191 : vector<32xi32> to vector<32x1xi32>
      %eq3A_193 = vector.broadcast %broadcast_in_dim3A_192 : vector<32x1xi32> to vector<32x512xi32>
      %eq3A_194 = arith.cmpi eq, %iota3A, %eq3A_193 : vector<32x512xi32>
      %convert_element_type3A_195 = arith.extui %eq3A_194 : vector<32x512xi1> to vector<32x512xi32>
      %convert_element_type3A_196 = arith.sitofp %convert_element_type3A_195 : vector<32x512xi32> to vector<32x512xf32>
      %concatenate3A_197 = tpu.concatenate %convert_element_type3A_196, %convert_element_type3A_196, %convert_element_type3A_196 in 0 : vector<32x512xf32>, vector<32x512xf32>, vector<32x512xf32> -> vector<96x512xf32>
      %mul3A_198 = arith.mulf %concatenate3A_197, %concatenate3A : vector<96x512xf32>
      %reduce_sum3A_199 = arith.constant dense<0.000000e+00> : vector<96xf32>
      %reduce_sum3A_200 = vector.multi_reduction <add>, %mul3A_198, %reduce_sum3A_199 [1] : vector<96x512xf32> to vector<96xf32>
      %broadcast_in_dim3A_201 = vector.shape_cast %reduce_sum3A_200 : vector<96xf32> to vector<96x1xf32>
      %slice3A_202 = vector.extract_strided_slice %broadcast_in_dim3A_201 {offsets = [0, 0], sizes = [32, 1], strides = [1, 1]} : vector<96x1xf32> to vector<32x1xf32>
      %slice3A_203 = vector.extract_strided_slice %broadcast_in_dim3A_201 {offsets = [32, 0], sizes = [32, 1], strides = [1, 1]} : vector<96x1xf32> to vector<32x1xf32>
      %slice3A_204 = vector.extract_strided_slice %broadcast_in_dim3A_201 {offsets = [64, 0], sizes = [32, 1], strides = [1, 1]} : vector<96x1xf32> to vector<32x1xf32>
      %eq3A_205 = vector.broadcast %add3A_181 : i32 to vector<32x256xi32>
      %eq3A_206 = arith.cmpi eq, %iota3A_14, %eq3A_205 : vector<32x256xi32>
      %convert_element_type3A_207 = arith.extui %eq3A_206 : vector<32x256xi1> to vector<32x256xi32>
      %convert_element_type3A_208 = arith.sitofp %convert_element_type3A_207 : vector<32x256xi32> to vector<32x256xf32>
      %mul3A_209 = vector.broadcast %slice3A_202 : vector<32x1xf32> to vector<32x256xf32>
      %mul3A_210 = arith.mulf %mul3A_209, %convert_element_type3A_208 : vector<32x256xf32>
      %add3A_211 = arith.addf %add3A_157, %mul3A_210 : vector<32x256xf32>
      %mul3A_212 = vector.broadcast %slice3A_203 : vector<32x1xf32> to vector<32x256xf32>
      %mul3A_213 = arith.mulf %mul3A_212, %convert_element_type3A_208 : vector<32x256xf32>
      %add3A_214 = arith.addf %add3A_160, %mul3A_213 : vector<32x256xf32>
      %mul3A_215 = vector.broadcast %slice3A_204 : vector<32x1xf32> to vector<32x256xf32>
      %mul3A_216 = arith.mulf %mul3A_215, %convert_element_type3A_208 : vector<32x256xf32>
      %add3A_217 = arith.addf %add3A_163, %mul3A_216 : vector<32x256xf32>
      %sub3A_218 = vector.broadcast %slice3A_202 : vector<32x1xf32> to vector<32x512xf32>
      %sub3A_219 = arith.subf %get3A_3, %sub3A_218 : vector<32x512xf32>
      %sub3A_220 = vector.broadcast %slice3A_203 : vector<32x1xf32> to vector<32x512xf32>
      %sub3A_221 = arith.subf %get3A_8, %sub3A_220 : vector<32x512xf32>
      %sub3A_222 = vector.broadcast %slice3A_204 : vector<32x1xf32> to vector<32x512xf32>
      %sub3A_223 = arith.subf %get3A_13, %sub3A_222 : vector<32x512xf32>
      %mul3A_224 = arith.mulf %sub3A_219, %sub3A_219 : vector<32x512xf32>
      %mul3A_225 = arith.mulf %sub3A_221, %sub3A_221 : vector<32x512xf32>
      %add3A_226 = arith.addf %mul3A_224, %mul3A_225 : vector<32x512xf32>
      %mul3A_227 = arith.mulf %sub3A_223, %sub3A_223 : vector<32x512xf32>
      %add3A_228 = arith.addf %add3A_226, %mul3A_227 : vector<32x512xf32>
      %max3A_229 = arith.constant 9.99999996E-13 : f32
      %max3A_230 = vector.broadcast %max3A_229 : f32 to vector<32x512xf32>
      %max3A_231 = arith.maximumf %add3A_228, %max3A_230 : vector<32x512xf32>
      %sqrt3A_232 = math.sqrt %max3A_231 : vector<32x512xf32>
      %min3A_233 = arith.minimumf %min3A_179, %sqrt3A_232 : vector<32x512xf32>
      %add3A_234 = arith.constant 3 : i32
      %add3A_235 = arith.addi %add3A_76, %add3A_234 : i32
      %reduce_max3A_236 = arith.constant dense<0xFF800000> : vector<32xf32>
      %reduce_max3A_237 = vector.multi_reduction <maximumf>, %min3A_233, %reduce_max3A_236 [1] : vector<32x512xf32> to vector<32xf32>
      %broadcast_in_dim3A_238 = vector.shape_cast %reduce_max3A_237 : vector<32xf32> to vector<32x1xf32>
      %eq3A_239 = vector.broadcast %broadcast_in_dim3A_238 : vector<32x1xf32> to vector<32x512xf32>
      %eq3A_240 = arith.cmpf oeq, %min3A_233, %eq3A_239 : vector<32x512xf32>
      %jit3A_241 = arith.constant 512 : i32
      %broadcast_in_dim3A_242 = vector.broadcast %jit3A_241 : i32 to vector<32x512xi32>
      %select_n3A_243 = arith.select %eq3A_240, %iota3A, %broadcast_in_dim3A_242 : vector<32x512xi1>, vector<32x512xi32>
      %reduce_min3A_244 = arith.constant dense<2147483647> : vector<32xi32>
      %reduce_min3A_245 = vector.multi_reduction <minsi>, %select_n3A_243, %reduce_min3A_244 [1] : vector<32x512xi32> to vector<32xi32>
      %broadcast_in_dim3A_246 = vector.shape_cast %reduce_min3A_245 : vector<32xi32> to vector<32x1xi32>
      %eq3A_247 = vector.broadcast %broadcast_in_dim3A_246 : vector<32x1xi32> to vector<32x512xi32>
      %eq3A_248 = arith.cmpi eq, %iota3A, %eq3A_247 : vector<32x512xi32>
      %convert_element_type3A_249 = arith.extui %eq3A_248 : vector<32x512xi1> to vector<32x512xi32>
      %convert_element_type3A_250 = arith.sitofp %convert_element_type3A_249 : vector<32x512xi32> to vector<32x512xf32>
      %concatenate3A_251 = tpu.concatenate %convert_element_type3A_250, %convert_element_type3A_250, %convert_element_type3A_250 in 0 : vector<32x512xf32>, vector<32x512xf32>, vector<32x512xf32> -> vector<96x512xf32>
      %mul3A_252 = arith.mulf %concatenate3A_251, %concatenate3A : vector<96x512xf32>
      %reduce_sum3A_253 = arith.constant dense<0.000000e+00> : vector<96xf32>
      %reduce_sum3A_254 = vector.multi_reduction <add>, %mul3A_252, %reduce_sum3A_253 [1] : vector<96x512xf32> to vector<96xf32>
      %broadcast_in_dim3A_255 = vector.shape_cast %reduce_sum3A_254 : vector<96xf32> to vector<96x1xf32>
      %slice3A_256 = vector.extract_strided_slice %broadcast_in_dim3A_255 {offsets = [0, 0], sizes = [32, 1], strides = [1, 1]} : vector<96x1xf32> to vector<32x1xf32>
      %slice3A_257 = vector.extract_strided_slice %broadcast_in_dim3A_255 {offsets = [32, 0], sizes = [32, 1], strides = [1, 1]} : vector<96x1xf32> to vector<32x1xf32>
      %slice3A_258 = vector.extract_strided_slice %broadcast_in_dim3A_255 {offsets = [64, 0], sizes = [32, 1], strides = [1, 1]} : vector<96x1xf32> to vector<32x1xf32>
      %eq3A_259 = vector.broadcast %add3A_235 : i32 to vector<32x256xi32>
      %eq3A_260 = arith.cmpi eq, %iota3A_14, %eq3A_259 : vector<32x256xi32>
      %convert_element_type3A_261 = arith.extui %eq3A_260 : vector<32x256xi1> to vector<32x256xi32>
      %convert_element_type3A_262 = arith.sitofp %convert_element_type3A_261 : vector<32x256xi32> to vector<32x256xf32>
      %mul3A_263 = vector.broadcast %slice3A_256 : vector<32x1xf32> to vector<32x256xf32>
      %mul3A_264 = arith.mulf %mul3A_263, %convert_element_type3A_262 : vector<32x256xf32>
      %add3A_265 = arith.addf %add3A_211, %mul3A_264 : vector<32x256xf32>
      %mul3A_266 = vector.broadcast %slice3A_257 : vector<32x1xf32> to vector<32x256xf32>
      %mul3A_267 = arith.mulf %mul3A_266, %convert_element_type3A_262 : vector<32x256xf32>
      %add3A_268 = arith.addf %add3A_214, %mul3A_267 : vector<32x256xf32>
      %mul3A_269 = vector.broadcast %slice3A_258 : vector<32x1xf32> to vector<32x256xf32>
      %mul3A_270 = arith.mulf %mul3A_269, %convert_element_type3A_262 : vector<32x256xf32>
      %add3A_271 = arith.addf %add3A_217, %mul3A_270 : vector<32x256xf32>
      %sub3A_272 = vector.broadcast %slice3A_256 : vector<32x1xf32> to vector<32x512xf32>
      %sub3A_273 = arith.subf %get3A_3, %sub3A_272 : vector<32x512xf32>
      %sub3A_274 = vector.broadcast %slice3A_257 : vector<32x1xf32> to vector<32x512xf32>
      %sub3A_275 = arith.subf %get3A_8, %sub3A_274 : vector<32x512xf32>
      %sub3A_276 = vector.broadcast %slice3A_258 : vector<32x1xf32> to vector<32x512xf32>
      %sub3A_277 = arith.subf %get3A_13, %sub3A_276 : vector<32x512xf32>
      %mul3A_278 = arith.mulf %sub3A_273, %sub3A_273 : vector<32x512xf32>
      %mul3A_279 = arith.mulf %sub3A_275, %sub3A_275 : vector<32x512xf32>
      %add3A_280 = arith.addf %mul3A_278, %mul3A_279 : vector<32x512xf32>
      %mul3A_281 = arith.mulf %sub3A_277, %sub3A_277 : vector<32x512xf32>
      %add3A_282 = arith.addf %add3A_280, %mul3A_281 : vector<32x512xf32>
      %max3A_283 = arith.constant 9.99999996E-13 : f32
      %max3A_284 = vector.broadcast %max3A_283 : f32 to vector<32x512xf32>
      %max3A_285 = arith.maximumf %add3A_282, %max3A_284 : vector<32x512xf32>
      %sqrt3A_286 = math.sqrt %max3A_285 : vector<32x512xf32>
      %min3A_287 = arith.minimumf %min3A_233, %sqrt3A_286 : vector<32x512xf32>
      %add3A_288 = arith.constant 4 : i32
      %add3A_289 = arith.addi %add3A_76, %add3A_288 : i32
      %reduce_max3A_290 = arith.constant dense<0xFF800000> : vector<32xf32>
      %reduce_max3A_291 = vector.multi_reduction <maximumf>, %min3A_287, %reduce_max3A_290 [1] : vector<32x512xf32> to vector<32xf32>
      %broadcast_in_dim3A_292 = vector.shape_cast %reduce_max3A_291 : vector<32xf32> to vector<32x1xf32>
      %eq3A_293 = vector.broadcast %broadcast_in_dim3A_292 : vector<32x1xf32> to vector<32x512xf32>
      %eq3A_294 = arith.cmpf oeq, %min3A_287, %eq3A_293 : vector<32x512xf32>
      %jit3A_295 = arith.constant 512 : i32
      %broadcast_in_dim3A_296 = vector.broadcast %jit3A_295 : i32 to vector<32x512xi32>
      %select_n3A_297 = arith.select %eq3A_294, %iota3A, %broadcast_in_dim3A_296 : vector<32x512xi1>, vector<32x512xi32>
      %reduce_min3A_298 = arith.constant dense<2147483647> : vector<32xi32>
      %reduce_min3A_299 = vector.multi_reduction <minsi>, %select_n3A_297, %reduce_min3A_298 [1] : vector<32x512xi32> to vector<32xi32>
      %broadcast_in_dim3A_300 = vector.shape_cast %reduce_min3A_299 : vector<32xi32> to vector<32x1xi32>
      %eq3A_301 = vector.broadcast %broadcast_in_dim3A_300 : vector<32x1xi32> to vector<32x512xi32>
      %eq3A_302 = arith.cmpi eq, %iota3A, %eq3A_301 : vector<32x512xi32>
      %convert_element_type3A_303 = arith.extui %eq3A_302 : vector<32x512xi1> to vector<32x512xi32>
      %convert_element_type3A_304 = arith.sitofp %convert_element_type3A_303 : vector<32x512xi32> to vector<32x512xf32>
      %concatenate3A_305 = tpu.concatenate %convert_element_type3A_304, %convert_element_type3A_304, %convert_element_type3A_304 in 0 : vector<32x512xf32>, vector<32x512xf32>, vector<32x512xf32> -> vector<96x512xf32>
      %mul3A_306 = arith.mulf %concatenate3A_305, %concatenate3A : vector<96x512xf32>
      %reduce_sum3A_307 = arith.constant dense<0.000000e+00> : vector<96xf32>
      %reduce_sum3A_308 = vector.multi_reduction <add>, %mul3A_306, %reduce_sum3A_307 [1] : vector<96x512xf32> to vector<96xf32>
      %broadcast_in_dim3A_309 = vector.shape_cast %reduce_sum3A_308 : vector<96xf32> to vector<96x1xf32>
      %slice3A_310 = vector.extract_strided_slice %broadcast_in_dim3A_309 {offsets = [0, 0], sizes = [32, 1], strides = [1, 1]} : vector<96x1xf32> to vector<32x1xf32>
      %slice3A_311 = vector.extract_strided_slice %broadcast_in_dim3A_309 {offsets = [32, 0], sizes = [32, 1], strides = [1, 1]} : vector<96x1xf32> to vector<32x1xf32>
      %slice3A_312 = vector.extract_strided_slice %broadcast_in_dim3A_309 {offsets = [64, 0], sizes = [32, 1], strides = [1, 1]} : vector<96x1xf32> to vector<32x1xf32>
      %eq3A_313 = vector.broadcast %add3A_289 : i32 to vector<32x256xi32>
      %eq3A_314 = arith.cmpi eq, %iota3A_14, %eq3A_313 : vector<32x256xi32>
      %convert_element_type3A_315 = arith.extui %eq3A_314 : vector<32x256xi1> to vector<32x256xi32>
      %convert_element_type3A_316 = arith.sitofp %convert_element_type3A_315 : vector<32x256xi32> to vector<32x256xf32>
      %mul3A_317 = vector.broadcast %slice3A_310 : vector<32x1xf32> to vector<32x256xf32>
      %mul3A_318 = arith.mulf %mul3A_317, %convert_element_type3A_316 : vector<32x256xf32>
      %add3A_319 = arith.addf %add3A_265, %mul3A_318 : vector<32x256xf32>
      %mul3A_320 = vector.broadcast %slice3A_311 : vector<32x1xf32> to vector<32x256xf32>
      %mul3A_321 = arith.mulf %mul3A_320, %convert_element_type3A_316 : vector<32x256xf32>
      %add3A_322 = arith.addf %add3A_268, %mul3A_321 : vector<32x256xf32>
      %mul3A_323 = vector.broadcast %slice3A_312 : vector<32x1xf32> to vector<32x256xf32>
      %mul3A_324 = arith.mulf %mul3A_323, %convert_element_type3A_316 : vector<32x256xf32>
      %add3A_325 = arith.addf %add3A_271, %mul3A_324 : vector<32x256xf32>
      %sub3A_326 = vector.broadcast %slice3A_310 : vector<32x1xf32> to vector<32x512xf32>
      %sub3A_327 = arith.subf %get3A_3, %sub3A_326 : vector<32x512xf32>
      %sub3A_328 = vector.broadcast %slice3A_311 : vector<32x1xf32> to vector<32x512xf32>
      %sub3A_329 = arith.subf %get3A_8, %sub3A_328 : vector<32x512xf32>
      %sub3A_330 = vector.broadcast %slice3A_312 : vector<32x1xf32> to vector<32x512xf32>
      %sub3A_331 = arith.subf %get3A_13, %sub3A_330 : vector<32x512xf32>
      %mul3A_332 = arith.mulf %sub3A_327, %sub3A_327 : vector<32x512xf32>
      %mul3A_333 = arith.mulf %sub3A_329, %sub3A_329 : vector<32x512xf32>
      %add3A_334 = arith.addf %mul3A_332, %mul3A_333 : vector<32x512xf32>
      %mul3A_335 = arith.mulf %sub3A_331, %sub3A_331 : vector<32x512xf32>
      %add3A_336 = arith.addf %add3A_334, %mul3A_335 : vector<32x512xf32>
      %max3A_337 = arith.constant 9.99999996E-13 : f32
      %max3A_338 = vector.broadcast %max3A_337 : f32 to vector<32x512xf32>
      %max3A_339 = arith.maximumf %add3A_336, %max3A_338 : vector<32x512xf32>
      %sqrt3A_340 = math.sqrt %max3A_339 : vector<32x512xf32>
      %min3A_341 = arith.minimumf %min3A_287, %sqrt3A_340 : vector<32x512xf32>
      scf.yield %min3A_341, %add3A_319, %add3A_322, %add3A_325 : vector<32x512xf32>, vector<32x256xf32>, vector<32x256xf32>, vector<32x256xf32>
    }
    %scan3A_50 = arith.constant 51 : i32
    %swap3A = arith.constant 0 : index
    %swap3A_51 = arith.constant 0 : index
    %swap3A_52 = arith.constant 0 : index
    %swap3A_53 = vector.load %arg2[%swap3A, %swap3A_51, %swap3A_52] : memref<3x32x256xf32, #tpu.memory_space<vmem>>, vector<1x32x256xf32>
    %swap3A_54 = vector.shape_cast %swap3A_53 : vector<1x32x256xf32> to vector<32x256xf32>
    %swap3A_55 = vector.shape_cast %scan3A_49#1 : vector<32x256xf32> to vector<1x32x256xf32>
    tpu.vector_store %arg2[%swap3A, %swap3A_51, %swap3A_52], %swap3A_55 {strides = array<i32>} : memref<3x32x256xf32, #tpu.memory_space<vmem>>, vector<1x32x256xf32>,
    %swap3A_56 = arith.constant 1 : index
    %swap3A_57 = arith.constant 0 : index
    %swap3A_58 = arith.constant 0 : index
    %swap3A_59 = vector.load %arg2[%swap3A_56, %swap3A_57, %swap3A_58] : memref<3x32x256xf32, #tpu.memory_space<vmem>>, vector<1x32x256xf32>
    %swap3A_60 = vector.shape_cast %swap3A_59 : vector<1x32x256xf32> to vector<32x256xf32>
    %swap3A_61 = vector.shape_cast %scan3A_49#2 : vector<32x256xf32> to vector<1x32x256xf32>
    tpu.vector_store %arg2[%swap3A_56, %swap3A_57, %swap3A_58], %swap3A_61 {strides = array<i32>} : memref<3x32x256xf32, #tpu.memory_space<vmem>>, vector<1x32x256xf32>,
    %swap3A_62 = arith.constant 2 : index
    %swap3A_63 = arith.constant 0 : index
    %swap3A_64 = arith.constant 0 : index
    %swap3A_65 = vector.load %arg2[%swap3A_62, %swap3A_63, %swap3A_64] : memref<3x32x256xf32, #tpu.memory_space<vmem>>, vector<1x32x256xf32>
    %swap3A_66 = vector.shape_cast %swap3A_65 : vector<1x32x256xf32> to vector<32x256xf32>
    %swap3A_67 = vector.shape_cast %scan3A_49#3 : vector<32x256xf32> to vector<1x32x256xf32>
    tpu.vector_store %arg2[%swap3A_62, %swap3A_63, %swap3A_64], %swap3A_67 {strides = array<i32>} : memref<3x32x256xf32, #tpu.memory_space<vmem>>, vector<1x32x256xf32>,
    return
  }
}

module attributes {stable_mosaic.version = 14 : i64} {
  func.func @_km_body(%arg0: i32, %arg1: memref<8x512x4xf32, #tpu.memory_space<vmem>>, %arg2: memref<8x3x512xf32, #tpu.memory_space<vmem>>, %arg3: memref<8x256x3xf32, #tpu.memory_space<vmem>>, %arg4: memref<8x1x512xi32, #tpu.memory_space<vmem>>, %arg5: memref<8x1x128xf32, #tpu.memory_space<vmem>>) attributes {dimension_semantics = [#tpu.dimension_semantics<arbitrary>], iteration_bounds = array<i64: 4>, scalar_prefetch = 0 : i64, scratch_operands = 0 : i64, tpu.core_type = #tpu.core_type<tc>, window_params = [{transform_indices = @transform_0, window_bounds = array<i64: 8, 512, 4>}, {transform_indices = @transform_1, window_bounds = array<i64: 8, 3, 512>}, {transform_indices = @transform_2, window_bounds = array<i64: 8, 256, 3>}, {transform_indices = @transform_3, window_bounds = array<i64: 8, 1, 512>}, {transform_indices = @transform_4, window_bounds = array<i64: 8, 1, 128>}]} {
    %iota3A = tpu.iota {dimensions = array<i32: 0>} : vector<256x512xi32>
    %get3A = arith.constant 0 : index
    %get3A_0 = arith.constant 0 : index
    %get3A_1 = arith.constant 0 : index
    %get3A_2 = vector.load %arg1[%get3A, %get3A_0, %get3A_1] : memref<8x512x4xf32, #tpu.memory_space<vmem>>, vector<1x512x4xf32>
    %get3A_3 = vector.shape_cast %get3A_2 : vector<1x512x4xf32> to vector<512x4xf32>
    %get3A_4 = arith.constant 0 : index
    %get3A_5 = arith.constant 0 : index
    %get3A_6 = arith.constant 0 : index
    %get3A_7 = vector.load %arg2[%get3A_4, %get3A_5, %get3A_6] : memref<8x3x512xf32, #tpu.memory_space<vmem>>, vector<1x3x512xf32>
    %get3A_8 = vector.shape_cast %get3A_7 : vector<1x3x512xf32> to vector<3x512xf32>
    %slice3A = vector.extract_strided_slice %get3A_8 {offsets = [0, 0], sizes = [1, 512], strides = [1, 1]} : vector<3x512xf32> to vector<1x512xf32>
    %squeeze3A = vector.shape_cast %slice3A : vector<1x512xf32> to vector<512xf32>
    %slice3A_9 = vector.extract_strided_slice %get3A_8 {offsets = [1, 0], sizes = [1, 512], strides = [1, 1]} : vector<3x512xf32> to vector<1x512xf32>
    %squeeze3A_10 = vector.shape_cast %slice3A_9 : vector<1x512xf32> to vector<512xf32>
    %slice3A_11 = vector.extract_strided_slice %get3A_8 {offsets = [2, 0], sizes = [1, 512], strides = [1, 1]} : vector<3x512xf32> to vector<1x512xf32>
    %squeeze3A_12 = vector.shape_cast %slice3A_11 : vector<1x512xf32> to vector<512xf32>
    %mul3A = arith.mulf %squeeze3A, %squeeze3A : vector<512xf32>
    %mul3A_13 = arith.mulf %squeeze3A_10, %squeeze3A_10 : vector<512xf32>
    %add3A = arith.addf %mul3A, %mul3A_13 : vector<512xf32>
    %mul3A_14 = arith.mulf %squeeze3A_12, %squeeze3A_12 : vector<512xf32>
    %add3A_15 = arith.addf %add3A, %mul3A_14 : vector<512xf32>
    %broadcast_in_dim3A = vector.shape_cast %add3A_15 : vector<512xf32> to vector<1x512xf32>
    %get3A_16 = arith.constant 1 : index
    %get3A_17 = arith.constant 0 : index
    %get3A_18 = arith.constant 0 : index
    %get3A_19 = vector.load %arg1[%get3A_16, %get3A_17, %get3A_18] : memref<8x512x4xf32, #tpu.memory_space<vmem>>, vector<1x512x4xf32>
    %get3A_20 = vector.shape_cast %get3A_19 : vector<1x512x4xf32> to vector<512x4xf32>
    %get3A_21 = arith.constant 1 : index
    %get3A_22 = arith.constant 0 : index
    %get3A_23 = arith.constant 0 : index
    %get3A_24 = vector.load %arg2[%get3A_21, %get3A_22, %get3A_23] : memref<8x3x512xf32, #tpu.memory_space<vmem>>, vector<1x3x512xf32>
    %get3A_25 = vector.shape_cast %get3A_24 : vector<1x3x512xf32> to vector<3x512xf32>
    %slice3A_26 = vector.extract_strided_slice %get3A_25 {offsets = [0, 0], sizes = [1, 512], strides = [1, 1]} : vector<3x512xf32> to vector<1x512xf32>
    %squeeze3A_27 = vector.shape_cast %slice3A_26 : vector<1x512xf32> to vector<512xf32>
    %slice3A_28 = vector.extract_strided_slice %get3A_25 {offsets = [1, 0], sizes = [1, 512], strides = [1, 1]} : vector<3x512xf32> to vector<1x512xf32>
    %squeeze3A_29 = vector.shape_cast %slice3A_28 : vector<1x512xf32> to vector<512xf32>
    %slice3A_30 = vector.extract_strided_slice %get3A_25 {offsets = [2, 0], sizes = [1, 512], strides = [1, 1]} : vector<3x512xf32> to vector<1x512xf32>
    %squeeze3A_31 = vector.shape_cast %slice3A_30 : vector<1x512xf32> to vector<512xf32>
    %mul3A_32 = arith.mulf %squeeze3A_27, %squeeze3A_27 : vector<512xf32>
    %mul3A_33 = arith.mulf %squeeze3A_29, %squeeze3A_29 : vector<512xf32>
    %add3A_34 = arith.addf %mul3A_32, %mul3A_33 : vector<512xf32>
    %mul3A_35 = arith.mulf %squeeze3A_31, %squeeze3A_31 : vector<512xf32>
    %add3A_36 = arith.addf %add3A_34, %mul3A_35 : vector<512xf32>
    %broadcast_in_dim3A_37 = vector.shape_cast %add3A_36 : vector<512xf32> to vector<1x512xf32>
    %get3A_38 = arith.constant 2 : index
    %get3A_39 = arith.constant 0 : index
    %get3A_40 = arith.constant 0 : index
    %get3A_41 = vector.load %arg1[%get3A_38, %get3A_39, %get3A_40] : memref<8x512x4xf32, #tpu.memory_space<vmem>>, vector<1x512x4xf32>
    %get3A_42 = vector.shape_cast %get3A_41 : vector<1x512x4xf32> to vector<512x4xf32>
    %get3A_43 = arith.constant 2 : index
    %get3A_44 = arith.constant 0 : index
    %get3A_45 = arith.constant 0 : index
    %get3A_46 = vector.load %arg2[%get3A_43, %get3A_44, %get3A_45] : memref<8x3x512xf32, #tpu.memory_space<vmem>>, vector<1x3x512xf32>
    %get3A_47 = vector.shape_cast %get3A_46 : vector<1x3x512xf32> to vector<3x512xf32>
    %slice3A_48 = vector.extract_strided_slice %get3A_47 {offsets = [0, 0], sizes = [1, 512], strides = [1, 1]} : vector<3x512xf32> to vector<1x512xf32>
    %squeeze3A_49 = vector.shape_cast %slice3A_48 : vector<1x512xf32> to vector<512xf32>
    %slice3A_50 = vector.extract_strided_slice %get3A_47 {offsets = [1, 0], sizes = [1, 512], strides = [1, 1]} : vector<3x512xf32> to vector<1x512xf32>
    %squeeze3A_51 = vector.shape_cast %slice3A_50 : vector<1x512xf32> to vector<512xf32>
    %slice3A_52 = vector.extract_strided_slice %get3A_47 {offsets = [2, 0], sizes = [1, 512], strides = [1, 1]} : vector<3x512xf32> to vector<1x512xf32>
    %squeeze3A_53 = vector.shape_cast %slice3A_52 : vector<1x512xf32> to vector<512xf32>
    %mul3A_54 = arith.mulf %squeeze3A_49, %squeeze3A_49 : vector<512xf32>
    %mul3A_55 = arith.mulf %squeeze3A_51, %squeeze3A_51 : vector<512xf32>
    %add3A_56 = arith.addf %mul3A_54, %mul3A_55 : vector<512xf32>
    %mul3A_57 = arith.mulf %squeeze3A_53, %squeeze3A_53 : vector<512xf32>
    %add3A_58 = arith.addf %add3A_56, %mul3A_57 : vector<512xf32>
    %broadcast_in_dim3A_59 = vector.shape_cast %add3A_58 : vector<512xf32> to vector<1x512xf32>
    %get3A_60 = arith.constant 3 : index
    %get3A_61 = arith.constant 0 : index
    %get3A_62 = arith.constant 0 : index
    %get3A_63 = vector.load %arg1[%get3A_60, %get3A_61, %get3A_62] : memref<8x512x4xf32, #tpu.memory_space<vmem>>, vector<1x512x4xf32>
    %get3A_64 = vector.shape_cast %get3A_63 : vector<1x512x4xf32> to vector<512x4xf32>
    %get3A_65 = arith.constant 3 : index
    %get3A_66 = arith.constant 0 : index
    %get3A_67 = arith.constant 0 : index
    %get3A_68 = vector.load %arg2[%get3A_65, %get3A_66, %get3A_67] : memref<8x3x512xf32, #tpu.memory_space<vmem>>, vector<1x3x512xf32>
    %get3A_69 = vector.shape_cast %get3A_68 : vector<1x3x512xf32> to vector<3x512xf32>
    %slice3A_70 = vector.extract_strided_slice %get3A_69 {offsets = [0, 0], sizes = [1, 512], strides = [1, 1]} : vector<3x512xf32> to vector<1x512xf32>
    %squeeze3A_71 = vector.shape_cast %slice3A_70 : vector<1x512xf32> to vector<512xf32>
    %slice3A_72 = vector.extract_strided_slice %get3A_69 {offsets = [1, 0], sizes = [1, 512], strides = [1, 1]} : vector<3x512xf32> to vector<1x512xf32>
    %squeeze3A_73 = vector.shape_cast %slice3A_72 : vector<1x512xf32> to vector<512xf32>
    %slice3A_74 = vector.extract_strided_slice %get3A_69 {offsets = [2, 0], sizes = [1, 512], strides = [1, 1]} : vector<3x512xf32> to vector<1x512xf32>
    %squeeze3A_75 = vector.shape_cast %slice3A_74 : vector<1x512xf32> to vector<512xf32>
    %mul3A_76 = arith.mulf %squeeze3A_71, %squeeze3A_71 : vector<512xf32>
    %mul3A_77 = arith.mulf %squeeze3A_73, %squeeze3A_73 : vector<512xf32>
    %add3A_78 = arith.addf %mul3A_76, %mul3A_77 : vector<512xf32>
    %mul3A_79 = arith.mulf %squeeze3A_75, %squeeze3A_75 : vector<512xf32>
    %add3A_80 = arith.addf %add3A_78, %mul3A_79 : vector<512xf32>
    %broadcast_in_dim3A_81 = vector.shape_cast %add3A_80 : vector<512xf32> to vector<1x512xf32>
    %get3A_82 = arith.constant 4 : index
    %get3A_83 = arith.constant 0 : index
    %get3A_84 = arith.constant 0 : index
    %get3A_85 = vector.load %arg1[%get3A_82, %get3A_83, %get3A_84] : memref<8x512x4xf32, #tpu.memory_space<vmem>>, vector<1x512x4xf32>
    %get3A_86 = vector.shape_cast %get3A_85 : vector<1x512x4xf32> to vector<512x4xf32>
    %get3A_87 = arith.constant 4 : index
    %get3A_88 = arith.constant 0 : index
    %get3A_89 = arith.constant 0 : index
    %get3A_90 = vector.load %arg2[%get3A_87, %get3A_88, %get3A_89] : memref<8x3x512xf32, #tpu.memory_space<vmem>>, vector<1x3x512xf32>
    %get3A_91 = vector.shape_cast %get3A_90 : vector<1x3x512xf32> to vector<3x512xf32>
    %slice3A_92 = vector.extract_strided_slice %get3A_91 {offsets = [0, 0], sizes = [1, 512], strides = [1, 1]} : vector<3x512xf32> to vector<1x512xf32>
    %squeeze3A_93 = vector.shape_cast %slice3A_92 : vector<1x512xf32> to vector<512xf32>
    %slice3A_94 = vector.extract_strided_slice %get3A_91 {offsets = [1, 0], sizes = [1, 512], strides = [1, 1]} : vector<3x512xf32> to vector<1x512xf32>
    %squeeze3A_95 = vector.shape_cast %slice3A_94 : vector<1x512xf32> to vector<512xf32>
    %slice3A_96 = vector.extract_strided_slice %get3A_91 {offsets = [2, 0], sizes = [1, 512], strides = [1, 1]} : vector<3x512xf32> to vector<1x512xf32>
    %squeeze3A_97 = vector.shape_cast %slice3A_96 : vector<1x512xf32> to vector<512xf32>
    %mul3A_98 = arith.mulf %squeeze3A_93, %squeeze3A_93 : vector<512xf32>
    %mul3A_99 = arith.mulf %squeeze3A_95, %squeeze3A_95 : vector<512xf32>
    %add3A_100 = arith.addf %mul3A_98, %mul3A_99 : vector<512xf32>
    %mul3A_101 = arith.mulf %squeeze3A_97, %squeeze3A_97 : vector<512xf32>
    %add3A_102 = arith.addf %add3A_100, %mul3A_101 : vector<512xf32>
    %broadcast_in_dim3A_103 = vector.shape_cast %add3A_102 : vector<512xf32> to vector<1x512xf32>
    %get3A_104 = arith.constant 5 : index
    %get3A_105 = arith.constant 0 : index
    %get3A_106 = arith.constant 0 : index
    %get3A_107 = vector.load %arg1[%get3A_104, %get3A_105, %get3A_106] : memref<8x512x4xf32, #tpu.memory_space<vmem>>, vector<1x512x4xf32>
    %get3A_108 = vector.shape_cast %get3A_107 : vector<1x512x4xf32> to vector<512x4xf32>
    %get3A_109 = arith.constant 5 : index
    %get3A_110 = arith.constant 0 : index
    %get3A_111 = arith.constant 0 : index
    %get3A_112 = vector.load %arg2[%get3A_109, %get3A_110, %get3A_111] : memref<8x3x512xf32, #tpu.memory_space<vmem>>, vector<1x3x512xf32>
    %get3A_113 = vector.shape_cast %get3A_112 : vector<1x3x512xf32> to vector<3x512xf32>
    %slice3A_114 = vector.extract_strided_slice %get3A_113 {offsets = [0, 0], sizes = [1, 512], strides = [1, 1]} : vector<3x512xf32> to vector<1x512xf32>
    %squeeze3A_115 = vector.shape_cast %slice3A_114 : vector<1x512xf32> to vector<512xf32>
    %slice3A_116 = vector.extract_strided_slice %get3A_113 {offsets = [1, 0], sizes = [1, 512], strides = [1, 1]} : vector<3x512xf32> to vector<1x512xf32>
    %squeeze3A_117 = vector.shape_cast %slice3A_116 : vector<1x512xf32> to vector<512xf32>
    %slice3A_118 = vector.extract_strided_slice %get3A_113 {offsets = [2, 0], sizes = [1, 512], strides = [1, 1]} : vector<3x512xf32> to vector<1x512xf32>
    %squeeze3A_119 = vector.shape_cast %slice3A_118 : vector<1x512xf32> to vector<512xf32>
    %mul3A_120 = arith.mulf %squeeze3A_115, %squeeze3A_115 : vector<512xf32>
    %mul3A_121 = arith.mulf %squeeze3A_117, %squeeze3A_117 : vector<512xf32>
    %add3A_122 = arith.addf %mul3A_120, %mul3A_121 : vector<512xf32>
    %mul3A_123 = arith.mulf %squeeze3A_119, %squeeze3A_119 : vector<512xf32>
    %add3A_124 = arith.addf %add3A_122, %mul3A_123 : vector<512xf32>
    %broadcast_in_dim3A_125 = vector.shape_cast %add3A_124 : vector<512xf32> to vector<1x512xf32>
    %get3A_126 = arith.constant 6 : index
    %get3A_127 = arith.constant 0 : index
    %get3A_128 = arith.constant 0 : index
    %get3A_129 = vector.load %arg1[%get3A_126, %get3A_127, %get3A_128] : memref<8x512x4xf32, #tpu.memory_space<vmem>>, vector<1x512x4xf32>
    %get3A_130 = vector.shape_cast %get3A_129 : vector<1x512x4xf32> to vector<512x4xf32>
    %get3A_131 = arith.constant 6 : index
    %get3A_132 = arith.constant 0 : index
    %get3A_133 = arith.constant 0 : index
    %get3A_134 = vector.load %arg2[%get3A_131, %get3A_132, %get3A_133] : memref<8x3x512xf32, #tpu.memory_space<vmem>>, vector<1x3x512xf32>
    %get3A_135 = vector.shape_cast %get3A_134 : vector<1x3x512xf32> to vector<3x512xf32>
    %slice3A_136 = vector.extract_strided_slice %get3A_135 {offsets = [0, 0], sizes = [1, 512], strides = [1, 1]} : vector<3x512xf32> to vector<1x512xf32>
    %squeeze3A_137 = vector.shape_cast %slice3A_136 : vector<1x512xf32> to vector<512xf32>
    %slice3A_138 = vector.extract_strided_slice %get3A_135 {offsets = [1, 0], sizes = [1, 512], strides = [1, 1]} : vector<3x512xf32> to vector<1x512xf32>
    %squeeze3A_139 = vector.shape_cast %slice3A_138 : vector<1x512xf32> to vector<512xf32>
    %slice3A_140 = vector.extract_strided_slice %get3A_135 {offsets = [2, 0], sizes = [1, 512], strides = [1, 1]} : vector<3x512xf32> to vector<1x512xf32>
    %squeeze3A_141 = vector.shape_cast %slice3A_140 : vector<1x512xf32> to vector<512xf32>
    %mul3A_142 = arith.mulf %squeeze3A_137, %squeeze3A_137 : vector<512xf32>
    %mul3A_143 = arith.mulf %squeeze3A_139, %squeeze3A_139 : vector<512xf32>
    %add3A_144 = arith.addf %mul3A_142, %mul3A_143 : vector<512xf32>
    %mul3A_145 = arith.mulf %squeeze3A_141, %squeeze3A_141 : vector<512xf32>
    %add3A_146 = arith.addf %add3A_144, %mul3A_145 : vector<512xf32>
    %broadcast_in_dim3A_147 = vector.shape_cast %add3A_146 : vector<512xf32> to vector<1x512xf32>
    %get3A_148 = arith.constant 7 : index
    %get3A_149 = arith.constant 0 : index
    %get3A_150 = arith.constant 0 : index
    %get3A_151 = vector.load %arg1[%get3A_148, %get3A_149, %get3A_150] : memref<8x512x4xf32, #tpu.memory_space<vmem>>, vector<1x512x4xf32>
    %get3A_152 = vector.shape_cast %get3A_151 : vector<1x512x4xf32> to vector<512x4xf32>
    %get3A_153 = arith.constant 7 : index
    %get3A_154 = arith.constant 0 : index
    %get3A_155 = arith.constant 0 : index
    %get3A_156 = vector.load %arg2[%get3A_153, %get3A_154, %get3A_155] : memref<8x3x512xf32, #tpu.memory_space<vmem>>, vector<1x3x512xf32>
    %get3A_157 = vector.shape_cast %get3A_156 : vector<1x3x512xf32> to vector<3x512xf32>
    %slice3A_158 = vector.extract_strided_slice %get3A_157 {offsets = [0, 0], sizes = [1, 512], strides = [1, 1]} : vector<3x512xf32> to vector<1x512xf32>
    %squeeze3A_159 = vector.shape_cast %slice3A_158 : vector<1x512xf32> to vector<512xf32>
    %slice3A_160 = vector.extract_strided_slice %get3A_157 {offsets = [1, 0], sizes = [1, 512], strides = [1, 1]} : vector<3x512xf32> to vector<1x512xf32>
    %squeeze3A_161 = vector.shape_cast %slice3A_160 : vector<1x512xf32> to vector<512xf32>
    %slice3A_162 = vector.extract_strided_slice %get3A_157 {offsets = [2, 0], sizes = [1, 512], strides = [1, 1]} : vector<3x512xf32> to vector<1x512xf32>
    %squeeze3A_163 = vector.shape_cast %slice3A_162 : vector<1x512xf32> to vector<512xf32>
    %mul3A_164 = arith.mulf %squeeze3A_159, %squeeze3A_159 : vector<512xf32>
    %mul3A_165 = arith.mulf %squeeze3A_161, %squeeze3A_161 : vector<512xf32>
    %add3A_166 = arith.addf %mul3A_164, %mul3A_165 : vector<512xf32>
    %mul3A_167 = arith.mulf %squeeze3A_163, %squeeze3A_163 : vector<512xf32>
    %add3A_168 = arith.addf %add3A_166, %mul3A_167 : vector<512xf32>
    %broadcast_in_dim3A_169 = vector.shape_cast %add3A_168 : vector<512xf32> to vector<1x512xf32>
    %get3A_170 = arith.constant 0 : index
    %get3A_171 = arith.constant 0 : index
    %get3A_172 = arith.constant 0 : index
    %get3A_173 = vector.load %arg3[%get3A_170, %get3A_171, %get3A_172] : memref<8x256x3xf32, #tpu.memory_space<vmem>>, vector<1x256x3xf32>
    %get3A_174 = vector.shape_cast %get3A_173 : vector<1x256x3xf32> to vector<256x3xf32>
    %get3A_175 = arith.constant 1 : index
    %get3A_176 = arith.constant 0 : index
    %get3A_177 = arith.constant 0 : index
    %get3A_178 = vector.load %arg3[%get3A_175, %get3A_176, %get3A_177] : memref<8x256x3xf32, #tpu.memory_space<vmem>>, vector<1x256x3xf32>
    %get3A_179 = vector.shape_cast %get3A_178 : vector<1x256x3xf32> to vector<256x3xf32>
    %get3A_180 = arith.constant 2 : index
    %get3A_181 = arith.constant 0 : index
    %get3A_182 = arith.constant 0 : index
    %get3A_183 = vector.load %arg3[%get3A_180, %get3A_181, %get3A_182] : memref<8x256x3xf32, #tpu.memory_space<vmem>>, vector<1x256x3xf32>
    %get3A_184 = vector.shape_cast %get3A_183 : vector<1x256x3xf32> to vector<256x3xf32>
    %get3A_185 = arith.constant 3 : index
    %get3A_186 = arith.constant 0 : index
    %get3A_187 = arith.constant 0 : index
    %get3A_188 = vector.load %arg3[%get3A_185, %get3A_186, %get3A_187] : memref<8x256x3xf32, #tpu.memory_space<vmem>>, vector<1x256x3xf32>
    %get3A_189 = vector.shape_cast %get3A_188 : vector<1x256x3xf32> to vector<256x3xf32>
    %get3A_190 = arith.constant 4 : index
    %get3A_191 = arith.constant 0 : index
    %get3A_192 = arith.constant 0 : index
    %get3A_193 = vector.load %arg3[%get3A_190, %get3A_191, %get3A_192] : memref<8x256x3xf32, #tpu.memory_space<vmem>>, vector<1x256x3xf32>
    %get3A_194 = vector.shape_cast %get3A_193 : vector<1x256x3xf32> to vector<256x3xf32>
    %get3A_195 = arith.constant 5 : index
    %get3A_196 = arith.constant 0 : index
    %get3A_197 = arith.constant 0 : index
    %get3A_198 = vector.load %arg3[%get3A_195, %get3A_196, %get3A_197] : memref<8x256x3xf32, #tpu.memory_space<vmem>>, vector<1x256x3xf32>
    %get3A_199 = vector.shape_cast %get3A_198 : vector<1x256x3xf32> to vector<256x3xf32>
    %get3A_200 = arith.constant 6 : index
    %get3A_201 = arith.constant 0 : index
    %get3A_202 = arith.constant 0 : index
    %get3A_203 = vector.load %arg3[%get3A_200, %get3A_201, %get3A_202] : memref<8x256x3xf32, #tpu.memory_space<vmem>>, vector<1x256x3xf32>
    %get3A_204 = vector.shape_cast %get3A_203 : vector<1x256x3xf32> to vector<256x3xf32>
    %get3A_205 = arith.constant 7 : index
    %get3A_206 = arith.constant 0 : index
    %get3A_207 = arith.constant 0 : index
    %get3A_208 = vector.load %arg3[%get3A_205, %get3A_206, %get3A_207] : memref<8x256x3xf32, #tpu.memory_space<vmem>>, vector<1x256x3xf32>
    %get3A_209 = vector.shape_cast %get3A_208 : vector<1x256x3xf32> to vector<256x3xf32>
    %scan3A = arith.constant 0 : i32
    %scan3A_210 = arith.constant 10 : i32
    %scan3A_211 = arith.addi %scan3A, %scan3A_210 : i32
    %scan3A_212 = arith.constant 1 : i32
    %scan3A_213:8 = scf.for %scan3A_1180 = %scan3A to %scan3A_211 step %scan3A_212 iter_args(%scan3A_1181 = %get3A_174, %scan3A_1182 = %get3A_179, %scan3A_1183 = %get3A_184, %scan3A_1184 = %get3A_189, %scan3A_1185 = %get3A_194, %scan3A_1186 = %get3A_199, %scan3A_1187 = %get3A_204, %scan3A_1188 = %get3A_209) -> (vector<256x3xf32>, vector<256x3xf32>, vector<256x3xf32>, vector<256x3xf32>, vector<256x3xf32>, vector<256x3xf32>, vector<256x3xf32>, vector<256x3xf32>)  : i32 {
      %dot_general3A_1189 = arith.constant dense<0.000000e+00> : vector<256x512xf32>
      %dot_general3A_1190 = tpu.matmul %scan3A_1181, %get3A_8, %dot_general3A_1189 {dimension_numbers = #tpu.dot_dimension_numbers<[1], [0], [0], [1], [0, 0, 1, 1], [], []>, transpose_lhs_hint = false} : vector<256x3xf32>, vector<3x512xf32>, vector<256x512xf32> -> vector<256x512xf32>
      %slice3A_1191 = vector.extract_strided_slice %scan3A_1181 {offsets = [0, 0], sizes = [256, 1], strides = [1, 1]} : vector<256x3xf32> to vector<256x1xf32>
      %slice3A_1192 = vector.extract_strided_slice %scan3A_1181 {offsets = [0, 1], sizes = [256, 1], strides = [1, 1]} : vector<256x3xf32> to vector<256x1xf32>
      %slice3A_1193 = vector.extract_strided_slice %scan3A_1181 {offsets = [0, 2], sizes = [256, 1], strides = [1, 1]} : vector<256x3xf32> to vector<256x1xf32>
      %mul3A_1194 = arith.mulf %slice3A_1191, %slice3A_1191 : vector<256x1xf32>
      %mul3A_1195 = arith.mulf %slice3A_1192, %slice3A_1192 : vector<256x1xf32>
      %add3A_1196 = arith.addf %mul3A_1194, %mul3A_1195 : vector<256x1xf32>
      %mul3A_1197 = arith.mulf %slice3A_1193, %slice3A_1193 : vector<256x1xf32>
      %add3A_1198 = arith.addf %add3A_1196, %mul3A_1197 : vector<256x1xf32>
      %add3A_1199 = vector.broadcast %broadcast_in_dim3A : vector<1x512xf32> to vector<256x512xf32>
      %add3A_1200 = vector.broadcast %add3A_1198 : vector<256x1xf32> to vector<256x512xf32>
      %add3A_1201 = arith.addf %add3A_1199, %add3A_1200 : vector<256x512xf32>
      %mul3A_1202 = arith.constant 2.000000e+00 : f32
      %mul3A_1203 = vector.broadcast %mul3A_1202 : f32 to vector<256x512xf32>
      %mul3A_1204 = arith.mulf %mul3A_1203, %dot_general3A_1190 : vector<256x512xf32>
      %sub3A_1205 = arith.subf %add3A_1201, %mul3A_1204 : vector<256x512xf32>
      %max3A_1206 = arith.constant 0.000000e+00 : f32
      %max3A_1207 = vector.broadcast %max3A_1206 : f32 to vector<256x512xf32>
      %max3A_1208 = arith.maximumf %sub3A_1205, %max3A_1207 : vector<256x512xf32>
      %slice3A_1209 = vector.extract_strided_slice %max3A_1208 {offsets = [0, 0], sizes = [128, 512], strides = [1, 1]} : vector<256x512xf32> to vector<128x512xf32>
      %slice3A_1210 = vector.extract_strided_slice %max3A_1208 {offsets = [128, 0], sizes = [128, 512], strides = [1, 1]} : vector<256x512xf32> to vector<128x512xf32>
      %slice3A_1211 = vector.extract_strided_slice %iota3A {offsets = [0, 0], sizes = [128, 512], strides = [1, 1]} : vector<256x512xi32> to vector<128x512xi32>
      %slice3A_1212 = vector.extract_strided_slice %iota3A {offsets = [128, 0], sizes = [128, 512], strides = [1, 1]} : vector<256x512xi32> to vector<128x512xi32>
      %lt3A_1213 = arith.cmpf olt, %slice3A_1210, %slice3A_1209 : vector<128x512xf32>
      %select_n3A_1214 = arith.select %lt3A_1213, %slice3A_1210, %slice3A_1209 : vector<128x512xi1>, vector<128x512xf32>
      %select_n3A_1215 = arith.select %lt3A_1213, %slice3A_1212, %slice3A_1211 : vector<128x512xi1>, vector<128x512xi32>
      %slice3A_1216 = vector.extract_strided_slice %select_n3A_1214 {offsets = [0, 0], sizes = [64, 512], strides = [1, 1]} : vector<128x512xf32> to vector<64x512xf32>
      %slice3A_1217 = vector.extract_strided_slice %select_n3A_1214 {offsets = [64, 0], sizes = [64, 512], strides = [1, 1]} : vector<128x512xf32> to vector<64x512xf32>
      %slice3A_1218 = vector.extract_strided_slice %select_n3A_1215 {offsets = [0, 0], sizes = [64, 512], strides = [1, 1]} : vector<128x512xi32> to vector<64x512xi32>
      %slice3A_1219 = vector.extract_strided_slice %select_n3A_1215 {offsets = [64, 0], sizes = [64, 512], strides = [1, 1]} : vector<128x512xi32> to vector<64x512xi32>
      %lt3A_1220 = arith.cmpf olt, %slice3A_1217, %slice3A_1216 : vector<64x512xf32>
      %select_n3A_1221 = arith.select %lt3A_1220, %slice3A_1217, %slice3A_1216 : vector<64x512xi1>, vector<64x512xf32>
      %select_n3A_1222 = arith.select %lt3A_1220, %slice3A_1219, %slice3A_1218 : vector<64x512xi1>, vector<64x512xi32>
      %slice3A_1223 = vector.extract_strided_slice %select_n3A_1221 {offsets = [0, 0], sizes = [32, 512], strides = [1, 1]} : vector<64x512xf32> to vector<32x512xf32>
      %slice3A_1224 = vector.extract_strided_slice %select_n3A_1221 {offsets = [32, 0], sizes = [32, 512], strides = [1, 1]} : vector<64x512xf32> to vector<32x512xf32>
      %slice3A_1225 = vector.extract_strided_slice %select_n3A_1222 {offsets = [0, 0], sizes = [32, 512], strides = [1, 1]} : vector<64x512xi32> to vector<32x512xi32>
      %slice3A_1226 = vector.extract_strided_slice %select_n3A_1222 {offsets = [32, 0], sizes = [32, 512], strides = [1, 1]} : vector<64x512xi32> to vector<32x512xi32>
      %lt3A_1227 = arith.cmpf olt, %slice3A_1224, %slice3A_1223 : vector<32x512xf32>
      %select_n3A_1228 = arith.select %lt3A_1227, %slice3A_1224, %slice3A_1223 : vector<32x512xi1>, vector<32x512xf32>
      %select_n3A_1229 = arith.select %lt3A_1227, %slice3A_1226, %slice3A_1225 : vector<32x512xi1>, vector<32x512xi32>
      %slice3A_1230 = vector.extract_strided_slice %select_n3A_1228 {offsets = [0, 0], sizes = [16, 512], strides = [1, 1]} : vector<32x512xf32> to vector<16x512xf32>
      %slice3A_1231 = vector.extract_strided_slice %select_n3A_1228 {offsets = [16, 0], sizes = [16, 512], strides = [1, 1]} : vector<32x512xf32> to vector<16x512xf32>
      %slice3A_1232 = vector.extract_strided_slice %select_n3A_1229 {offsets = [0, 0], sizes = [16, 512], strides = [1, 1]} : vector<32x512xi32> to vector<16x512xi32>
      %slice3A_1233 = vector.extract_strided_slice %select_n3A_1229 {offsets = [16, 0], sizes = [16, 512], strides = [1, 1]} : vector<32x512xi32> to vector<16x512xi32>
      %lt3A_1234 = arith.cmpf olt, %slice3A_1231, %slice3A_1230 : vector<16x512xf32>
      %select_n3A_1235 = arith.select %lt3A_1234, %slice3A_1231, %slice3A_1230 : vector<16x512xi1>, vector<16x512xf32>
      %select_n3A_1236 = arith.select %lt3A_1234, %slice3A_1233, %slice3A_1232 : vector<16x512xi1>, vector<16x512xi32>
      %slice3A_1237 = vector.extract_strided_slice %select_n3A_1235 {offsets = [0, 0], sizes = [8, 512], strides = [1, 1]} : vector<16x512xf32> to vector<8x512xf32>
      %slice3A_1238 = vector.extract_strided_slice %select_n3A_1235 {offsets = [8, 0], sizes = [8, 512], strides = [1, 1]} : vector<16x512xf32> to vector<8x512xf32>
      %slice3A_1239 = vector.extract_strided_slice %select_n3A_1236 {offsets = [0, 0], sizes = [8, 512], strides = [1, 1]} : vector<16x512xi32> to vector<8x512xi32>
      %slice3A_1240 = vector.extract_strided_slice %select_n3A_1236 {offsets = [8, 0], sizes = [8, 512], strides = [1, 1]} : vector<16x512xi32> to vector<8x512xi32>
      %lt3A_1241 = arith.cmpf olt, %slice3A_1238, %slice3A_1237 : vector<8x512xf32>
      %select_n3A_1242 = arith.select %lt3A_1241, %slice3A_1238, %slice3A_1237 : vector<8x512xi1>, vector<8x512xf32>
      %select_n3A_1243 = arith.select %lt3A_1241, %slice3A_1240, %slice3A_1239 : vector<8x512xi1>, vector<8x512xi32>
      %slice3A_1244 = vector.extract_strided_slice %select_n3A_1242 {offsets = [0, 0], sizes = [4, 512], strides = [1, 1]} : vector<8x512xf32> to vector<4x512xf32>
      %slice3A_1245 = vector.extract_strided_slice %select_n3A_1242 {offsets = [4, 0], sizes = [4, 512], strides = [1, 1]} : vector<8x512xf32> to vector<4x512xf32>
      %slice3A_1246 = vector.extract_strided_slice %select_n3A_1243 {offsets = [0, 0], sizes = [4, 512], strides = [1, 1]} : vector<8x512xi32> to vector<4x512xi32>
      %slice3A_1247 = vector.extract_strided_slice %select_n3A_1243 {offsets = [4, 0], sizes = [4, 512], strides = [1, 1]} : vector<8x512xi32> to vector<4x512xi32>
      %lt3A_1248 = arith.cmpf olt, %slice3A_1245, %slice3A_1244 : vector<4x512xf32>
      %select_n3A_1249 = arith.select %lt3A_1248, %slice3A_1245, %slice3A_1244 : vector<4x512xi1>, vector<4x512xf32>
      %select_n3A_1250 = arith.select %lt3A_1248, %slice3A_1247, %slice3A_1246 : vector<4x512xi1>, vector<4x512xi32>
      %slice3A_1251 = vector.extract_strided_slice %select_n3A_1249 {offsets = [0, 0], sizes = [2, 512], strides = [1, 1]} : vector<4x512xf32> to vector<2x512xf32>
      %slice3A_1252 = vector.extract_strided_slice %select_n3A_1249 {offsets = [2, 0], sizes = [2, 512], strides = [1, 1]} : vector<4x512xf32> to vector<2x512xf32>
      %slice3A_1253 = vector.extract_strided_slice %select_n3A_1250 {offsets = [0, 0], sizes = [2, 512], strides = [1, 1]} : vector<4x512xi32> to vector<2x512xi32>
      %slice3A_1254 = vector.extract_strided_slice %select_n3A_1250 {offsets = [2, 0], sizes = [2, 512], strides = [1, 1]} : vector<4x512xi32> to vector<2x512xi32>
      %lt3A_1255 = arith.cmpf olt, %slice3A_1252, %slice3A_1251 : vector<2x512xf32>
      %select_n3A_1256 = arith.select %lt3A_1255, %slice3A_1252, %slice3A_1251 : vector<2x512xi1>, vector<2x512xf32>
      %select_n3A_1257 = arith.select %lt3A_1255, %slice3A_1254, %slice3A_1253 : vector<2x512xi1>, vector<2x512xi32>
      %slice3A_1258 = vector.extract_strided_slice %select_n3A_1256 {offsets = [0, 0], sizes = [1, 512], strides = [1, 1]} : vector<2x512xf32> to vector<1x512xf32>
      %slice3A_1259 = vector.extract_strided_slice %select_n3A_1256 {offsets = [1, 0], sizes = [1, 512], strides = [1, 1]} : vector<2x512xf32> to vector<1x512xf32>
      %slice3A_1260 = vector.extract_strided_slice %select_n3A_1257 {offsets = [0, 0], sizes = [1, 512], strides = [1, 1]} : vector<2x512xi32> to vector<1x512xi32>
      %slice3A_1261 = vector.extract_strided_slice %select_n3A_1257 {offsets = [1, 0], sizes = [1, 512], strides = [1, 1]} : vector<2x512xi32> to vector<1x512xi32>
      %lt3A_1262 = arith.cmpf olt, %slice3A_1259, %slice3A_1258 : vector<1x512xf32>
      %select_n3A_1263 = arith.select %lt3A_1262, %slice3A_1261, %slice3A_1260 : vector<1x512xi1>, vector<1x512xi32>
      %squeeze3A_1264 = vector.shape_cast %select_n3A_1263 : vector<1x512xi32> to vector<512xi32>
      %broadcast_in_dim3A_1265 = vector.shape_cast %squeeze3A_1264 : vector<512xi32> to vector<1x512xi32>
      %eq3A_1266 = vector.broadcast %broadcast_in_dim3A_1265 : vector<1x512xi32> to vector<256x512xi32>
      %eq3A_1267 = arith.cmpi eq, %iota3A, %eq3A_1266 : vector<256x512xi32>
      %convert_element_type3A_1268 = arith.extui %eq3A_1267 : vector<256x512xi1> to vector<256x512xi32>
      %convert_element_type3A_1269 = arith.sitofp %convert_element_type3A_1268 : vector<256x512xi32> to vector<256x512xf32>
      %dot_general3A_1270 = arith.constant dense<0.000000e+00> : vector<256x4xf32>
      %dot_general3A_1271 = tpu.matmul %convert_element_type3A_1269, %get3A_3, %dot_general3A_1270 {dimension_numbers = #tpu.dot_dimension_numbers<[1], [0], [0], [1], [0, 0, 1, 1], [], []>, transpose_lhs_hint = false} : vector<256x512xf32>, vector<512x4xf32>, vector<256x4xf32> -> vector<256x4xf32>
      %slice3A_1272 = vector.extract_strided_slice %dot_general3A_1271 {offsets = [0, 3], sizes = [256, 1], strides = [1, 1]} : vector<256x4xf32> to vector<256x1xf32>
      %slice3A_1273 = vector.extract_strided_slice %dot_general3A_1271 {offsets = [0, 0], sizes = [256, 3], strides = [1, 1]} : vector<256x4xf32> to vector<256x3xf32>
      %max3A_1274 = arith.constant 1.000000e+00 : f32
      %max3A_1275 = vector.broadcast %max3A_1274 : f32 to vector<256x1xf32>
      %max3A_1276 = arith.maximumf %slice3A_1272, %max3A_1275 : vector<256x1xf32>
      %div3A = vector.broadcast %max3A_1276 : vector<256x1xf32> to vector<256x3xf32>
      %div3A_1277 = arith.divf %slice3A_1273, %div3A : vector<256x3xf32>
      %gt3A = arith.constant 0.000000e+00 : f32
      %gt3A_1278 = vector.broadcast %gt3A : f32 to vector<256x1xf32>
      %gt3A_1279 = arith.cmpf ogt, %slice3A_1272, %gt3A_1278 : vector<256x1xf32>
      %convert_element_type3A_1280 = arith.extui %gt3A_1279 : vector<256x1xi1> to vector<256x1xi32>
      %convert_element_type3A_1281 = arith.sitofp %convert_element_type3A_1280 : vector<256x1xi32> to vector<256x1xf32>
      %mul3A_1282 = vector.broadcast %convert_element_type3A_1281 : vector<256x1xf32> to vector<256x3xf32>
      %mul3A_1283 = arith.mulf %div3A_1277, %mul3A_1282 : vector<256x3xf32>
      %sub3A_1284 = arith.constant 1.000000e+00 : f32
      %sub3A_1285 = vector.broadcast %sub3A_1284 : f32 to vector<256x1xf32>
      %sub3A_1286 = arith.subf %sub3A_1285, %convert_element_type3A_1281 : vector<256x1xf32>
      %mul3A_1287 = vector.broadcast %sub3A_1286 : vector<256x1xf32> to vector<256x3xf32>
      %mul3A_1288 = arith.mulf %scan3A_1181, %mul3A_1287 : vector<256x3xf32>
      %add3A_1289 = arith.addf %mul3A_1283, %mul3A_1288 : vector<256x3xf32>
      %dot_general3A_1290 = arith.constant dense<0.000000e+00> : vector<256x512xf32>
      %dot_general3A_1291 = tpu.matmul %scan3A_1182, %get3A_25, %dot_general3A_1290 {dimension_numbers = #tpu.dot_dimension_numbers<[1], [0], [0], [1], [0, 0, 1, 1], [], []>, transpose_lhs_hint = false} : vector<256x3xf32>, vector<3x512xf32>, vector<256x512xf32> -> vector<256x512xf32>
      %slice3A_1292 = vector.extract_strided_slice %scan3A_1182 {offsets = [0, 0], sizes = [256, 1], strides = [1, 1]} : vector<256x3xf32> to vector<256x1xf32>
      %slice3A_1293 = vector.extract_strided_slice %scan3A_1182 {offsets = [0, 1], sizes = [256, 1], strides = [1, 1]} : vector<256x3xf32> to vector<256x1xf32>
      %slice3A_1294 = vector.extract_strided_slice %scan3A_1182 {offsets = [0, 2], sizes = [256, 1], strides = [1, 1]} : vector<256x3xf32> to vector<256x1xf32>
      %mul3A_1295 = arith.mulf %slice3A_1292, %slice3A_1292 : vector<256x1xf32>
      %mul3A_1296 = arith.mulf %slice3A_1293, %slice3A_1293 : vector<256x1xf32>
      %add3A_1297 = arith.addf %mul3A_1295, %mul3A_1296 : vector<256x1xf32>
      %mul3A_1298 = arith.mulf %slice3A_1294, %slice3A_1294 : vector<256x1xf32>
      %add3A_1299 = arith.addf %add3A_1297, %mul3A_1298 : vector<256x1xf32>
      %add3A_1300 = vector.broadcast %broadcast_in_dim3A_37 : vector<1x512xf32> to vector<256x512xf32>
      %add3A_1301 = vector.broadcast %add3A_1299 : vector<256x1xf32> to vector<256x512xf32>
      %add3A_1302 = arith.addf %add3A_1300, %add3A_1301 : vector<256x512xf32>
      %mul3A_1303 = arith.constant 2.000000e+00 : f32
      %mul3A_1304 = vector.broadcast %mul3A_1303 : f32 to vector<256x512xf32>
      %mul3A_1305 = arith.mulf %mul3A_1304, %dot_general3A_1291 : vector<256x512xf32>
      %sub3A_1306 = arith.subf %add3A_1302, %mul3A_1305 : vector<256x512xf32>
      %max3A_1307 = arith.constant 0.000000e+00 : f32
      %max3A_1308 = vector.broadcast %max3A_1307 : f32 to vector<256x512xf32>
      %max3A_1309 = arith.maximumf %sub3A_1306, %max3A_1308 : vector<256x512xf32>
      %slice3A_1310 = vector.extract_strided_slice %max3A_1309 {offsets = [0, 0], sizes = [128, 512], strides = [1, 1]} : vector<256x512xf32> to vector<128x512xf32>
      %slice3A_1311 = vector.extract_strided_slice %max3A_1309 {offsets = [128, 0], sizes = [128, 512], strides = [1, 1]} : vector<256x512xf32> to vector<128x512xf32>
      %slice3A_1312 = vector.extract_strided_slice %iota3A {offsets = [0, 0], sizes = [128, 512], strides = [1, 1]} : vector<256x512xi32> to vector<128x512xi32>
      %slice3A_1313 = vector.extract_strided_slice %iota3A {offsets = [128, 0], sizes = [128, 512], strides = [1, 1]} : vector<256x512xi32> to vector<128x512xi32>
      %lt3A_1314 = arith.cmpf olt, %slice3A_1311, %slice3A_1310 : vector<128x512xf32>
      %select_n3A_1315 = arith.select %lt3A_1314, %slice3A_1311, %slice3A_1310 : vector<128x512xi1>, vector<128x512xf32>
      %select_n3A_1316 = arith.select %lt3A_1314, %slice3A_1313, %slice3A_1312 : vector<128x512xi1>, vector<128x512xi32>
      %slice3A_1317 = vector.extract_strided_slice %select_n3A_1315 {offsets = [0, 0], sizes = [64, 512], strides = [1, 1]} : vector<128x512xf32> to vector<64x512xf32>
      %slice3A_1318 = vector.extract_strided_slice %select_n3A_1315 {offsets = [64, 0], sizes = [64, 512], strides = [1, 1]} : vector<128x512xf32> to vector<64x512xf32>
      %slice3A_1319 = vector.extract_strided_slice %select_n3A_1316 {offsets = [0, 0], sizes = [64, 512], strides = [1, 1]} : vector<128x512xi32> to vector<64x512xi32>
      %slice3A_1320 = vector.extract_strided_slice %select_n3A_1316 {offsets = [64, 0], sizes = [64, 512], strides = [1, 1]} : vector<128x512xi32> to vector<64x512xi32>
      %lt3A_1321 = arith.cmpf olt, %slice3A_1318, %slice3A_1317 : vector<64x512xf32>
      %select_n3A_1322 = arith.select %lt3A_1321, %slice3A_1318, %slice3A_1317 : vector<64x512xi1>, vector<64x512xf32>
      %select_n3A_1323 = arith.select %lt3A_1321, %slice3A_1320, %slice3A_1319 : vector<64x512xi1>, vector<64x512xi32>
      %slice3A_1324 = vector.extract_strided_slice %select_n3A_1322 {offsets = [0, 0], sizes = [32, 512], strides = [1, 1]} : vector<64x512xf32> to vector<32x512xf32>
      %slice3A_1325 = vector.extract_strided_slice %select_n3A_1322 {offsets = [32, 0], sizes = [32, 512], strides = [1, 1]} : vector<64x512xf32> to vector<32x512xf32>
      %slice3A_1326 = vector.extract_strided_slice %select_n3A_1323 {offsets = [0, 0], sizes = [32, 512], strides = [1, 1]} : vector<64x512xi32> to vector<32x512xi32>
      %slice3A_1327 = vector.extract_strided_slice %select_n3A_1323 {offsets = [32, 0], sizes = [32, 512], strides = [1, 1]} : vector<64x512xi32> to vector<32x512xi32>
      %lt3A_1328 = arith.cmpf olt, %slice3A_1325, %slice3A_1324 : vector<32x512xf32>
      %select_n3A_1329 = arith.select %lt3A_1328, %slice3A_1325, %slice3A_1324 : vector<32x512xi1>, vector<32x512xf32>
      %select_n3A_1330 = arith.select %lt3A_1328, %slice3A_1327, %slice3A_1326 : vector<32x512xi1>, vector<32x512xi32>
      %slice3A_1331 = vector.extract_strided_slice %select_n3A_1329 {offsets = [0, 0], sizes = [16, 512], strides = [1, 1]} : vector<32x512xf32> to vector<16x512xf32>
      %slice3A_1332 = vector.extract_strided_slice %select_n3A_1329 {offsets = [16, 0], sizes = [16, 512], strides = [1, 1]} : vector<32x512xf32> to vector<16x512xf32>
      %slice3A_1333 = vector.extract_strided_slice %select_n3A_1330 {offsets = [0, 0], sizes = [16, 512], strides = [1, 1]} : vector<32x512xi32> to vector<16x512xi32>
      %slice3A_1334 = vector.extract_strided_slice %select_n3A_1330 {offsets = [16, 0], sizes = [16, 512], strides = [1, 1]} : vector<32x512xi32> to vector<16x512xi32>
      %lt3A_1335 = arith.cmpf olt, %slice3A_1332, %slice3A_1331 : vector<16x512xf32>
      %select_n3A_1336 = arith.select %lt3A_1335, %slice3A_1332, %slice3A_1331 : vector<16x512xi1>, vector<16x512xf32>
      %select_n3A_1337 = arith.select %lt3A_1335, %slice3A_1334, %slice3A_1333 : vector<16x512xi1>, vector<16x512xi32>
      %slice3A_1338 = vector.extract_strided_slice %select_n3A_1336 {offsets = [0, 0], sizes = [8, 512], strides = [1, 1]} : vector<16x512xf32> to vector<8x512xf32>
      %slice3A_1339 = vector.extract_strided_slice %select_n3A_1336 {offsets = [8, 0], sizes = [8, 512], strides = [1, 1]} : vector<16x512xf32> to vector<8x512xf32>
      %slice3A_1340 = vector.extract_strided_slice %select_n3A_1337 {offsets = [0, 0], sizes = [8, 512], strides = [1, 1]} : vector<16x512xi32> to vector<8x512xi32>
      %slice3A_1341 = vector.extract_strided_slice %select_n3A_1337 {offsets = [8, 0], sizes = [8, 512], strides = [1, 1]} : vector<16x512xi32> to vector<8x512xi32>
      %lt3A_1342 = arith.cmpf olt, %slice3A_1339, %slice3A_1338 : vector<8x512xf32>
      %select_n3A_1343 = arith.select %lt3A_1342, %slice3A_1339, %slice3A_1338 : vector<8x512xi1>, vector<8x512xf32>
      %select_n3A_1344 = arith.select %lt3A_1342, %slice3A_1341, %slice3A_1340 : vector<8x512xi1>, vector<8x512xi32>
      %slice3A_1345 = vector.extract_strided_slice %select_n3A_1343 {offsets = [0, 0], sizes = [4, 512], strides = [1, 1]} : vector<8x512xf32> to vector<4x512xf32>
      %slice3A_1346 = vector.extract_strided_slice %select_n3A_1343 {offsets = [4, 0], sizes = [4, 512], strides = [1, 1]} : vector<8x512xf32> to vector<4x512xf32>
      %slice3A_1347 = vector.extract_strided_slice %select_n3A_1344 {offsets = [0, 0], sizes = [4, 512], strides = [1, 1]} : vector<8x512xi32> to vector<4x512xi32>
      %slice3A_1348 = vector.extract_strided_slice %select_n3A_1344 {offsets = [4, 0], sizes = [4, 512], strides = [1, 1]} : vector<8x512xi32> to vector<4x512xi32>
      %lt3A_1349 = arith.cmpf olt, %slice3A_1346, %slice3A_1345 : vector<4x512xf32>
      %select_n3A_1350 = arith.select %lt3A_1349, %slice3A_1346, %slice3A_1345 : vector<4x512xi1>, vector<4x512xf32>
      %select_n3A_1351 = arith.select %lt3A_1349, %slice3A_1348, %slice3A_1347 : vector<4x512xi1>, vector<4x512xi32>
      %slice3A_1352 = vector.extract_strided_slice %select_n3A_1350 {offsets = [0, 0], sizes = [2, 512], strides = [1, 1]} : vector<4x512xf32> to vector<2x512xf32>
      %slice3A_1353 = vector.extract_strided_slice %select_n3A_1350 {offsets = [2, 0], sizes = [2, 512], strides = [1, 1]} : vector<4x512xf32> to vector<2x512xf32>
      %slice3A_1354 = vector.extract_strided_slice %select_n3A_1351 {offsets = [0, 0], sizes = [2, 512], strides = [1, 1]} : vector<4x512xi32> to vector<2x512xi32>
      %slice3A_1355 = vector.extract_strided_slice %select_n3A_1351 {offsets = [2, 0], sizes = [2, 512], strides = [1, 1]} : vector<4x512xi32> to vector<2x512xi32>
      %lt3A_1356 = arith.cmpf olt, %slice3A_1353, %slice3A_1352 : vector<2x512xf32>
      %select_n3A_1357 = arith.select %lt3A_1356, %slice3A_1353, %slice3A_1352 : vector<2x512xi1>, vector<2x512xf32>
      %select_n3A_1358 = arith.select %lt3A_1356, %slice3A_1355, %slice3A_1354 : vector<2x512xi1>, vector<2x512xi32>
      %slice3A_1359 = vector.extract_strided_slice %select_n3A_1357 {offsets = [0, 0], sizes = [1, 512], strides = [1, 1]} : vector<2x512xf32> to vector<1x512xf32>
      %slice3A_1360 = vector.extract_strided_slice %select_n3A_1357 {offsets = [1, 0], sizes = [1, 512], strides = [1, 1]} : vector<2x512xf32> to vector<1x512xf32>
      %slice3A_1361 = vector.extract_strided_slice %select_n3A_1358 {offsets = [0, 0], sizes = [1, 512], strides = [1, 1]} : vector<2x512xi32> to vector<1x512xi32>
      %slice3A_1362 = vector.extract_strided_slice %select_n3A_1358 {offsets = [1, 0], sizes = [1, 512], strides = [1, 1]} : vector<2x512xi32> to vector<1x512xi32>
      %lt3A_1363 = arith.cmpf olt, %slice3A_1360, %slice3A_1359 : vector<1x512xf32>
      %select_n3A_1364 = arith.select %lt3A_1363, %slice3A_1362, %slice3A_1361 : vector<1x512xi1>, vector<1x512xi32>
      %squeeze3A_1365 = vector.shape_cast %select_n3A_1364 : vector<1x512xi32> to vector<512xi32>
      %broadcast_in_dim3A_1366 = vector.shape_cast %squeeze3A_1365 : vector<512xi32> to vector<1x512xi32>
      %eq3A_1367 = vector.broadcast %broadcast_in_dim3A_1366 : vector<1x512xi32> to vector<256x512xi32>
      %eq3A_1368 = arith.cmpi eq, %iota3A, %eq3A_1367 : vector<256x512xi32>
      %convert_element_type3A_1369 = arith.extui %eq3A_1368 : vector<256x512xi1> to vector<256x512xi32>
      %convert_element_type3A_1370 = arith.sitofp %convert_element_type3A_1369 : vector<256x512xi32> to vector<256x512xf32>
      %dot_general3A_1371 = arith.constant dense<0.000000e+00> : vector<256x4xf32>
      %dot_general3A_1372 = tpu.matmul %convert_element_type3A_1370, %get3A_20, %dot_general3A_1371 {dimension_numbers = #tpu.dot_dimension_numbers<[1], [0], [0], [1], [0, 0, 1, 1], [], []>, transpose_lhs_hint = false} : vector<256x512xf32>, vector<512x4xf32>, vector<256x4xf32> -> vector<256x4xf32>
      %slice3A_1373 = vector.extract_strided_slice %dot_general3A_1372 {offsets = [0, 3], sizes = [256, 1], strides = [1, 1]} : vector<256x4xf32> to vector<256x1xf32>
      %slice3A_1374 = vector.extract_strided_slice %dot_general3A_1372 {offsets = [0, 0], sizes = [256, 3], strides = [1, 1]} : vector<256x4xf32> to vector<256x3xf32>
      %max3A_1375 = arith.constant 1.000000e+00 : f32
      %max3A_1376 = vector.broadcast %max3A_1375 : f32 to vector<256x1xf32>
      %max3A_1377 = arith.maximumf %slice3A_1373, %max3A_1376 : vector<256x1xf32>
      %div3A_1378 = vector.broadcast %max3A_1377 : vector<256x1xf32> to vector<256x3xf32>
      %div3A_1379 = arith.divf %slice3A_1374, %div3A_1378 : vector<256x3xf32>
      %gt3A_1380 = arith.constant 0.000000e+00 : f32
      %gt3A_1381 = vector.broadcast %gt3A_1380 : f32 to vector<256x1xf32>
      %gt3A_1382 = arith.cmpf ogt, %slice3A_1373, %gt3A_1381 : vector<256x1xf32>
      %convert_element_type3A_1383 = arith.extui %gt3A_1382 : vector<256x1xi1> to vector<256x1xi32>
      %convert_element_type3A_1384 = arith.sitofp %convert_element_type3A_1383 : vector<256x1xi32> to vector<256x1xf32>
      %mul3A_1385 = vector.broadcast %convert_element_type3A_1384 : vector<256x1xf32> to vector<256x3xf32>
      %mul3A_1386 = arith.mulf %div3A_1379, %mul3A_1385 : vector<256x3xf32>
      %sub3A_1387 = arith.constant 1.000000e+00 : f32
      %sub3A_1388 = vector.broadcast %sub3A_1387 : f32 to vector<256x1xf32>
      %sub3A_1389 = arith.subf %sub3A_1388, %convert_element_type3A_1384 : vector<256x1xf32>
      %mul3A_1390 = vector.broadcast %sub3A_1389 : vector<256x1xf32> to vector<256x3xf32>
      %mul3A_1391 = arith.mulf %scan3A_1182, %mul3A_1390 : vector<256x3xf32>
      %add3A_1392 = arith.addf %mul3A_1386, %mul3A_1391 : vector<256x3xf32>
      %dot_general3A_1393 = arith.constant dense<0.000000e+00> : vector<256x512xf32>
      %dot_general3A_1394 = tpu.matmul %scan3A_1183, %get3A_47, %dot_general3A_1393 {dimension_numbers = #tpu.dot_dimension_numbers<[1], [0], [0], [1], [0, 0, 1, 1], [], []>, transpose_lhs_hint = false} : vector<256x3xf32>, vector<3x512xf32>, vector<256x512xf32> -> vector<256x512xf32>
      %slice3A_1395 = vector.extract_strided_slice %scan3A_1183 {offsets = [0, 0], sizes = [256, 1], strides = [1, 1]} : vector<256x3xf32> to vector<256x1xf32>
      %slice3A_1396 = vector.extract_strided_slice %scan3A_1183 {offsets = [0, 1], sizes = [256, 1], strides = [1, 1]} : vector<256x3xf32> to vector<256x1xf32>
      %slice3A_1397 = vector.extract_strided_slice %scan3A_1183 {offsets = [0, 2], sizes = [256, 1], strides = [1, 1]} : vector<256x3xf32> to vector<256x1xf32>
      %mul3A_1398 = arith.mulf %slice3A_1395, %slice3A_1395 : vector<256x1xf32>
      %mul3A_1399 = arith.mulf %slice3A_1396, %slice3A_1396 : vector<256x1xf32>
      %add3A_1400 = arith.addf %mul3A_1398, %mul3A_1399 : vector<256x1xf32>
      %mul3A_1401 = arith.mulf %slice3A_1397, %slice3A_1397 : vector<256x1xf32>
      %add3A_1402 = arith.addf %add3A_1400, %mul3A_1401 : vector<256x1xf32>
      %add3A_1403 = vector.broadcast %broadcast_in_dim3A_59 : vector<1x512xf32> to vector<256x512xf32>
      %add3A_1404 = vector.broadcast %add3A_1402 : vector<256x1xf32> to vector<256x512xf32>
      %add3A_1405 = arith.addf %add3A_1403, %add3A_1404 : vector<256x512xf32>
      %mul3A_1406 = arith.constant 2.000000e+00 : f32
      %mul3A_1407 = vector.broadcast %mul3A_1406 : f32 to vector<256x512xf32>
      %mul3A_1408 = arith.mulf %mul3A_1407, %dot_general3A_1394 : vector<256x512xf32>
      %sub3A_1409 = arith.subf %add3A_1405, %mul3A_1408 : vector<256x512xf32>
      %max3A_1410 = arith.constant 0.000000e+00 : f32
      %max3A_1411 = vector.broadcast %max3A_1410 : f32 to vector<256x512xf32>
      %max3A_1412 = arith.maximumf %sub3A_1409, %max3A_1411 : vector<256x512xf32>
      %slice3A_1413 = vector.extract_strided_slice %max3A_1412 {offsets = [0, 0], sizes = [128, 512], strides = [1, 1]} : vector<256x512xf32> to vector<128x512xf32>
      %slice3A_1414 = vector.extract_strided_slice %max3A_1412 {offsets = [128, 0], sizes = [128, 512], strides = [1, 1]} : vector<256x512xf32> to vector<128x512xf32>
      %slice3A_1415 = vector.extract_strided_slice %iota3A {offsets = [0, 0], sizes = [128, 512], strides = [1, 1]} : vector<256x512xi32> to vector<128x512xi32>
      %slice3A_1416 = vector.extract_strided_slice %iota3A {offsets = [128, 0], sizes = [128, 512], strides = [1, 1]} : vector<256x512xi32> to vector<128x512xi32>
      %lt3A_1417 = arith.cmpf olt, %slice3A_1414, %slice3A_1413 : vector<128x512xf32>
      %select_n3A_1418 = arith.select %lt3A_1417, %slice3A_1414, %slice3A_1413 : vector<128x512xi1>, vector<128x512xf32>
      %select_n3A_1419 = arith.select %lt3A_1417, %slice3A_1416, %slice3A_1415 : vector<128x512xi1>, vector<128x512xi32>
      %slice3A_1420 = vector.extract_strided_slice %select_n3A_1418 {offsets = [0, 0], sizes = [64, 512], strides = [1, 1]} : vector<128x512xf32> to vector<64x512xf32>
      %slice3A_1421 = vector.extract_strided_slice %select_n3A_1418 {offsets = [64, 0], sizes = [64, 512], strides = [1, 1]} : vector<128x512xf32> to vector<64x512xf32>
      %slice3A_1422 = vector.extract_strided_slice %select_n3A_1419 {offsets = [0, 0], sizes = [64, 512], strides = [1, 1]} : vector<128x512xi32> to vector<64x512xi32>
      %slice3A_1423 = vector.extract_strided_slice %select_n3A_1419 {offsets = [64, 0], sizes = [64, 512], strides = [1, 1]} : vector<128x512xi32> to vector<64x512xi32>
      %lt3A_1424 = arith.cmpf olt, %slice3A_1421, %slice3A_1420 : vector<64x512xf32>
      %select_n3A_1425 = arith.select %lt3A_1424, %slice3A_1421, %slice3A_1420 : vector<64x512xi1>, vector<64x512xf32>
      %select_n3A_1426 = arith.select %lt3A_1424, %slice3A_1423, %slice3A_1422 : vector<64x512xi1>, vector<64x512xi32>
      %slice3A_1427 = vector.extract_strided_slice %select_n3A_1425 {offsets = [0, 0], sizes = [32, 512], strides = [1, 1]} : vector<64x512xf32> to vector<32x512xf32>
      %slice3A_1428 = vector.extract_strided_slice %select_n3A_1425 {offsets = [32, 0], sizes = [32, 512], strides = [1, 1]} : vector<64x512xf32> to vector<32x512xf32>
      %slice3A_1429 = vector.extract_strided_slice %select_n3A_1426 {offsets = [0, 0], sizes = [32, 512], strides = [1, 1]} : vector<64x512xi32> to vector<32x512xi32>
      %slice3A_1430 = vector.extract_strided_slice %select_n3A_1426 {offsets = [32, 0], sizes = [32, 512], strides = [1, 1]} : vector<64x512xi32> to vector<32x512xi32>
      %lt3A_1431 = arith.cmpf olt, %slice3A_1428, %slice3A_1427 : vector<32x512xf32>
      %select_n3A_1432 = arith.select %lt3A_1431, %slice3A_1428, %slice3A_1427 : vector<32x512xi1>, vector<32x512xf32>
      %select_n3A_1433 = arith.select %lt3A_1431, %slice3A_1430, %slice3A_1429 : vector<32x512xi1>, vector<32x512xi32>
      %slice3A_1434 = vector.extract_strided_slice %select_n3A_1432 {offsets = [0, 0], sizes = [16, 512], strides = [1, 1]} : vector<32x512xf32> to vector<16x512xf32>
      %slice3A_1435 = vector.extract_strided_slice %select_n3A_1432 {offsets = [16, 0], sizes = [16, 512], strides = [1, 1]} : vector<32x512xf32> to vector<16x512xf32>
      %slice3A_1436 = vector.extract_strided_slice %select_n3A_1433 {offsets = [0, 0], sizes = [16, 512], strides = [1, 1]} : vector<32x512xi32> to vector<16x512xi32>
      %slice3A_1437 = vector.extract_strided_slice %select_n3A_1433 {offsets = [16, 0], sizes = [16, 512], strides = [1, 1]} : vector<32x512xi32> to vector<16x512xi32>
      %lt3A_1438 = arith.cmpf olt, %slice3A_1435, %slice3A_1434 : vector<16x512xf32>
      %select_n3A_1439 = arith.select %lt3A_1438, %slice3A_1435, %slice3A_1434 : vector<16x512xi1>, vector<16x512xf32>
      %select_n3A_1440 = arith.select %lt3A_1438, %slice3A_1437, %slice3A_1436 : vector<16x512xi1>, vector<16x512xi32>
      %slice3A_1441 = vector.extract_strided_slice %select_n3A_1439 {offsets = [0, 0], sizes = [8, 512], strides = [1, 1]} : vector<16x512xf32> to vector<8x512xf32>
      %slice3A_1442 = vector.extract_strided_slice %select_n3A_1439 {offsets = [8, 0], sizes = [8, 512], strides = [1, 1]} : vector<16x512xf32> to vector<8x512xf32>
      %slice3A_1443 = vector.extract_strided_slice %select_n3A_1440 {offsets = [0, 0], sizes = [8, 512], strides = [1, 1]} : vector<16x512xi32> to vector<8x512xi32>
      %slice3A_1444 = vector.extract_strided_slice %select_n3A_1440 {offsets = [8, 0], sizes = [8, 512], strides = [1, 1]} : vector<16x512xi32> to vector<8x512xi32>
      %lt3A_1445 = arith.cmpf olt, %slice3A_1442, %slice3A_1441 : vector<8x512xf32>
      %select_n3A_1446 = arith.select %lt3A_1445, %slice3A_1442, %slice3A_1441 : vector<8x512xi1>, vector<8x512xf32>
      %select_n3A_1447 = arith.select %lt3A_1445, %slice3A_1444, %slice3A_1443 : vector<8x512xi1>, vector<8x512xi32>
      %slice3A_1448 = vector.extract_strided_slice %select_n3A_1446 {offsets = [0, 0], sizes = [4, 512], strides = [1, 1]} : vector<8x512xf32> to vector<4x512xf32>
      %slice3A_1449 = vector.extract_strided_slice %select_n3A_1446 {offsets = [4, 0], sizes = [4, 512], strides = [1, 1]} : vector<8x512xf32> to vector<4x512xf32>
      %slice3A_1450 = vector.extract_strided_slice %select_n3A_1447 {offsets = [0, 0], sizes = [4, 512], strides = [1, 1]} : vector<8x512xi32> to vector<4x512xi32>
      %slice3A_1451 = vector.extract_strided_slice %select_n3A_1447 {offsets = [4, 0], sizes = [4, 512], strides = [1, 1]} : vector<8x512xi32> to vector<4x512xi32>
      %lt3A_1452 = arith.cmpf olt, %slice3A_1449, %slice3A_1448 : vector<4x512xf32>
      %select_n3A_1453 = arith.select %lt3A_1452, %slice3A_1449, %slice3A_1448 : vector<4x512xi1>, vector<4x512xf32>
      %select_n3A_1454 = arith.select %lt3A_1452, %slice3A_1451, %slice3A_1450 : vector<4x512xi1>, vector<4x512xi32>
      %slice3A_1455 = vector.extract_strided_slice %select_n3A_1453 {offsets = [0, 0], sizes = [2, 512], strides = [1, 1]} : vector<4x512xf32> to vector<2x512xf32>
      %slice3A_1456 = vector.extract_strided_slice %select_n3A_1453 {offsets = [2, 0], sizes = [2, 512], strides = [1, 1]} : vector<4x512xf32> to vector<2x512xf32>
      %slice3A_1457 = vector.extract_strided_slice %select_n3A_1454 {offsets = [0, 0], sizes = [2, 512], strides = [1, 1]} : vector<4x512xi32> to vector<2x512xi32>
      %slice3A_1458 = vector.extract_strided_slice %select_n3A_1454 {offsets = [2, 0], sizes = [2, 512], strides = [1, 1]} : vector<4x512xi32> to vector<2x512xi32>
      %lt3A_1459 = arith.cmpf olt, %slice3A_1456, %slice3A_1455 : vector<2x512xf32>
      %select_n3A_1460 = arith.select %lt3A_1459, %slice3A_1456, %slice3A_1455 : vector<2x512xi1>, vector<2x512xf32>
      %select_n3A_1461 = arith.select %lt3A_1459, %slice3A_1458, %slice3A_1457 : vector<2x512xi1>, vector<2x512xi32>
      %slice3A_1462 = vector.extract_strided_slice %select_n3A_1460 {offsets = [0, 0], sizes = [1, 512], strides = [1, 1]} : vector<2x512xf32> to vector<1x512xf32>
      %slice3A_1463 = vector.extract_strided_slice %select_n3A_1460 {offsets = [1, 0], sizes = [1, 512], strides = [1, 1]} : vector<2x512xf32> to vector<1x512xf32>
      %slice3A_1464 = vector.extract_strided_slice %select_n3A_1461 {offsets = [0, 0], sizes = [1, 512], strides = [1, 1]} : vector<2x512xi32> to vector<1x512xi32>
      %slice3A_1465 = vector.extract_strided_slice %select_n3A_1461 {offsets = [1, 0], sizes = [1, 512], strides = [1, 1]} : vector<2x512xi32> to vector<1x512xi32>
      %lt3A_1466 = arith.cmpf olt, %slice3A_1463, %slice3A_1462 : vector<1x512xf32>
      %select_n3A_1467 = arith.select %lt3A_1466, %slice3A_1465, %slice3A_1464 : vector<1x512xi1>, vector<1x512xi32>
      %squeeze3A_1468 = vector.shape_cast %select_n3A_1467 : vector<1x512xi32> to vector<512xi32>
      %broadcast_in_dim3A_1469 = vector.shape_cast %squeeze3A_1468 : vector<512xi32> to vector<1x512xi32>
      %eq3A_1470 = vector.broadcast %broadcast_in_dim3A_1469 : vector<1x512xi32> to vector<256x512xi32>
      %eq3A_1471 = arith.cmpi eq, %iota3A, %eq3A_1470 : vector<256x512xi32>
      %convert_element_type3A_1472 = arith.extui %eq3A_1471 : vector<256x512xi1> to vector<256x512xi32>
      %convert_element_type3A_1473 = arith.sitofp %convert_element_type3A_1472 : vector<256x512xi32> to vector<256x512xf32>
      %dot_general3A_1474 = arith.constant dense<0.000000e+00> : vector<256x4xf32>
      %dot_general3A_1475 = tpu.matmul %convert_element_type3A_1473, %get3A_42, %dot_general3A_1474 {dimension_numbers = #tpu.dot_dimension_numbers<[1], [0], [0], [1], [0, 0, 1, 1], [], []>, transpose_lhs_hint = false} : vector<256x512xf32>, vector<512x4xf32>, vector<256x4xf32> -> vector<256x4xf32>
      %slice3A_1476 = vector.extract_strided_slice %dot_general3A_1475 {offsets = [0, 3], sizes = [256, 1], strides = [1, 1]} : vector<256x4xf32> to vector<256x1xf32>
      %slice3A_1477 = vector.extract_strided_slice %dot_general3A_1475 {offsets = [0, 0], sizes = [256, 3], strides = [1, 1]} : vector<256x4xf32> to vector<256x3xf32>
      %max3A_1478 = arith.constant 1.000000e+00 : f32
      %max3A_1479 = vector.broadcast %max3A_1478 : f32 to vector<256x1xf32>
      %max3A_1480 = arith.maximumf %slice3A_1476, %max3A_1479 : vector<256x1xf32>
      %div3A_1481 = vector.broadcast %max3A_1480 : vector<256x1xf32> to vector<256x3xf32>
      %div3A_1482 = arith.divf %slice3A_1477, %div3A_1481 : vector<256x3xf32>
      %gt3A_1483 = arith.constant 0.000000e+00 : f32
      %gt3A_1484 = vector.broadcast %gt3A_1483 : f32 to vector<256x1xf32>
      %gt3A_1485 = arith.cmpf ogt, %slice3A_1476, %gt3A_1484 : vector<256x1xf32>
      %convert_element_type3A_1486 = arith.extui %gt3A_1485 : vector<256x1xi1> to vector<256x1xi32>
      %convert_element_type3A_1487 = arith.sitofp %convert_element_type3A_1486 : vector<256x1xi32> to vector<256x1xf32>
      %mul3A_1488 = vector.broadcast %convert_element_type3A_1487 : vector<256x1xf32> to vector<256x3xf32>
      %mul3A_1489 = arith.mulf %div3A_1482, %mul3A_1488 : vector<256x3xf32>
      %sub3A_1490 = arith.constant 1.000000e+00 : f32
      %sub3A_1491 = vector.broadcast %sub3A_1490 : f32 to vector<256x1xf32>
      %sub3A_1492 = arith.subf %sub3A_1491, %convert_element_type3A_1487 : vector<256x1xf32>
      %mul3A_1493 = vector.broadcast %sub3A_1492 : vector<256x1xf32> to vector<256x3xf32>
      %mul3A_1494 = arith.mulf %scan3A_1183, %mul3A_1493 : vector<256x3xf32>
      %add3A_1495 = arith.addf %mul3A_1489, %mul3A_1494 : vector<256x3xf32>
      %dot_general3A_1496 = arith.constant dense<0.000000e+00> : vector<256x512xf32>
      %dot_general3A_1497 = tpu.matmul %scan3A_1184, %get3A_69, %dot_general3A_1496 {dimension_numbers = #tpu.dot_dimension_numbers<[1], [0], [0], [1], [0, 0, 1, 1], [], []>, transpose_lhs_hint = false} : vector<256x3xf32>, vector<3x512xf32>, vector<256x512xf32> -> vector<256x512xf32>
      %slice3A_1498 = vector.extract_strided_slice %scan3A_1184 {offsets = [0, 0], sizes = [256, 1], strides = [1, 1]} : vector<256x3xf32> to vector<256x1xf32>
      %slice3A_1499 = vector.extract_strided_slice %scan3A_1184 {offsets = [0, 1], sizes = [256, 1], strides = [1, 1]} : vector<256x3xf32> to vector<256x1xf32>
      %slice3A_1500 = vector.extract_strided_slice %scan3A_1184 {offsets = [0, 2], sizes = [256, 1], strides = [1, 1]} : vector<256x3xf32> to vector<256x1xf32>
      %mul3A_1501 = arith.mulf %slice3A_1498, %slice3A_1498 : vector<256x1xf32>
      %mul3A_1502 = arith.mulf %slice3A_1499, %slice3A_1499 : vector<256x1xf32>
      %add3A_1503 = arith.addf %mul3A_1501, %mul3A_1502 : vector<256x1xf32>
      %mul3A_1504 = arith.mulf %slice3A_1500, %slice3A_1500 : vector<256x1xf32>
      %add3A_1505 = arith.addf %add3A_1503, %mul3A_1504 : vector<256x1xf32>
      %add3A_1506 = vector.broadcast %broadcast_in_dim3A_81 : vector<1x512xf32> to vector<256x512xf32>
      %add3A_1507 = vector.broadcast %add3A_1505 : vector<256x1xf32> to vector<256x512xf32>
      %add3A_1508 = arith.addf %add3A_1506, %add3A_1507 : vector<256x512xf32>
      %mul3A_1509 = arith.constant 2.000000e+00 : f32
      %mul3A_1510 = vector.broadcast %mul3A_1509 : f32 to vector<256x512xf32>
      %mul3A_1511 = arith.mulf %mul3A_1510, %dot_general3A_1497 : vector<256x512xf32>
      %sub3A_1512 = arith.subf %add3A_1508, %mul3A_1511 : vector<256x512xf32>
      %max3A_1513 = arith.constant 0.000000e+00 : f32
      %max3A_1514 = vector.broadcast %max3A_1513 : f32 to vector<256x512xf32>
      %max3A_1515 = arith.maximumf %sub3A_1512, %max3A_1514 : vector<256x512xf32>
      %slice3A_1516 = vector.extract_strided_slice %max3A_1515 {offsets = [0, 0], sizes = [128, 512], strides = [1, 1]} : vector<256x512xf32> to vector<128x512xf32>
      %slice3A_1517 = vector.extract_strided_slice %max3A_1515 {offsets = [128, 0], sizes = [128, 512], strides = [1, 1]} : vector<256x512xf32> to vector<128x512xf32>
      %slice3A_1518 = vector.extract_strided_slice %iota3A {offsets = [0, 0], sizes = [128, 512], strides = [1, 1]} : vector<256x512xi32> to vector<128x512xi32>
      %slice3A_1519 = vector.extract_strided_slice %iota3A {offsets = [128, 0], sizes = [128, 512], strides = [1, 1]} : vector<256x512xi32> to vector<128x512xi32>
      %lt3A_1520 = arith.cmpf olt, %slice3A_1517, %slice3A_1516 : vector<128x512xf32>
      %select_n3A_1521 = arith.select %lt3A_1520, %slice3A_1517, %slice3A_1516 : vector<128x512xi1>, vector<128x512xf32>
      %select_n3A_1522 = arith.select %lt3A_1520, %slice3A_1519, %slice3A_1518 : vector<128x512xi1>, vector<128x512xi32>
      %slice3A_1523 = vector.extract_strided_slice %select_n3A_1521 {offsets = [0, 0], sizes = [64, 512], strides = [1, 1]} : vector<128x512xf32> to vector<64x512xf32>
      %slice3A_1524 = vector.extract_strided_slice %select_n3A_1521 {offsets = [64, 0], sizes = [64, 512], strides = [1, 1]} : vector<128x512xf32> to vector<64x512xf32>
      %slice3A_1525 = vector.extract_strided_slice %select_n3A_1522 {offsets = [0, 0], sizes = [64, 512], strides = [1, 1]} : vector<128x512xi32> to vector<64x512xi32>
      %slice3A_1526 = vector.extract_strided_slice %select_n3A_1522 {offsets = [64, 0], sizes = [64, 512], strides = [1, 1]} : vector<128x512xi32> to vector<64x512xi32>
      %lt3A_1527 = arith.cmpf olt, %slice3A_1524, %slice3A_1523 : vector<64x512xf32>
      %select_n3A_1528 = arith.select %lt3A_1527, %slice3A_1524, %slice3A_1523 : vector<64x512xi1>, vector<64x512xf32>
      %select_n3A_1529 = arith.select %lt3A_1527, %slice3A_1526, %slice3A_1525 : vector<64x512xi1>, vector<64x512xi32>
      %slice3A_1530 = vector.extract_strided_slice %select_n3A_1528 {offsets = [0, 0], sizes = [32, 512], strides = [1, 1]} : vector<64x512xf32> to vector<32x512xf32>
      %slice3A_1531 = vector.extract_strided_slice %select_n3A_1528 {offsets = [32, 0], sizes = [32, 512], strides = [1, 1]} : vector<64x512xf32> to vector<32x512xf32>
      %slice3A_1532 = vector.extract_strided_slice %select_n3A_1529 {offsets = [0, 0], sizes = [32, 512], strides = [1, 1]} : vector<64x512xi32> to vector<32x512xi32>
      %slice3A_1533 = vector.extract_strided_slice %select_n3A_1529 {offsets = [32, 0], sizes = [32, 512], strides = [1, 1]} : vector<64x512xi32> to vector<32x512xi32>
      %lt3A_1534 = arith.cmpf olt, %slice3A_1531, %slice3A_1530 : vector<32x512xf32>
      %select_n3A_1535 = arith.select %lt3A_1534, %slice3A_1531, %slice3A_1530 : vector<32x512xi1>, vector<32x512xf32>
      %select_n3A_1536 = arith.select %lt3A_1534, %slice3A_1533, %slice3A_1532 : vector<32x512xi1>, vector<32x512xi32>
      %slice3A_1537 = vector.extract_strided_slice %select_n3A_1535 {offsets = [0, 0], sizes = [16, 512], strides = [1, 1]} : vector<32x512xf32> to vector<16x512xf32>
      %slice3A_1538 = vector.extract_strided_slice %select_n3A_1535 {offsets = [16, 0], sizes = [16, 512], strides = [1, 1]} : vector<32x512xf32> to vector<16x512xf32>
      %slice3A_1539 = vector.extract_strided_slice %select_n3A_1536 {offsets = [0, 0], sizes = [16, 512], strides = [1, 1]} : vector<32x512xi32> to vector<16x512xi32>
      %slice3A_1540 = vector.extract_strided_slice %select_n3A_1536 {offsets = [16, 0], sizes = [16, 512], strides = [1, 1]} : vector<32x512xi32> to vector<16x512xi32>
      %lt3A_1541 = arith.cmpf olt, %slice3A_1538, %slice3A_1537 : vector<16x512xf32>
      %select_n3A_1542 = arith.select %lt3A_1541, %slice3A_1538, %slice3A_1537 : vector<16x512xi1>, vector<16x512xf32>
      %select_n3A_1543 = arith.select %lt3A_1541, %slice3A_1540, %slice3A_1539 : vector<16x512xi1>, vector<16x512xi32>
      %slice3A_1544 = vector.extract_strided_slice %select_n3A_1542 {offsets = [0, 0], sizes = [8, 512], strides = [1, 1]} : vector<16x512xf32> to vector<8x512xf32>
      %slice3A_1545 = vector.extract_strided_slice %select_n3A_1542 {offsets = [8, 0], sizes = [8, 512], strides = [1, 1]} : vector<16x512xf32> to vector<8x512xf32>
      %slice3A_1546 = vector.extract_strided_slice %select_n3A_1543 {offsets = [0, 0], sizes = [8, 512], strides = [1, 1]} : vector<16x512xi32> to vector<8x512xi32>
      %slice3A_1547 = vector.extract_strided_slice %select_n3A_1543 {offsets = [8, 0], sizes = [8, 512], strides = [1, 1]} : vector<16x512xi32> to vector<8x512xi32>
      %lt3A_1548 = arith.cmpf olt, %slice3A_1545, %slice3A_1544 : vector<8x512xf32>
      %select_n3A_1549 = arith.select %lt3A_1548, %slice3A_1545, %slice3A_1544 : vector<8x512xi1>, vector<8x512xf32>
      %select_n3A_1550 = arith.select %lt3A_1548, %slice3A_1547, %slice3A_1546 : vector<8x512xi1>, vector<8x512xi32>
      %slice3A_1551 = vector.extract_strided_slice %select_n3A_1549 {offsets = [0, 0], sizes = [4, 512], strides = [1, 1]} : vector<8x512xf32> to vector<4x512xf32>
      %slice3A_1552 = vector.extract_strided_slice %select_n3A_1549 {offsets = [4, 0], sizes = [4, 512], strides = [1, 1]} : vector<8x512xf32> to vector<4x512xf32>
      %slice3A_1553 = vector.extract_strided_slice %select_n3A_1550 {offsets = [0, 0], sizes = [4, 512], strides = [1, 1]} : vector<8x512xi32> to vector<4x512xi32>
      %slice3A_1554 = vector.extract_strided_slice %select_n3A_1550 {offsets = [4, 0], sizes = [4, 512], strides = [1, 1]} : vector<8x512xi32> to vector<4x512xi32>
      %lt3A_1555 = arith.cmpf olt, %slice3A_1552, %slice3A_1551 : vector<4x512xf32>
      %select_n3A_1556 = arith.select %lt3A_1555, %slice3A_1552, %slice3A_1551 : vector<4x512xi1>, vector<4x512xf32>
      %select_n3A_1557 = arith.select %lt3A_1555, %slice3A_1554, %slice3A_1553 : vector<4x512xi1>, vector<4x512xi32>
      %slice3A_1558 = vector.extract_strided_slice %select_n3A_1556 {offsets = [0, 0], sizes = [2, 512], strides = [1, 1]} : vector<4x512xf32> to vector<2x512xf32>
      %slice3A_1559 = vector.extract_strided_slice %select_n3A_1556 {offsets = [2, 0], sizes = [2, 512], strides = [1, 1]} : vector<4x512xf32> to vector<2x512xf32>
      %slice3A_1560 = vector.extract_strided_slice %select_n3A_1557 {offsets = [0, 0], sizes = [2, 512], strides = [1, 1]} : vector<4x512xi32> to vector<2x512xi32>
      %slice3A_1561 = vector.extract_strided_slice %select_n3A_1557 {offsets = [2, 0], sizes = [2, 512], strides = [1, 1]} : vector<4x512xi32> to vector<2x512xi32>
      %lt3A_1562 = arith.cmpf olt, %slice3A_1559, %slice3A_1558 : vector<2x512xf32>
      %select_n3A_1563 = arith.select %lt3A_1562, %slice3A_1559, %slice3A_1558 : vector<2x512xi1>, vector<2x512xf32>
      %select_n3A_1564 = arith.select %lt3A_1562, %slice3A_1561, %slice3A_1560 : vector<2x512xi1>, vector<2x512xi32>
      %slice3A_1565 = vector.extract_strided_slice %select_n3A_1563 {offsets = [0, 0], sizes = [1, 512], strides = [1, 1]} : vector<2x512xf32> to vector<1x512xf32>
      %slice3A_1566 = vector.extract_strided_slice %select_n3A_1563 {offsets = [1, 0], sizes = [1, 512], strides = [1, 1]} : vector<2x512xf32> to vector<1x512xf32>
      %slice3A_1567 = vector.extract_strided_slice %select_n3A_1564 {offsets = [0, 0], sizes = [1, 512], strides = [1, 1]} : vector<2x512xi32> to vector<1x512xi32>
      %slice3A_1568 = vector.extract_strided_slice %select_n3A_1564 {offsets = [1, 0], sizes = [1, 512], strides = [1, 1]} : vector<2x512xi32> to vector<1x512xi32>
      %lt3A_1569 = arith.cmpf olt, %slice3A_1566, %slice3A_1565 : vector<1x512xf32>
      %select_n3A_1570 = arith.select %lt3A_1569, %slice3A_1568, %slice3A_1567 : vector<1x512xi1>, vector<1x512xi32>
      %squeeze3A_1571 = vector.shape_cast %select_n3A_1570 : vector<1x512xi32> to vector<512xi32>
      %broadcast_in_dim3A_1572 = vector.shape_cast %squeeze3A_1571 : vector<512xi32> to vector<1x512xi32>
      %eq3A_1573 = vector.broadcast %broadcast_in_dim3A_1572 : vector<1x512xi32> to vector<256x512xi32>
      %eq3A_1574 = arith.cmpi eq, %iota3A, %eq3A_1573 : vector<256x512xi32>
      %convert_element_type3A_1575 = arith.extui %eq3A_1574 : vector<256x512xi1> to vector<256x512xi32>
      %convert_element_type3A_1576 = arith.sitofp %convert_element_type3A_1575 : vector<256x512xi32> to vector<256x512xf32>
      %dot_general3A_1577 = arith.constant dense<0.000000e+00> : vector<256x4xf32>
      %dot_general3A_1578 = tpu.matmul %convert_element_type3A_1576, %get3A_64, %dot_general3A_1577 {dimension_numbers = #tpu.dot_dimension_numbers<[1], [0], [0], [1], [0, 0, 1, 1], [], []>, transpose_lhs_hint = false} : vector<256x512xf32>, vector<512x4xf32>, vector<256x4xf32> -> vector<256x4xf32>
      %slice3A_1579 = vector.extract_strided_slice %dot_general3A_1578 {offsets = [0, 3], sizes = [256, 1], strides = [1, 1]} : vector<256x4xf32> to vector<256x1xf32>
      %slice3A_1580 = vector.extract_strided_slice %dot_general3A_1578 {offsets = [0, 0], sizes = [256, 3], strides = [1, 1]} : vector<256x4xf32> to vector<256x3xf32>
      %max3A_1581 = arith.constant 1.000000e+00 : f32
      %max3A_1582 = vector.broadcast %max3A_1581 : f32 to vector<256x1xf32>
      %max3A_1583 = arith.maximumf %slice3A_1579, %max3A_1582 : vector<256x1xf32>
      %div3A_1584 = vector.broadcast %max3A_1583 : vector<256x1xf32> to vector<256x3xf32>
      %div3A_1585 = arith.divf %slice3A_1580, %div3A_1584 : vector<256x3xf32>
      %gt3A_1586 = arith.constant 0.000000e+00 : f32
      %gt3A_1587 = vector.broadcast %gt3A_1586 : f32 to vector<256x1xf32>
      %gt3A_1588 = arith.cmpf ogt, %slice3A_1579, %gt3A_1587 : vector<256x1xf32>
      %convert_element_type3A_1589 = arith.extui %gt3A_1588 : vector<256x1xi1> to vector<256x1xi32>
      %convert_element_type3A_1590 = arith.sitofp %convert_element_type3A_1589 : vector<256x1xi32> to vector<256x1xf32>
      %mul3A_1591 = vector.broadcast %convert_element_type3A_1590 : vector<256x1xf32> to vector<256x3xf32>
      %mul3A_1592 = arith.mulf %div3A_1585, %mul3A_1591 : vector<256x3xf32>
      %sub3A_1593 = arith.constant 1.000000e+00 : f32
      %sub3A_1594 = vector.broadcast %sub3A_1593 : f32 to vector<256x1xf32>
      %sub3A_1595 = arith.subf %sub3A_1594, %convert_element_type3A_1590 : vector<256x1xf32>
      %mul3A_1596 = vector.broadcast %sub3A_1595 : vector<256x1xf32> to vector<256x3xf32>
      %mul3A_1597 = arith.mulf %scan3A_1184, %mul3A_1596 : vector<256x3xf32>
      %add3A_1598 = arith.addf %mul3A_1592, %mul3A_1597 : vector<256x3xf32>
      %dot_general3A_1599 = arith.constant dense<0.000000e+00> : vector<256x512xf32>
      %dot_general3A_1600 = tpu.matmul %scan3A_1185, %get3A_91, %dot_general3A_1599 {dimension_numbers = #tpu.dot_dimension_numbers<[1], [0], [0], [1], [0, 0, 1, 1], [], []>, transpose_lhs_hint = false} : vector<256x3xf32>, vector<3x512xf32>, vector<256x512xf32> -> vector<256x512xf32>
      %slice3A_1601 = vector.extract_strided_slice %scan3A_1185 {offsets = [0, 0], sizes = [256, 1], strides = [1, 1]} : vector<256x3xf32> to vector<256x1xf32>
      %slice3A_1602 = vector.extract_strided_slice %scan3A_1185 {offsets = [0, 1], sizes = [256, 1], strides = [1, 1]} : vector<256x3xf32> to vector<256x1xf32>
      %slice3A_1603 = vector.extract_strided_slice %scan3A_1185 {offsets = [0, 2], sizes = [256, 1], strides = [1, 1]} : vector<256x3xf32> to vector<256x1xf32>
      %mul3A_1604 = arith.mulf %slice3A_1601, %slice3A_1601 : vector<256x1xf32>
      %mul3A_1605 = arith.mulf %slice3A_1602, %slice3A_1602 : vector<256x1xf32>
      %add3A_1606 = arith.addf %mul3A_1604, %mul3A_1605 : vector<256x1xf32>
      %mul3A_1607 = arith.mulf %slice3A_1603, %slice3A_1603 : vector<256x1xf32>
      %add3A_1608 = arith.addf %add3A_1606, %mul3A_1607 : vector<256x1xf32>
      %add3A_1609 = vector.broadcast %broadcast_in_dim3A_103 : vector<1x512xf32> to vector<256x512xf32>
      %add3A_1610 = vector.broadcast %add3A_1608 : vector<256x1xf32> to vector<256x512xf32>
      %add3A_1611 = arith.addf %add3A_1609, %add3A_1610 : vector<256x512xf32>
      %mul3A_1612 = arith.constant 2.000000e+00 : f32
      %mul3A_1613 = vector.broadcast %mul3A_1612 : f32 to vector<256x512xf32>
      %mul3A_1614 = arith.mulf %mul3A_1613, %dot_general3A_1600 : vector<256x512xf32>
      %sub3A_1615 = arith.subf %add3A_1611, %mul3A_1614 : vector<256x512xf32>
      %max3A_1616 = arith.constant 0.000000e+00 : f32
      %max3A_1617 = vector.broadcast %max3A_1616 : f32 to vector<256x512xf32>
      %max3A_1618 = arith.maximumf %sub3A_1615, %max3A_1617 : vector<256x512xf32>
      %slice3A_1619 = vector.extract_strided_slice %max3A_1618 {offsets = [0, 0], sizes = [128, 512], strides = [1, 1]} : vector<256x512xf32> to vector<128x512xf32>
      %slice3A_1620 = vector.extract_strided_slice %max3A_1618 {offsets = [128, 0], sizes = [128, 512], strides = [1, 1]} : vector<256x512xf32> to vector<128x512xf32>
      %slice3A_1621 = vector.extract_strided_slice %iota3A {offsets = [0, 0], sizes = [128, 512], strides = [1, 1]} : vector<256x512xi32> to vector<128x512xi32>
      %slice3A_1622 = vector.extract_strided_slice %iota3A {offsets = [128, 0], sizes = [128, 512], strides = [1, 1]} : vector<256x512xi32> to vector<128x512xi32>
      %lt3A_1623 = arith.cmpf olt, %slice3A_1620, %slice3A_1619 : vector<128x512xf32>
      %select_n3A_1624 = arith.select %lt3A_1623, %slice3A_1620, %slice3A_1619 : vector<128x512xi1>, vector<128x512xf32>
      %select_n3A_1625 = arith.select %lt3A_1623, %slice3A_1622, %slice3A_1621 : vector<128x512xi1>, vector<128x512xi32>
      %slice3A_1626 = vector.extract_strided_slice %select_n3A_1624 {offsets = [0, 0], sizes = [64, 512], strides = [1, 1]} : vector<128x512xf32> to vector<64x512xf32>
      %slice3A_1627 = vector.extract_strided_slice %select_n3A_1624 {offsets = [64, 0], sizes = [64, 512], strides = [1, 1]} : vector<128x512xf32> to vector<64x512xf32>
      %slice3A_1628 = vector.extract_strided_slice %select_n3A_1625 {offsets = [0, 0], sizes = [64, 512], strides = [1, 1]} : vector<128x512xi32> to vector<64x512xi32>
      %slice3A_1629 = vector.extract_strided_slice %select_n3A_1625 {offsets = [64, 0], sizes = [64, 512], strides = [1, 1]} : vector<128x512xi32> to vector<64x512xi32>
      %lt3A_1630 = arith.cmpf olt, %slice3A_1627, %slice3A_1626 : vector<64x512xf32>
      %select_n3A_1631 = arith.select %lt3A_1630, %slice3A_1627, %slice3A_1626 : vector<64x512xi1>, vector<64x512xf32>
      %select_n3A_1632 = arith.select %lt3A_1630, %slice3A_1629, %slice3A_1628 : vector<64x512xi1>, vector<64x512xi32>
      %slice3A_1633 = vector.extract_strided_slice %select_n3A_1631 {offsets = [0, 0], sizes = [32, 512], strides = [1, 1]} : vector<64x512xf32> to vector<32x512xf32>
      %slice3A_1634 = vector.extract_strided_slice %select_n3A_1631 {offsets = [32, 0], sizes = [32, 512], strides = [1, 1]} : vector<64x512xf32> to vector<32x512xf32>
      %slice3A_1635 = vector.extract_strided_slice %select_n3A_1632 {offsets = [0, 0], sizes = [32, 512], strides = [1, 1]} : vector<64x512xi32> to vector<32x512xi32>
      %slice3A_1636 = vector.extract_strided_slice %select_n3A_1632 {offsets = [32, 0], sizes = [32, 512], strides = [1, 1]} : vector<64x512xi32> to vector<32x512xi32>
      %lt3A_1637 = arith.cmpf olt, %slice3A_1634, %slice3A_1633 : vector<32x512xf32>
      %select_n3A_1638 = arith.select %lt3A_1637, %slice3A_1634, %slice3A_1633 : vector<32x512xi1>, vector<32x512xf32>
      %select_n3A_1639 = arith.select %lt3A_1637, %slice3A_1636, %slice3A_1635 : vector<32x512xi1>, vector<32x512xi32>
      %slice3A_1640 = vector.extract_strided_slice %select_n3A_1638 {offsets = [0, 0], sizes = [16, 512], strides = [1, 1]} : vector<32x512xf32> to vector<16x512xf32>
      %slice3A_1641 = vector.extract_strided_slice %select_n3A_1638 {offsets = [16, 0], sizes = [16, 512], strides = [1, 1]} : vector<32x512xf32> to vector<16x512xf32>
      %slice3A_1642 = vector.extract_strided_slice %select_n3A_1639 {offsets = [0, 0], sizes = [16, 512], strides = [1, 1]} : vector<32x512xi32> to vector<16x512xi32>
      %slice3A_1643 = vector.extract_strided_slice %select_n3A_1639 {offsets = [16, 0], sizes = [16, 512], strides = [1, 1]} : vector<32x512xi32> to vector<16x512xi32>
      %lt3A_1644 = arith.cmpf olt, %slice3A_1641, %slice3A_1640 : vector<16x512xf32>
      %select_n3A_1645 = arith.select %lt3A_1644, %slice3A_1641, %slice3A_1640 : vector<16x512xi1>, vector<16x512xf32>
      %select_n3A_1646 = arith.select %lt3A_1644, %slice3A_1643, %slice3A_1642 : vector<16x512xi1>, vector<16x512xi32>
      %slice3A_1647 = vector.extract_strided_slice %select_n3A_1645 {offsets = [0, 0], sizes = [8, 512], strides = [1, 1]} : vector<16x512xf32> to vector<8x512xf32>
      %slice3A_1648 = vector.extract_strided_slice %select_n3A_1645 {offsets = [8, 0], sizes = [8, 512], strides = [1, 1]} : vector<16x512xf32> to vector<8x512xf32>
      %slice3A_1649 = vector.extract_strided_slice %select_n3A_1646 {offsets = [0, 0], sizes = [8, 512], strides = [1, 1]} : vector<16x512xi32> to vector<8x512xi32>
      %slice3A_1650 = vector.extract_strided_slice %select_n3A_1646 {offsets = [8, 0], sizes = [8, 512], strides = [1, 1]} : vector<16x512xi32> to vector<8x512xi32>
      %lt3A_1651 = arith.cmpf olt, %slice3A_1648, %slice3A_1647 : vector<8x512xf32>
      %select_n3A_1652 = arith.select %lt3A_1651, %slice3A_1648, %slice3A_1647 : vector<8x512xi1>, vector<8x512xf32>
      %select_n3A_1653 = arith.select %lt3A_1651, %slice3A_1650, %slice3A_1649 : vector<8x512xi1>, vector<8x512xi32>
      %slice3A_1654 = vector.extract_strided_slice %select_n3A_1652 {offsets = [0, 0], sizes = [4, 512], strides = [1, 1]} : vector<8x512xf32> to vector<4x512xf32>
      %slice3A_1655 = vector.extract_strided_slice %select_n3A_1652 {offsets = [4, 0], sizes = [4, 512], strides = [1, 1]} : vector<8x512xf32> to vector<4x512xf32>
      %slice3A_1656 = vector.extract_strided_slice %select_n3A_1653 {offsets = [0, 0], sizes = [4, 512], strides = [1, 1]} : vector<8x512xi32> to vector<4x512xi32>
      %slice3A_1657 = vector.extract_strided_slice %select_n3A_1653 {offsets = [4, 0], sizes = [4, 512], strides = [1, 1]} : vector<8x512xi32> to vector<4x512xi32>
      %lt3A_1658 = arith.cmpf olt, %slice3A_1655, %slice3A_1654 : vector<4x512xf32>
      %select_n3A_1659 = arith.select %lt3A_1658, %slice3A_1655, %slice3A_1654 : vector<4x512xi1>, vector<4x512xf32>
      %select_n3A_1660 = arith.select %lt3A_1658, %slice3A_1657, %slice3A_1656 : vector<4x512xi1>, vector<4x512xi32>
      %slice3A_1661 = vector.extract_strided_slice %select_n3A_1659 {offsets = [0, 0], sizes = [2, 512], strides = [1, 1]} : vector<4x512xf32> to vector<2x512xf32>
      %slice3A_1662 = vector.extract_strided_slice %select_n3A_1659 {offsets = [2, 0], sizes = [2, 512], strides = [1, 1]} : vector<4x512xf32> to vector<2x512xf32>
      %slice3A_1663 = vector.extract_strided_slice %select_n3A_1660 {offsets = [0, 0], sizes = [2, 512], strides = [1, 1]} : vector<4x512xi32> to vector<2x512xi32>
      %slice3A_1664 = vector.extract_strided_slice %select_n3A_1660 {offsets = [2, 0], sizes = [2, 512], strides = [1, 1]} : vector<4x512xi32> to vector<2x512xi32>
      %lt3A_1665 = arith.cmpf olt, %slice3A_1662, %slice3A_1661 : vector<2x512xf32>
      %select_n3A_1666 = arith.select %lt3A_1665, %slice3A_1662, %slice3A_1661 : vector<2x512xi1>, vector<2x512xf32>
      %select_n3A_1667 = arith.select %lt3A_1665, %slice3A_1664, %slice3A_1663 : vector<2x512xi1>, vector<2x512xi32>
      %slice3A_1668 = vector.extract_strided_slice %select_n3A_1666 {offsets = [0, 0], sizes = [1, 512], strides = [1, 1]} : vector<2x512xf32> to vector<1x512xf32>
      %slice3A_1669 = vector.extract_strided_slice %select_n3A_1666 {offsets = [1, 0], sizes = [1, 512], strides = [1, 1]} : vector<2x512xf32> to vector<1x512xf32>
      %slice3A_1670 = vector.extract_strided_slice %select_n3A_1667 {offsets = [0, 0], sizes = [1, 512], strides = [1, 1]} : vector<2x512xi32> to vector<1x512xi32>
      %slice3A_1671 = vector.extract_strided_slice %select_n3A_1667 {offsets = [1, 0], sizes = [1, 512], strides = [1, 1]} : vector<2x512xi32> to vector<1x512xi32>
      %lt3A_1672 = arith.cmpf olt, %slice3A_1669, %slice3A_1668 : vector<1x512xf32>
      %select_n3A_1673 = arith.select %lt3A_1672, %slice3A_1671, %slice3A_1670 : vector<1x512xi1>, vector<1x512xi32>
      %squeeze3A_1674 = vector.shape_cast %select_n3A_1673 : vector<1x512xi32> to vector<512xi32>
      %broadcast_in_dim3A_1675 = vector.shape_cast %squeeze3A_1674 : vector<512xi32> to vector<1x512xi32>
      %eq3A_1676 = vector.broadcast %broadcast_in_dim3A_1675 : vector<1x512xi32> to vector<256x512xi32>
      %eq3A_1677 = arith.cmpi eq, %iota3A, %eq3A_1676 : vector<256x512xi32>
      %convert_element_type3A_1678 = arith.extui %eq3A_1677 : vector<256x512xi1> to vector<256x512xi32>
      %convert_element_type3A_1679 = arith.sitofp %convert_element_type3A_1678 : vector<256x512xi32> to vector<256x512xf32>
      %dot_general3A_1680 = arith.constant dense<0.000000e+00> : vector<256x4xf32>
      %dot_general3A_1681 = tpu.matmul %convert_element_type3A_1679, %get3A_86, %dot_general3A_1680 {dimension_numbers = #tpu.dot_dimension_numbers<[1], [0], [0], [1], [0, 0, 1, 1], [], []>, transpose_lhs_hint = false} : vector<256x512xf32>, vector<512x4xf32>, vector<256x4xf32> -> vector<256x4xf32>
      %slice3A_1682 = vector.extract_strided_slice %dot_general3A_1681 {offsets = [0, 3], sizes = [256, 1], strides = [1, 1]} : vector<256x4xf32> to vector<256x1xf32>
      %slice3A_1683 = vector.extract_strided_slice %dot_general3A_1681 {offsets = [0, 0], sizes = [256, 3], strides = [1, 1]} : vector<256x4xf32> to vector<256x3xf32>
      %max3A_1684 = arith.constant 1.000000e+00 : f32
      %max3A_1685 = vector.broadcast %max3A_1684 : f32 to vector<256x1xf32>
      %max3A_1686 = arith.maximumf %slice3A_1682, %max3A_1685 : vector<256x1xf32>
      %div3A_1687 = vector.broadcast %max3A_1686 : vector<256x1xf32> to vector<256x3xf32>
      %div3A_1688 = arith.divf %slice3A_1683, %div3A_1687 : vector<256x3xf32>
      %gt3A_1689 = arith.constant 0.000000e+00 : f32
      %gt3A_1690 = vector.broadcast %gt3A_1689 : f32 to vector<256x1xf32>
      %gt3A_1691 = arith.cmpf ogt, %slice3A_1682, %gt3A_1690 : vector<256x1xf32>
      %convert_element_type3A_1692 = arith.extui %gt3A_1691 : vector<256x1xi1> to vector<256x1xi32>
      %convert_element_type3A_1693 = arith.sitofp %convert_element_type3A_1692 : vector<256x1xi32> to vector<256x1xf32>
      %mul3A_1694 = vector.broadcast %convert_element_type3A_1693 : vector<256x1xf32> to vector<256x3xf32>
      %mul3A_1695 = arith.mulf %div3A_1688, %mul3A_1694 : vector<256x3xf32>
      %sub3A_1696 = arith.constant 1.000000e+00 : f32
      %sub3A_1697 = vector.broadcast %sub3A_1696 : f32 to vector<256x1xf32>
      %sub3A_1698 = arith.subf %sub3A_1697, %convert_element_type3A_1693 : vector<256x1xf32>
      %mul3A_1699 = vector.broadcast %sub3A_1698 : vector<256x1xf32> to vector<256x3xf32>
      %mul3A_1700 = arith.mulf %scan3A_1185, %mul3A_1699 : vector<256x3xf32>
      %add3A_1701 = arith.addf %mul3A_1695, %mul3A_1700 : vector<256x3xf32>
      %dot_general3A_1702 = arith.constant dense<0.000000e+00> : vector<256x512xf32>
      %dot_general3A_1703 = tpu.matmul %scan3A_1186, %get3A_113, %dot_general3A_1702 {dimension_numbers = #tpu.dot_dimension_numbers<[1], [0], [0], [1], [0, 0, 1, 1], [], []>, transpose_lhs_hint = false} : vector<256x3xf32>, vector<3x512xf32>, vector<256x512xf32> -> vector<256x512xf32>
      %slice3A_1704 = vector.extract_strided_slice %scan3A_1186 {offsets = [0, 0], sizes = [256, 1], strides = [1, 1]} : vector<256x3xf32> to vector<256x1xf32>
      %slice3A_1705 = vector.extract_strided_slice %scan3A_1186 {offsets = [0, 1], sizes = [256, 1], strides = [1, 1]} : vector<256x3xf32> to vector<256x1xf32>
      %slice3A_1706 = vector.extract_strided_slice %scan3A_1186 {offsets = [0, 2], sizes = [256, 1], strides = [1, 1]} : vector<256x3xf32> to vector<256x1xf32>
      %mul3A_1707 = arith.mulf %slice3A_1704, %slice3A_1704 : vector<256x1xf32>
      %mul3A_1708 = arith.mulf %slice3A_1705, %slice3A_1705 : vector<256x1xf32>
      %add3A_1709 = arith.addf %mul3A_1707, %mul3A_1708 : vector<256x1xf32>
      %mul3A_1710 = arith.mulf %slice3A_1706, %slice3A_1706 : vector<256x1xf32>
      %add3A_1711 = arith.addf %add3A_1709, %mul3A_1710 : vector<256x1xf32>
      %add3A_1712 = vector.broadcast %broadcast_in_dim3A_125 : vector<1x512xf32> to vector<256x512xf32>
      %add3A_1713 = vector.broadcast %add3A_1711 : vector<256x1xf32> to vector<256x512xf32>
      %add3A_1714 = arith.addf %add3A_1712, %add3A_1713 : vector<256x512xf32>
      %mul3A_1715 = arith.constant 2.000000e+00 : f32
      %mul3A_1716 = vector.broadcast %mul3A_1715 : f32 to vector<256x512xf32>
      %mul3A_1717 = arith.mulf %mul3A_1716, %dot_general3A_1703 : vector<256x512xf32>
      %sub3A_1718 = arith.subf %add3A_1714, %mul3A_1717 : vector<256x512xf32>
      %max3A_1719 = arith.constant 0.000000e+00 : f32
      %max3A_1720 = vector.broadcast %max3A_1719 : f32 to vector<256x512xf32>
      %max3A_1721 = arith.maximumf %sub3A_1718, %max3A_1720 : vector<256x512xf32>
      %slice3A_1722 = vector.extract_strided_slice %max3A_1721 {offsets = [0, 0], sizes = [128, 512], strides = [1, 1]} : vector<256x512xf32> to vector<128x512xf32>
      %slice3A_1723 = vector.extract_strided_slice %max3A_1721 {offsets = [128, 0], sizes = [128, 512], strides = [1, 1]} : vector<256x512xf32> to vector<128x512xf32>
      %slice3A_1724 = vector.extract_strided_slice %iota3A {offsets = [0, 0], sizes = [128, 512], strides = [1, 1]} : vector<256x512xi32> to vector<128x512xi32>
      %slice3A_1725 = vector.extract_strided_slice %iota3A {offsets = [128, 0], sizes = [128, 512], strides = [1, 1]} : vector<256x512xi32> to vector<128x512xi32>
      %lt3A_1726 = arith.cmpf olt, %slice3A_1723, %slice3A_1722 : vector<128x512xf32>
      %select_n3A_1727 = arith.select %lt3A_1726, %slice3A_1723, %slice3A_1722 : vector<128x512xi1>, vector<128x512xf32>
      %select_n3A_1728 = arith.select %lt3A_1726, %slice3A_1725, %slice3A_1724 : vector<128x512xi1>, vector<128x512xi32>
      %slice3A_1729 = vector.extract_strided_slice %select_n3A_1727 {offsets = [0, 0], sizes = [64, 512], strides = [1, 1]} : vector<128x512xf32> to vector<64x512xf32>
      %slice3A_1730 = vector.extract_strided_slice %select_n3A_1727 {offsets = [64, 0], sizes = [64, 512], strides = [1, 1]} : vector<128x512xf32> to vector<64x512xf32>
      %slice3A_1731 = vector.extract_strided_slice %select_n3A_1728 {offsets = [0, 0], sizes = [64, 512], strides = [1, 1]} : vector<128x512xi32> to vector<64x512xi32>
      %slice3A_1732 = vector.extract_strided_slice %select_n3A_1728 {offsets = [64, 0], sizes = [64, 512], strides = [1, 1]} : vector<128x512xi32> to vector<64x512xi32>
      %lt3A_1733 = arith.cmpf olt, %slice3A_1730, %slice3A_1729 : vector<64x512xf32>
      %select_n3A_1734 = arith.select %lt3A_1733, %slice3A_1730, %slice3A_1729 : vector<64x512xi1>, vector<64x512xf32>
      %select_n3A_1735 = arith.select %lt3A_1733, %slice3A_1732, %slice3A_1731 : vector<64x512xi1>, vector<64x512xi32>
      %slice3A_1736 = vector.extract_strided_slice %select_n3A_1734 {offsets = [0, 0], sizes = [32, 512], strides = [1, 1]} : vector<64x512xf32> to vector<32x512xf32>
      %slice3A_1737 = vector.extract_strided_slice %select_n3A_1734 {offsets = [32, 0], sizes = [32, 512], strides = [1, 1]} : vector<64x512xf32> to vector<32x512xf32>
      %slice3A_1738 = vector.extract_strided_slice %select_n3A_1735 {offsets = [0, 0], sizes = [32, 512], strides = [1, 1]} : vector<64x512xi32> to vector<32x512xi32>
      %slice3A_1739 = vector.extract_strided_slice %select_n3A_1735 {offsets = [32, 0], sizes = [32, 512], strides = [1, 1]} : vector<64x512xi32> to vector<32x512xi32>
      %lt3A_1740 = arith.cmpf olt, %slice3A_1737, %slice3A_1736 : vector<32x512xf32>
      %select_n3A_1741 = arith.select %lt3A_1740, %slice3A_1737, %slice3A_1736 : vector<32x512xi1>, vector<32x512xf32>
      %select_n3A_1742 = arith.select %lt3A_1740, %slice3A_1739, %slice3A_1738 : vector<32x512xi1>, vector<32x512xi32>
      %slice3A_1743 = vector.extract_strided_slice %select_n3A_1741 {offsets = [0, 0], sizes = [16, 512], strides = [1, 1]} : vector<32x512xf32> to vector<16x512xf32>
      %slice3A_1744 = vector.extract_strided_slice %select_n3A_1741 {offsets = [16, 0], sizes = [16, 512], strides = [1, 1]} : vector<32x512xf32> to vector<16x512xf32>
      %slice3A_1745 = vector.extract_strided_slice %select_n3A_1742 {offsets = [0, 0], sizes = [16, 512], strides = [1, 1]} : vector<32x512xi32> to vector<16x512xi32>
      %slice3A_1746 = vector.extract_strided_slice %select_n3A_1742 {offsets = [16, 0], sizes = [16, 512], strides = [1, 1]} : vector<32x512xi32> to vector<16x512xi32>
      %lt3A_1747 = arith.cmpf olt, %slice3A_1744, %slice3A_1743 : vector<16x512xf32>
      %select_n3A_1748 = arith.select %lt3A_1747, %slice3A_1744, %slice3A_1743 : vector<16x512xi1>, vector<16x512xf32>
      %select_n3A_1749 = arith.select %lt3A_1747, %slice3A_1746, %slice3A_1745 : vector<16x512xi1>, vector<16x512xi32>
      %slice3A_1750 = vector.extract_strided_slice %select_n3A_1748 {offsets = [0, 0], sizes = [8, 512], strides = [1, 1]} : vector<16x512xf32> to vector<8x512xf32>
      %slice3A_1751 = vector.extract_strided_slice %select_n3A_1748 {offsets = [8, 0], sizes = [8, 512], strides = [1, 1]} : vector<16x512xf32> to vector<8x512xf32>
      %slice3A_1752 = vector.extract_strided_slice %select_n3A_1749 {offsets = [0, 0], sizes = [8, 512], strides = [1, 1]} : vector<16x512xi32> to vector<8x512xi32>
      %slice3A_1753 = vector.extract_strided_slice %select_n3A_1749 {offsets = [8, 0], sizes = [8, 512], strides = [1, 1]} : vector<16x512xi32> to vector<8x512xi32>
      %lt3A_1754 = arith.cmpf olt, %slice3A_1751, %slice3A_1750 : vector<8x512xf32>
      %select_n3A_1755 = arith.select %lt3A_1754, %slice3A_1751, %slice3A_1750 : vector<8x512xi1>, vector<8x512xf32>
      %select_n3A_1756 = arith.select %lt3A_1754, %slice3A_1753, %slice3A_1752 : vector<8x512xi1>, vector<8x512xi32>
      %slice3A_1757 = vector.extract_strided_slice %select_n3A_1755 {offsets = [0, 0], sizes = [4, 512], strides = [1, 1]} : vector<8x512xf32> to vector<4x512xf32>
      %slice3A_1758 = vector.extract_strided_slice %select_n3A_1755 {offsets = [4, 0], sizes = [4, 512], strides = [1, 1]} : vector<8x512xf32> to vector<4x512xf32>
      %slice3A_1759 = vector.extract_strided_slice %select_n3A_1756 {offsets = [0, 0], sizes = [4, 512], strides = [1, 1]} : vector<8x512xi32> to vector<4x512xi32>
      %slice3A_1760 = vector.extract_strided_slice %select_n3A_1756 {offsets = [4, 0], sizes = [4, 512], strides = [1, 1]} : vector<8x512xi32> to vector<4x512xi32>
      %lt3A_1761 = arith.cmpf olt, %slice3A_1758, %slice3A_1757 : vector<4x512xf32>
      %select_n3A_1762 = arith.select %lt3A_1761, %slice3A_1758, %slice3A_1757 : vector<4x512xi1>, vector<4x512xf32>
      %select_n3A_1763 = arith.select %lt3A_1761, %slice3A_1760, %slice3A_1759 : vector<4x512xi1>, vector<4x512xi32>
      %slice3A_1764 = vector.extract_strided_slice %select_n3A_1762 {offsets = [0, 0], sizes = [2, 512], strides = [1, 1]} : vector<4x512xf32> to vector<2x512xf32>
      %slice3A_1765 = vector.extract_strided_slice %select_n3A_1762 {offsets = [2, 0], sizes = [2, 512], strides = [1, 1]} : vector<4x512xf32> to vector<2x512xf32>
      %slice3A_1766 = vector.extract_strided_slice %select_n3A_1763 {offsets = [0, 0], sizes = [2, 512], strides = [1, 1]} : vector<4x512xi32> to vector<2x512xi32>
      %slice3A_1767 = vector.extract_strided_slice %select_n3A_1763 {offsets = [2, 0], sizes = [2, 512], strides = [1, 1]} : vector<4x512xi32> to vector<2x512xi32>
      %lt3A_1768 = arith.cmpf olt, %slice3A_1765, %slice3A_1764 : vector<2x512xf32>
      %select_n3A_1769 = arith.select %lt3A_1768, %slice3A_1765, %slice3A_1764 : vector<2x512xi1>, vector<2x512xf32>
      %select_n3A_1770 = arith.select %lt3A_1768, %slice3A_1767, %slice3A_1766 : vector<2x512xi1>, vector<2x512xi32>
      %slice3A_1771 = vector.extract_strided_slice %select_n3A_1769 {offsets = [0, 0], sizes = [1, 512], strides = [1, 1]} : vector<2x512xf32> to vector<1x512xf32>
      %slice3A_1772 = vector.extract_strided_slice %select_n3A_1769 {offsets = [1, 0], sizes = [1, 512], strides = [1, 1]} : vector<2x512xf32> to vector<1x512xf32>
      %slice3A_1773 = vector.extract_strided_slice %select_n3A_1770 {offsets = [0, 0], sizes = [1, 512], strides = [1, 1]} : vector<2x512xi32> to vector<1x512xi32>
      %slice3A_1774 = vector.extract_strided_slice %select_n3A_1770 {offsets = [1, 0], sizes = [1, 512], strides = [1, 1]} : vector<2x512xi32> to vector<1x512xi32>
      %lt3A_1775 = arith.cmpf olt, %slice3A_1772, %slice3A_1771 : vector<1x512xf32>
      %select_n3A_1776 = arith.select %lt3A_1775, %slice3A_1774, %slice3A_1773 : vector<1x512xi1>, vector<1x512xi32>
      %squeeze3A_1777 = vector.shape_cast %select_n3A_1776 : vector<1x512xi32> to vector<512xi32>
      %broadcast_in_dim3A_1778 = vector.shape_cast %squeeze3A_1777 : vector<512xi32> to vector<1x512xi32>
      %eq3A_1779 = vector.broadcast %broadcast_in_dim3A_1778 : vector<1x512xi32> to vector<256x512xi32>
      %eq3A_1780 = arith.cmpi eq, %iota3A, %eq3A_1779 : vector<256x512xi32>
      %convert_element_type3A_1781 = arith.extui %eq3A_1780 : vector<256x512xi1> to vector<256x512xi32>
      %convert_element_type3A_1782 = arith.sitofp %convert_element_type3A_1781 : vector<256x512xi32> to vector<256x512xf32>
      %dot_general3A_1783 = arith.constant dense<0.000000e+00> : vector<256x4xf32>
      %dot_general3A_1784 = tpu.matmul %convert_element_type3A_1782, %get3A_108, %dot_general3A_1783 {dimension_numbers = #tpu.dot_dimension_numbers<[1], [0], [0], [1], [0, 0, 1, 1], [], []>, transpose_lhs_hint = false} : vector<256x512xf32>, vector<512x4xf32>, vector<256x4xf32> -> vector<256x4xf32>
      %slice3A_1785 = vector.extract_strided_slice %dot_general3A_1784 {offsets = [0, 3], sizes = [256, 1], strides = [1, 1]} : vector<256x4xf32> to vector<256x1xf32>
      %slice3A_1786 = vector.extract_strided_slice %dot_general3A_1784 {offsets = [0, 0], sizes = [256, 3], strides = [1, 1]} : vector<256x4xf32> to vector<256x3xf32>
      %max3A_1787 = arith.constant 1.000000e+00 : f32
      %max3A_1788 = vector.broadcast %max3A_1787 : f32 to vector<256x1xf32>
      %max3A_1789 = arith.maximumf %slice3A_1785, %max3A_1788 : vector<256x1xf32>
      %div3A_1790 = vector.broadcast %max3A_1789 : vector<256x1xf32> to vector<256x3xf32>
      %div3A_1791 = arith.divf %slice3A_1786, %div3A_1790 : vector<256x3xf32>
      %gt3A_1792 = arith.constant 0.000000e+00 : f32
      %gt3A_1793 = vector.broadcast %gt3A_1792 : f32 to vector<256x1xf32>
      %gt3A_1794 = arith.cmpf ogt, %slice3A_1785, %gt3A_1793 : vector<256x1xf32>
      %convert_element_type3A_1795 = arith.extui %gt3A_1794 : vector<256x1xi1> to vector<256x1xi32>
      %convert_element_type3A_1796 = arith.sitofp %convert_element_type3A_1795 : vector<256x1xi32> to vector<256x1xf32>
      %mul3A_1797 = vector.broadcast %convert_element_type3A_1796 : vector<256x1xf32> to vector<256x3xf32>
      %mul3A_1798 = arith.mulf %div3A_1791, %mul3A_1797 : vector<256x3xf32>
      %sub3A_1799 = arith.constant 1.000000e+00 : f32
      %sub3A_1800 = vector.broadcast %sub3A_1799 : f32 to vector<256x1xf32>
      %sub3A_1801 = arith.subf %sub3A_1800, %convert_element_type3A_1796 : vector<256x1xf32>
      %mul3A_1802 = vector.broadcast %sub3A_1801 : vector<256x1xf32> to vector<256x3xf32>
      %mul3A_1803 = arith.mulf %scan3A_1186, %mul3A_1802 : vector<256x3xf32>
      %add3A_1804 = arith.addf %mul3A_1798, %mul3A_1803 : vector<256x3xf32>
      %dot_general3A_1805 = arith.constant dense<0.000000e+00> : vector<256x512xf32>
      %dot_general3A_1806 = tpu.matmul %scan3A_1187, %get3A_135, %dot_general3A_1805 {dimension_numbers = #tpu.dot_dimension_numbers<[1], [0], [0], [1], [0, 0, 1, 1], [], []>, transpose_lhs_hint = false} : vector<256x3xf32>, vector<3x512xf32>, vector<256x512xf32> -> vector<256x512xf32>
      %slice3A_1807 = vector.extract_strided_slice %scan3A_1187 {offsets = [0, 0], sizes = [256, 1], strides = [1, 1]} : vector<256x3xf32> to vector<256x1xf32>
      %slice3A_1808 = vector.extract_strided_slice %scan3A_1187 {offsets = [0, 1], sizes = [256, 1], strides = [1, 1]} : vector<256x3xf32> to vector<256x1xf32>
      %slice3A_1809 = vector.extract_strided_slice %scan3A_1187 {offsets = [0, 2], sizes = [256, 1], strides = [1, 1]} : vector<256x3xf32> to vector<256x1xf32>
      %mul3A_1810 = arith.mulf %slice3A_1807, %slice3A_1807 : vector<256x1xf32>
      %mul3A_1811 = arith.mulf %slice3A_1808, %slice3A_1808 : vector<256x1xf32>
      %add3A_1812 = arith.addf %mul3A_1810, %mul3A_1811 : vector<256x1xf32>
      %mul3A_1813 = arith.mulf %slice3A_1809, %slice3A_1809 : vector<256x1xf32>
      %add3A_1814 = arith.addf %add3A_1812, %mul3A_1813 : vector<256x1xf32>
      %add3A_1815 = vector.broadcast %broadcast_in_dim3A_147 : vector<1x512xf32> to vector<256x512xf32>
      %add3A_1816 = vector.broadcast %add3A_1814 : vector<256x1xf32> to vector<256x512xf32>
      %add3A_1817 = arith.addf %add3A_1815, %add3A_1816 : vector<256x512xf32>
      %mul3A_1818 = arith.constant 2.000000e+00 : f32
      %mul3A_1819 = vector.broadcast %mul3A_1818 : f32 to vector<256x512xf32>
      %mul3A_1820 = arith.mulf %mul3A_1819, %dot_general3A_1806 : vector<256x512xf32>
      %sub3A_1821 = arith.subf %add3A_1817, %mul3A_1820 : vector<256x512xf32>
      %max3A_1822 = arith.constant 0.000000e+00 : f32
      %max3A_1823 = vector.broadcast %max3A_1822 : f32 to vector<256x512xf32>
      %max3A_1824 = arith.maximumf %sub3A_1821, %max3A_1823 : vector<256x512xf32>
      %slice3A_1825 = vector.extract_strided_slice %max3A_1824 {offsets = [0, 0], sizes = [128, 512], strides = [1, 1]} : vector<256x512xf32> to vector<128x512xf32>
      %slice3A_1826 = vector.extract_strided_slice %max3A_1824 {offsets = [128, 0], sizes = [128, 512], strides = [1, 1]} : vector<256x512xf32> to vector<128x512xf32>
      %slice3A_1827 = vector.extract_strided_slice %iota3A {offsets = [0, 0], sizes = [128, 512], strides = [1, 1]} : vector<256x512xi32> to vector<128x512xi32>
      %slice3A_1828 = vector.extract_strided_slice %iota3A {offsets = [128, 0], sizes = [128, 512], strides = [1, 1]} : vector<256x512xi32> to vector<128x512xi32>
      %lt3A_1829 = arith.cmpf olt, %slice3A_1826, %slice3A_1825 : vector<128x512xf32>
      %select_n3A_1830 = arith.select %lt3A_1829, %slice3A_1826, %slice3A_1825 : vector<128x512xi1>, vector<128x512xf32>
      %select_n3A_1831 = arith.select %lt3A_1829, %slice3A_1828, %slice3A_1827 : vector<128x512xi1>, vector<128x512xi32>
      %slice3A_1832 = vector.extract_strided_slice %select_n3A_1830 {offsets = [0, 0], sizes = [64, 512], strides = [1, 1]} : vector<128x512xf32> to vector<64x512xf32>
      %slice3A_1833 = vector.extract_strided_slice %select_n3A_1830 {offsets = [64, 0], sizes = [64, 512], strides = [1, 1]} : vector<128x512xf32> to vector<64x512xf32>
      %slice3A_1834 = vector.extract_strided_slice %select_n3A_1831 {offsets = [0, 0], sizes = [64, 512], strides = [1, 1]} : vector<128x512xi32> to vector<64x512xi32>
      %slice3A_1835 = vector.extract_strided_slice %select_n3A_1831 {offsets = [64, 0], sizes = [64, 512], strides = [1, 1]} : vector<128x512xi32> to vector<64x512xi32>
      %lt3A_1836 = arith.cmpf olt, %slice3A_1833, %slice3A_1832 : vector<64x512xf32>
      %select_n3A_1837 = arith.select %lt3A_1836, %slice3A_1833, %slice3A_1832 : vector<64x512xi1>, vector<64x512xf32>
      %select_n3A_1838 = arith.select %lt3A_1836, %slice3A_1835, %slice3A_1834 : vector<64x512xi1>, vector<64x512xi32>
      %slice3A_1839 = vector.extract_strided_slice %select_n3A_1837 {offsets = [0, 0], sizes = [32, 512], strides = [1, 1]} : vector<64x512xf32> to vector<32x512xf32>
      %slice3A_1840 = vector.extract_strided_slice %select_n3A_1837 {offsets = [32, 0], sizes = [32, 512], strides = [1, 1]} : vector<64x512xf32> to vector<32x512xf32>
      %slice3A_1841 = vector.extract_strided_slice %select_n3A_1838 {offsets = [0, 0], sizes = [32, 512], strides = [1, 1]} : vector<64x512xi32> to vector<32x512xi32>
      %slice3A_1842 = vector.extract_strided_slice %select_n3A_1838 {offsets = [32, 0], sizes = [32, 512], strides = [1, 1]} : vector<64x512xi32> to vector<32x512xi32>
      %lt3A_1843 = arith.cmpf olt, %slice3A_1840, %slice3A_1839 : vector<32x512xf32>
      %select_n3A_1844 = arith.select %lt3A_1843, %slice3A_1840, %slice3A_1839 : vector<32x512xi1>, vector<32x512xf32>
      %select_n3A_1845 = arith.select %lt3A_1843, %slice3A_1842, %slice3A_1841 : vector<32x512xi1>, vector<32x512xi32>
      %slice3A_1846 = vector.extract_strided_slice %select_n3A_1844 {offsets = [0, 0], sizes = [16, 512], strides = [1, 1]} : vector<32x512xf32> to vector<16x512xf32>
      %slice3A_1847 = vector.extract_strided_slice %select_n3A_1844 {offsets = [16, 0], sizes = [16, 512], strides = [1, 1]} : vector<32x512xf32> to vector<16x512xf32>
      %slice3A_1848 = vector.extract_strided_slice %select_n3A_1845 {offsets = [0, 0], sizes = [16, 512], strides = [1, 1]} : vector<32x512xi32> to vector<16x512xi32>
      %slice3A_1849 = vector.extract_strided_slice %select_n3A_1845 {offsets = [16, 0], sizes = [16, 512], strides = [1, 1]} : vector<32x512xi32> to vector<16x512xi32>
      %lt3A_1850 = arith.cmpf olt, %slice3A_1847, %slice3A_1846 : vector<16x512xf32>
      %select_n3A_1851 = arith.select %lt3A_1850, %slice3A_1847, %slice3A_1846 : vector<16x512xi1>, vector<16x512xf32>
      %select_n3A_1852 = arith.select %lt3A_1850, %slice3A_1849, %slice3A_1848 : vector<16x512xi1>, vector<16x512xi32>
      %slice3A_1853 = vector.extract_strided_slice %select_n3A_1851 {offsets = [0, 0], sizes = [8, 512], strides = [1, 1]} : vector<16x512xf32> to vector<8x512xf32>
      %slice3A_1854 = vector.extract_strided_slice %select_n3A_1851 {offsets = [8, 0], sizes = [8, 512], strides = [1, 1]} : vector<16x512xf32> to vector<8x512xf32>
      %slice3A_1855 = vector.extract_strided_slice %select_n3A_1852 {offsets = [0, 0], sizes = [8, 512], strides = [1, 1]} : vector<16x512xi32> to vector<8x512xi32>
      %slice3A_1856 = vector.extract_strided_slice %select_n3A_1852 {offsets = [8, 0], sizes = [8, 512], strides = [1, 1]} : vector<16x512xi32> to vector<8x512xi32>
      %lt3A_1857 = arith.cmpf olt, %slice3A_1854, %slice3A_1853 : vector<8x512xf32>
      %select_n3A_1858 = arith.select %lt3A_1857, %slice3A_1854, %slice3A_1853 : vector<8x512xi1>, vector<8x512xf32>
      %select_n3A_1859 = arith.select %lt3A_1857, %slice3A_1856, %slice3A_1855 : vector<8x512xi1>, vector<8x512xi32>
      %slice3A_1860 = vector.extract_strided_slice %select_n3A_1858 {offsets = [0, 0], sizes = [4, 512], strides = [1, 1]} : vector<8x512xf32> to vector<4x512xf32>
      %slice3A_1861 = vector.extract_strided_slice %select_n3A_1858 {offsets = [4, 0], sizes = [4, 512], strides = [1, 1]} : vector<8x512xf32> to vector<4x512xf32>
      %slice3A_1862 = vector.extract_strided_slice %select_n3A_1859 {offsets = [0, 0], sizes = [4, 512], strides = [1, 1]} : vector<8x512xi32> to vector<4x512xi32>
      %slice3A_1863 = vector.extract_strided_slice %select_n3A_1859 {offsets = [4, 0], sizes = [4, 512], strides = [1, 1]} : vector<8x512xi32> to vector<4x512xi32>
      %lt3A_1864 = arith.cmpf olt, %slice3A_1861, %slice3A_1860 : vector<4x512xf32>
      %select_n3A_1865 = arith.select %lt3A_1864, %slice3A_1861, %slice3A_1860 : vector<4x512xi1>, vector<4x512xf32>
      %select_n3A_1866 = arith.select %lt3A_1864, %slice3A_1863, %slice3A_1862 : vector<4x512xi1>, vector<4x512xi32>
      %slice3A_1867 = vector.extract_strided_slice %select_n3A_1865 {offsets = [0, 0], sizes = [2, 512], strides = [1, 1]} : vector<4x512xf32> to vector<2x512xf32>
      %slice3A_1868 = vector.extract_strided_slice %select_n3A_1865 {offsets = [2, 0], sizes = [2, 512], strides = [1, 1]} : vector<4x512xf32> to vector<2x512xf32>
      %slice3A_1869 = vector.extract_strided_slice %select_n3A_1866 {offsets = [0, 0], sizes = [2, 512], strides = [1, 1]} : vector<4x512xi32> to vector<2x512xi32>
      %slice3A_1870 = vector.extract_strided_slice %select_n3A_1866 {offsets = [2, 0], sizes = [2, 512], strides = [1, 1]} : vector<4x512xi32> to vector<2x512xi32>
      %lt3A_1871 = arith.cmpf olt, %slice3A_1868, %slice3A_1867 : vector<2x512xf32>
      %select_n3A_1872 = arith.select %lt3A_1871, %slice3A_1868, %slice3A_1867 : vector<2x512xi1>, vector<2x512xf32>
      %select_n3A_1873 = arith.select %lt3A_1871, %slice3A_1870, %slice3A_1869 : vector<2x512xi1>, vector<2x512xi32>
      %slice3A_1874 = vector.extract_strided_slice %select_n3A_1872 {offsets = [0, 0], sizes = [1, 512], strides = [1, 1]} : vector<2x512xf32> to vector<1x512xf32>
      %slice3A_1875 = vector.extract_strided_slice %select_n3A_1872 {offsets = [1, 0], sizes = [1, 512], strides = [1, 1]} : vector<2x512xf32> to vector<1x512xf32>
      %slice3A_1876 = vector.extract_strided_slice %select_n3A_1873 {offsets = [0, 0], sizes = [1, 512], strides = [1, 1]} : vector<2x512xi32> to vector<1x512xi32>
      %slice3A_1877 = vector.extract_strided_slice %select_n3A_1873 {offsets = [1, 0], sizes = [1, 512], strides = [1, 1]} : vector<2x512xi32> to vector<1x512xi32>
      %lt3A_1878 = arith.cmpf olt, %slice3A_1875, %slice3A_1874 : vector<1x512xf32>
      %select_n3A_1879 = arith.select %lt3A_1878, %slice3A_1877, %slice3A_1876 : vector<1x512xi1>, vector<1x512xi32>
      %squeeze3A_1880 = vector.shape_cast %select_n3A_1879 : vector<1x512xi32> to vector<512xi32>
      %broadcast_in_dim3A_1881 = vector.shape_cast %squeeze3A_1880 : vector<512xi32> to vector<1x512xi32>
      %eq3A_1882 = vector.broadcast %broadcast_in_dim3A_1881 : vector<1x512xi32> to vector<256x512xi32>
      %eq3A_1883 = arith.cmpi eq, %iota3A, %eq3A_1882 : vector<256x512xi32>
      %convert_element_type3A_1884 = arith.extui %eq3A_1883 : vector<256x512xi1> to vector<256x512xi32>
      %convert_element_type3A_1885 = arith.sitofp %convert_element_type3A_1884 : vector<256x512xi32> to vector<256x512xf32>
      %dot_general3A_1886 = arith.constant dense<0.000000e+00> : vector<256x4xf32>
      %dot_general3A_1887 = tpu.matmul %convert_element_type3A_1885, %get3A_130, %dot_general3A_1886 {dimension_numbers = #tpu.dot_dimension_numbers<[1], [0], [0], [1], [0, 0, 1, 1], [], []>, transpose_lhs_hint = false} : vector<256x512xf32>, vector<512x4xf32>, vector<256x4xf32> -> vector<256x4xf32>
      %slice3A_1888 = vector.extract_strided_slice %dot_general3A_1887 {offsets = [0, 3], sizes = [256, 1], strides = [1, 1]} : vector<256x4xf32> to vector<256x1xf32>
      %slice3A_1889 = vector.extract_strided_slice %dot_general3A_1887 {offsets = [0, 0], sizes = [256, 3], strides = [1, 1]} : vector<256x4xf32> to vector<256x3xf32>
      %max3A_1890 = arith.constant 1.000000e+00 : f32
      %max3A_1891 = vector.broadcast %max3A_1890 : f32 to vector<256x1xf32>
      %max3A_1892 = arith.maximumf %slice3A_1888, %max3A_1891 : vector<256x1xf32>
      %div3A_1893 = vector.broadcast %max3A_1892 : vector<256x1xf32> to vector<256x3xf32>
      %div3A_1894 = arith.divf %slice3A_1889, %div3A_1893 : vector<256x3xf32>
      %gt3A_1895 = arith.constant 0.000000e+00 : f32
      %gt3A_1896 = vector.broadcast %gt3A_1895 : f32 to vector<256x1xf32>
      %gt3A_1897 = arith.cmpf ogt, %slice3A_1888, %gt3A_1896 : vector<256x1xf32>
      %convert_element_type3A_1898 = arith.extui %gt3A_1897 : vector<256x1xi1> to vector<256x1xi32>
      %convert_element_type3A_1899 = arith.sitofp %convert_element_type3A_1898 : vector<256x1xi32> to vector<256x1xf32>
      %mul3A_1900 = vector.broadcast %convert_element_type3A_1899 : vector<256x1xf32> to vector<256x3xf32>
      %mul3A_1901 = arith.mulf %div3A_1894, %mul3A_1900 : vector<256x3xf32>
      %sub3A_1902 = arith.constant 1.000000e+00 : f32
      %sub3A_1903 = vector.broadcast %sub3A_1902 : f32 to vector<256x1xf32>
      %sub3A_1904 = arith.subf %sub3A_1903, %convert_element_type3A_1899 : vector<256x1xf32>
      %mul3A_1905 = vector.broadcast %sub3A_1904 : vector<256x1xf32> to vector<256x3xf32>
      %mul3A_1906 = arith.mulf %scan3A_1187, %mul3A_1905 : vector<256x3xf32>
      %add3A_1907 = arith.addf %mul3A_1901, %mul3A_1906 : vector<256x3xf32>
      %dot_general3A_1908 = arith.constant dense<0.000000e+00> : vector<256x512xf32>
      %dot_general3A_1909 = tpu.matmul %scan3A_1188, %get3A_157, %dot_general3A_1908 {dimension_numbers = #tpu.dot_dimension_numbers<[1], [0], [0], [1], [0, 0, 1, 1], [], []>, transpose_lhs_hint = false} : vector<256x3xf32>, vector<3x512xf32>, vector<256x512xf32> -> vector<256x512xf32>
      %slice3A_1910 = vector.extract_strided_slice %scan3A_1188 {offsets = [0, 0], sizes = [256, 1], strides = [1, 1]} : vector<256x3xf32> to vector<256x1xf32>
      %slice3A_1911 = vector.extract_strided_slice %scan3A_1188 {offsets = [0, 1], sizes = [256, 1], strides = [1, 1]} : vector<256x3xf32> to vector<256x1xf32>
      %slice3A_1912 = vector.extract_strided_slice %scan3A_1188 {offsets = [0, 2], sizes = [256, 1], strides = [1, 1]} : vector<256x3xf32> to vector<256x1xf32>
      %mul3A_1913 = arith.mulf %slice3A_1910, %slice3A_1910 : vector<256x1xf32>
      %mul3A_1914 = arith.mulf %slice3A_1911, %slice3A_1911 : vector<256x1xf32>
      %add3A_1915 = arith.addf %mul3A_1913, %mul3A_1914 : vector<256x1xf32>
      %mul3A_1916 = arith.mulf %slice3A_1912, %slice3A_1912 : vector<256x1xf32>
      %add3A_1917 = arith.addf %add3A_1915, %mul3A_1916 : vector<256x1xf32>
      %add3A_1918 = vector.broadcast %broadcast_in_dim3A_169 : vector<1x512xf32> to vector<256x512xf32>
      %add3A_1919 = vector.broadcast %add3A_1917 : vector<256x1xf32> to vector<256x512xf32>
      %add3A_1920 = arith.addf %add3A_1918, %add3A_1919 : vector<256x512xf32>
      %mul3A_1921 = arith.constant 2.000000e+00 : f32
      %mul3A_1922 = vector.broadcast %mul3A_1921 : f32 to vector<256x512xf32>
      %mul3A_1923 = arith.mulf %mul3A_1922, %dot_general3A_1909 : vector<256x512xf32>
      %sub3A_1924 = arith.subf %add3A_1920, %mul3A_1923 : vector<256x512xf32>
      %max3A_1925 = arith.constant 0.000000e+00 : f32
      %max3A_1926 = vector.broadcast %max3A_1925 : f32 to vector<256x512xf32>
      %max3A_1927 = arith.maximumf %sub3A_1924, %max3A_1926 : vector<256x512xf32>
      %slice3A_1928 = vector.extract_strided_slice %max3A_1927 {offsets = [0, 0], sizes = [128, 512], strides = [1, 1]} : vector<256x512xf32> to vector<128x512xf32>
      %slice3A_1929 = vector.extract_strided_slice %max3A_1927 {offsets = [128, 0], sizes = [128, 512], strides = [1, 1]} : vector<256x512xf32> to vector<128x512xf32>
      %slice3A_1930 = vector.extract_strided_slice %iota3A {offsets = [0, 0], sizes = [128, 512], strides = [1, 1]} : vector<256x512xi32> to vector<128x512xi32>
      %slice3A_1931 = vector.extract_strided_slice %iota3A {offsets = [128, 0], sizes = [128, 512], strides = [1, 1]} : vector<256x512xi32> to vector<128x512xi32>
      %lt3A_1932 = arith.cmpf olt, %slice3A_1929, %slice3A_1928 : vector<128x512xf32>
      %select_n3A_1933 = arith.select %lt3A_1932, %slice3A_1929, %slice3A_1928 : vector<128x512xi1>, vector<128x512xf32>
      %select_n3A_1934 = arith.select %lt3A_1932, %slice3A_1931, %slice3A_1930 : vector<128x512xi1>, vector<128x512xi32>
      %slice3A_1935 = vector.extract_strided_slice %select_n3A_1933 {offsets = [0, 0], sizes = [64, 512], strides = [1, 1]} : vector<128x512xf32> to vector<64x512xf32>
      %slice3A_1936 = vector.extract_strided_slice %select_n3A_1933 {offsets = [64, 0], sizes = [64, 512], strides = [1, 1]} : vector<128x512xf32> to vector<64x512xf32>
      %slice3A_1937 = vector.extract_strided_slice %select_n3A_1934 {offsets = [0, 0], sizes = [64, 512], strides = [1, 1]} : vector<128x512xi32> to vector<64x512xi32>
      %slice3A_1938 = vector.extract_strided_slice %select_n3A_1934 {offsets = [64, 0], sizes = [64, 512], strides = [1, 1]} : vector<128x512xi32> to vector<64x512xi32>
      %lt3A_1939 = arith.cmpf olt, %slice3A_1936, %slice3A_1935 : vector<64x512xf32>
      %select_n3A_1940 = arith.select %lt3A_1939, %slice3A_1936, %slice3A_1935 : vector<64x512xi1>, vector<64x512xf32>
      %select_n3A_1941 = arith.select %lt3A_1939, %slice3A_1938, %slice3A_1937 : vector<64x512xi1>, vector<64x512xi32>
      %slice3A_1942 = vector.extract_strided_slice %select_n3A_1940 {offsets = [0, 0], sizes = [32, 512], strides = [1, 1]} : vector<64x512xf32> to vector<32x512xf32>
      %slice3A_1943 = vector.extract_strided_slice %select_n3A_1940 {offsets = [32, 0], sizes = [32, 512], strides = [1, 1]} : vector<64x512xf32> to vector<32x512xf32>
      %slice3A_1944 = vector.extract_strided_slice %select_n3A_1941 {offsets = [0, 0], sizes = [32, 512], strides = [1, 1]} : vector<64x512xi32> to vector<32x512xi32>
      %slice3A_1945 = vector.extract_strided_slice %select_n3A_1941 {offsets = [32, 0], sizes = [32, 512], strides = [1, 1]} : vector<64x512xi32> to vector<32x512xi32>
      %lt3A_1946 = arith.cmpf olt, %slice3A_1943, %slice3A_1942 : vector<32x512xf32>
      %select_n3A_1947 = arith.select %lt3A_1946, %slice3A_1943, %slice3A_1942 : vector<32x512xi1>, vector<32x512xf32>
      %select_n3A_1948 = arith.select %lt3A_1946, %slice3A_1945, %slice3A_1944 : vector<32x512xi1>, vector<32x512xi32>
      %slice3A_1949 = vector.extract_strided_slice %select_n3A_1947 {offsets = [0, 0], sizes = [16, 512], strides = [1, 1]} : vector<32x512xf32> to vector<16x512xf32>
      %slice3A_1950 = vector.extract_strided_slice %select_n3A_1947 {offsets = [16, 0], sizes = [16, 512], strides = [1, 1]} : vector<32x512xf32> to vector<16x512xf32>
      %slice3A_1951 = vector.extract_strided_slice %select_n3A_1948 {offsets = [0, 0], sizes = [16, 512], strides = [1, 1]} : vector<32x512xi32> to vector<16x512xi32>
      %slice3A_1952 = vector.extract_strided_slice %select_n3A_1948 {offsets = [16, 0], sizes = [16, 512], strides = [1, 1]} : vector<32x512xi32> to vector<16x512xi32>
      %lt3A_1953 = arith.cmpf olt, %slice3A_1950, %slice3A_1949 : vector<16x512xf32>
      %select_n3A_1954 = arith.select %lt3A_1953, %slice3A_1950, %slice3A_1949 : vector<16x512xi1>, vector<16x512xf32>
      %select_n3A_1955 = arith.select %lt3A_1953, %slice3A_1952, %slice3A_1951 : vector<16x512xi1>, vector<16x512xi32>
      %slice3A_1956 = vector.extract_strided_slice %select_n3A_1954 {offsets = [0, 0], sizes = [8, 512], strides = [1, 1]} : vector<16x512xf32> to vector<8x512xf32>
      %slice3A_1957 = vector.extract_strided_slice %select_n3A_1954 {offsets = [8, 0], sizes = [8, 512], strides = [1, 1]} : vector<16x512xf32> to vector<8x512xf32>
      %slice3A_1958 = vector.extract_strided_slice %select_n3A_1955 {offsets = [0, 0], sizes = [8, 512], strides = [1, 1]} : vector<16x512xi32> to vector<8x512xi32>
      %slice3A_1959 = vector.extract_strided_slice %select_n3A_1955 {offsets = [8, 0], sizes = [8, 512], strides = [1, 1]} : vector<16x512xi32> to vector<8x512xi32>
      %lt3A_1960 = arith.cmpf olt, %slice3A_1957, %slice3A_1956 : vector<8x512xf32>
      %select_n3A_1961 = arith.select %lt3A_1960, %slice3A_1957, %slice3A_1956 : vector<8x512xi1>, vector<8x512xf32>
      %select_n3A_1962 = arith.select %lt3A_1960, %slice3A_1959, %slice3A_1958 : vector<8x512xi1>, vector<8x512xi32>
      %slice3A_1963 = vector.extract_strided_slice %select_n3A_1961 {offsets = [0, 0], sizes = [4, 512], strides = [1, 1]} : vector<8x512xf32> to vector<4x512xf32>
      %slice3A_1964 = vector.extract_strided_slice %select_n3A_1961 {offsets = [4, 0], sizes = [4, 512], strides = [1, 1]} : vector<8x512xf32> to vector<4x512xf32>
      %slice3A_1965 = vector.extract_strided_slice %select_n3A_1962 {offsets = [0, 0], sizes = [4, 512], strides = [1, 1]} : vector<8x512xi32> to vector<4x512xi32>
      %slice3A_1966 = vector.extract_strided_slice %select_n3A_1962 {offsets = [4, 0], sizes = [4, 512], strides = [1, 1]} : vector<8x512xi32> to vector<4x512xi32>
      %lt3A_1967 = arith.cmpf olt, %slice3A_1964, %slice3A_1963 : vector<4x512xf32>
      %select_n3A_1968 = arith.select %lt3A_1967, %slice3A_1964, %slice3A_1963 : vector<4x512xi1>, vector<4x512xf32>
      %select_n3A_1969 = arith.select %lt3A_1967, %slice3A_1966, %slice3A_1965 : vector<4x512xi1>, vector<4x512xi32>
      %slice3A_1970 = vector.extract_strided_slice %select_n3A_1968 {offsets = [0, 0], sizes = [2, 512], strides = [1, 1]} : vector<4x512xf32> to vector<2x512xf32>
      %slice3A_1971 = vector.extract_strided_slice %select_n3A_1968 {offsets = [2, 0], sizes = [2, 512], strides = [1, 1]} : vector<4x512xf32> to vector<2x512xf32>
      %slice3A_1972 = vector.extract_strided_slice %select_n3A_1969 {offsets = [0, 0], sizes = [2, 512], strides = [1, 1]} : vector<4x512xi32> to vector<2x512xi32>
      %slice3A_1973 = vector.extract_strided_slice %select_n3A_1969 {offsets = [2, 0], sizes = [2, 512], strides = [1, 1]} : vector<4x512xi32> to vector<2x512xi32>
      %lt3A_1974 = arith.cmpf olt, %slice3A_1971, %slice3A_1970 : vector<2x512xf32>
      %select_n3A_1975 = arith.select %lt3A_1974, %slice3A_1971, %slice3A_1970 : vector<2x512xi1>, vector<2x512xf32>
      %select_n3A_1976 = arith.select %lt3A_1974, %slice3A_1973, %slice3A_1972 : vector<2x512xi1>, vector<2x512xi32>
      %slice3A_1977 = vector.extract_strided_slice %select_n3A_1975 {offsets = [0, 0], sizes = [1, 512], strides = [1, 1]} : vector<2x512xf32> to vector<1x512xf32>
      %slice3A_1978 = vector.extract_strided_slice %select_n3A_1975 {offsets = [1, 0], sizes = [1, 512], strides = [1, 1]} : vector<2x512xf32> to vector<1x512xf32>
      %slice3A_1979 = vector.extract_strided_slice %select_n3A_1976 {offsets = [0, 0], sizes = [1, 512], strides = [1, 1]} : vector<2x512xi32> to vector<1x512xi32>
      %slice3A_1980 = vector.extract_strided_slice %select_n3A_1976 {offsets = [1, 0], sizes = [1, 512], strides = [1, 1]} : vector<2x512xi32> to vector<1x512xi32>
      %lt3A_1981 = arith.cmpf olt, %slice3A_1978, %slice3A_1977 : vector<1x512xf32>
      %select_n3A_1982 = arith.select %lt3A_1981, %slice3A_1980, %slice3A_1979 : vector<1x512xi1>, vector<1x512xi32>
      %squeeze3A_1983 = vector.shape_cast %select_n3A_1982 : vector<1x512xi32> to vector<512xi32>
      %broadcast_in_dim3A_1984 = vector.shape_cast %squeeze3A_1983 : vector<512xi32> to vector<1x512xi32>
      %eq3A_1985 = vector.broadcast %broadcast_in_dim3A_1984 : vector<1x512xi32> to vector<256x512xi32>
      %eq3A_1986 = arith.cmpi eq, %iota3A, %eq3A_1985 : vector<256x512xi32>
      %convert_element_type3A_1987 = arith.extui %eq3A_1986 : vector<256x512xi1> to vector<256x512xi32>
      %convert_element_type3A_1988 = arith.sitofp %convert_element_type3A_1987 : vector<256x512xi32> to vector<256x512xf32>
      %dot_general3A_1989 = arith.constant dense<0.000000e+00> : vector<256x4xf32>
      %dot_general3A_1990 = tpu.matmul %convert_element_type3A_1988, %get3A_152, %dot_general3A_1989 {dimension_numbers = #tpu.dot_dimension_numbers<[1], [0], [0], [1], [0, 0, 1, 1], [], []>, transpose_lhs_hint = false} : vector<256x512xf32>, vector<512x4xf32>, vector<256x4xf32> -> vector<256x4xf32>
      %slice3A_1991 = vector.extract_strided_slice %dot_general3A_1990 {offsets = [0, 3], sizes = [256, 1], strides = [1, 1]} : vector<256x4xf32> to vector<256x1xf32>
      %slice3A_1992 = vector.extract_strided_slice %dot_general3A_1990 {offsets = [0, 0], sizes = [256, 3], strides = [1, 1]} : vector<256x4xf32> to vector<256x3xf32>
      %max3A_1993 = arith.constant 1.000000e+00 : f32
      %max3A_1994 = vector.broadcast %max3A_1993 : f32 to vector<256x1xf32>
      %max3A_1995 = arith.maximumf %slice3A_1991, %max3A_1994 : vector<256x1xf32>
      %div3A_1996 = vector.broadcast %max3A_1995 : vector<256x1xf32> to vector<256x3xf32>
      %div3A_1997 = arith.divf %slice3A_1992, %div3A_1996 : vector<256x3xf32>
      %gt3A_1998 = arith.constant 0.000000e+00 : f32
      %gt3A_1999 = vector.broadcast %gt3A_1998 : f32 to vector<256x1xf32>
      %gt3A_2000 = arith.cmpf ogt, %slice3A_1991, %gt3A_1999 : vector<256x1xf32>
      %convert_element_type3A_2001 = arith.extui %gt3A_2000 : vector<256x1xi1> to vector<256x1xi32>
      %convert_element_type3A_2002 = arith.sitofp %convert_element_type3A_2001 : vector<256x1xi32> to vector<256x1xf32>
      %mul3A_2003 = vector.broadcast %convert_element_type3A_2002 : vector<256x1xf32> to vector<256x3xf32>
      %mul3A_2004 = arith.mulf %div3A_1997, %mul3A_2003 : vector<256x3xf32>
      %sub3A_2005 = arith.constant 1.000000e+00 : f32
      %sub3A_2006 = vector.broadcast %sub3A_2005 : f32 to vector<256x1xf32>
      %sub3A_2007 = arith.subf %sub3A_2006, %convert_element_type3A_2002 : vector<256x1xf32>
      %mul3A_2008 = vector.broadcast %sub3A_2007 : vector<256x1xf32> to vector<256x3xf32>
      %mul3A_2009 = arith.mulf %scan3A_1188, %mul3A_2008 : vector<256x3xf32>
      %add3A_2010 = arith.addf %mul3A_2004, %mul3A_2009 : vector<256x3xf32>
      scf.yield %add3A_1289, %add3A_1392, %add3A_1495, %add3A_1598, %add3A_1701, %add3A_1804, %add3A_1907, %add3A_2010 : vector<256x3xf32>, vector<256x3xf32>, vector<256x3xf32>, vector<256x3xf32>, vector<256x3xf32>, vector<256x3xf32>, vector<256x3xf32>, vector<256x3xf32>
    }
    %dot_general3A = arith.constant dense<0.000000e+00> : vector<256x512xf32>
    %dot_general3A_214 = tpu.matmul %scan3A_213#0, %get3A_8, %dot_general3A {dimension_numbers = #tpu.dot_dimension_numbers<[1], [0], [0], [1], [0, 0, 1, 1], [], []>, transpose_lhs_hint = false} : vector<256x3xf32>, vector<3x512xf32>, vector<256x512xf32> -> vector<256x512xf32>
    %slice3A_215 = vector.extract_strided_slice %scan3A_213#0 {offsets = [0, 0], sizes = [256, 1], strides = [1, 1]} : vector<256x3xf32> to vector<256x1xf32>
    %slice3A_216 = vector.extract_strided_slice %scan3A_213#0 {offsets = [0, 1], sizes = [256, 1], strides = [1, 1]} : vector<256x3xf32> to vector<256x1xf32>
    %slice3A_217 = vector.extract_strided_slice %scan3A_213#0 {offsets = [0, 2], sizes = [256, 1], strides = [1, 1]} : vector<256x3xf32> to vector<256x1xf32>
    %mul3A_218 = arith.mulf %slice3A_215, %slice3A_215 : vector<256x1xf32>
    %mul3A_219 = arith.mulf %slice3A_216, %slice3A_216 : vector<256x1xf32>
    %add3A_220 = arith.addf %mul3A_218, %mul3A_219 : vector<256x1xf32>
    %mul3A_221 = arith.mulf %slice3A_217, %slice3A_217 : vector<256x1xf32>
    %add3A_222 = arith.addf %add3A_220, %mul3A_221 : vector<256x1xf32>
    %add3A_223 = vector.broadcast %broadcast_in_dim3A : vector<1x512xf32> to vector<256x512xf32>
    %add3A_224 = vector.broadcast %add3A_222 : vector<256x1xf32> to vector<256x512xf32>
    %add3A_225 = arith.addf %add3A_223, %add3A_224 : vector<256x512xf32>
    %mul3A_226 = arith.constant 2.000000e+00 : f32
    %mul3A_227 = vector.broadcast %mul3A_226 : f32 to vector<256x512xf32>
    %mul3A_228 = arith.mulf %mul3A_227, %dot_general3A_214 : vector<256x512xf32>
    %sub3A = arith.subf %add3A_225, %mul3A_228 : vector<256x512xf32>
    %max3A = arith.constant 0.000000e+00 : f32
    %max3A_229 = vector.broadcast %max3A : f32 to vector<256x512xf32>
    %max3A_230 = arith.maximumf %sub3A, %max3A_229 : vector<256x512xf32>
    %slice3A_231 = vector.extract_strided_slice %max3A_230 {offsets = [0, 0], sizes = [128, 512], strides = [1, 1]} : vector<256x512xf32> to vector<128x512xf32>
    %slice3A_232 = vector.extract_strided_slice %max3A_230 {offsets = [128, 0], sizes = [128, 512], strides = [1, 1]} : vector<256x512xf32> to vector<128x512xf32>
    %slice3A_233 = vector.extract_strided_slice %iota3A {offsets = [0, 0], sizes = [128, 512], strides = [1, 1]} : vector<256x512xi32> to vector<128x512xi32>
    %slice3A_234 = vector.extract_strided_slice %iota3A {offsets = [128, 0], sizes = [128, 512], strides = [1, 1]} : vector<256x512xi32> to vector<128x512xi32>
    %lt3A = arith.cmpf olt, %slice3A_232, %slice3A_231 : vector<128x512xf32>
    %select_n3A = arith.select %lt3A, %slice3A_232, %slice3A_231 : vector<128x512xi1>, vector<128x512xf32>
    %select_n3A_235 = arith.select %lt3A, %slice3A_234, %slice3A_233 : vector<128x512xi1>, vector<128x512xi32>
    %slice3A_236 = vector.extract_strided_slice %select_n3A {offsets = [0, 0], sizes = [64, 512], strides = [1, 1]} : vector<128x512xf32> to vector<64x512xf32>
    %slice3A_237 = vector.extract_strided_slice %select_n3A {offsets = [64, 0], sizes = [64, 512], strides = [1, 1]} : vector<128x512xf32> to vector<64x512xf32>
    %slice3A_238 = vector.extract_strided_slice %select_n3A_235 {offsets = [0, 0], sizes = [64, 512], strides = [1, 1]} : vector<128x512xi32> to vector<64x512xi32>
    %slice3A_239 = vector.extract_strided_slice %select_n3A_235 {offsets = [64, 0], sizes = [64, 512], strides = [1, 1]} : vector<128x512xi32> to vector<64x512xi32>
    %lt3A_240 = arith.cmpf olt, %slice3A_237, %slice3A_236 : vector<64x512xf32>
    %select_n3A_241 = arith.select %lt3A_240, %slice3A_237, %slice3A_236 : vector<64x512xi1>, vector<64x512xf32>
    %select_n3A_242 = arith.select %lt3A_240, %slice3A_239, %slice3A_238 : vector<64x512xi1>, vector<64x512xi32>
    %slice3A_243 = vector.extract_strided_slice %select_n3A_241 {offsets = [0, 0], sizes = [32, 512], strides = [1, 1]} : vector<64x512xf32> to vector<32x512xf32>
    %slice3A_244 = vector.extract_strided_slice %select_n3A_241 {offsets = [32, 0], sizes = [32, 512], strides = [1, 1]} : vector<64x512xf32> to vector<32x512xf32>
    %slice3A_245 = vector.extract_strided_slice %select_n3A_242 {offsets = [0, 0], sizes = [32, 512], strides = [1, 1]} : vector<64x512xi32> to vector<32x512xi32>
    %slice3A_246 = vector.extract_strided_slice %select_n3A_242 {offsets = [32, 0], sizes = [32, 512], strides = [1, 1]} : vector<64x512xi32> to vector<32x512xi32>
    %lt3A_247 = arith.cmpf olt, %slice3A_244, %slice3A_243 : vector<32x512xf32>
    %select_n3A_248 = arith.select %lt3A_247, %slice3A_244, %slice3A_243 : vector<32x512xi1>, vector<32x512xf32>
    %select_n3A_249 = arith.select %lt3A_247, %slice3A_246, %slice3A_245 : vector<32x512xi1>, vector<32x512xi32>
    %slice3A_250 = vector.extract_strided_slice %select_n3A_248 {offsets = [0, 0], sizes = [16, 512], strides = [1, 1]} : vector<32x512xf32> to vector<16x512xf32>
    %slice3A_251 = vector.extract_strided_slice %select_n3A_248 {offsets = [16, 0], sizes = [16, 512], strides = [1, 1]} : vector<32x512xf32> to vector<16x512xf32>
    %slice3A_252 = vector.extract_strided_slice %select_n3A_249 {offsets = [0, 0], sizes = [16, 512], strides = [1, 1]} : vector<32x512xi32> to vector<16x512xi32>
    %slice3A_253 = vector.extract_strided_slice %select_n3A_249 {offsets = [16, 0], sizes = [16, 512], strides = [1, 1]} : vector<32x512xi32> to vector<16x512xi32>
    %lt3A_254 = arith.cmpf olt, %slice3A_251, %slice3A_250 : vector<16x512xf32>
    %select_n3A_255 = arith.select %lt3A_254, %slice3A_251, %slice3A_250 : vector<16x512xi1>, vector<16x512xf32>
    %select_n3A_256 = arith.select %lt3A_254, %slice3A_253, %slice3A_252 : vector<16x512xi1>, vector<16x512xi32>
    %slice3A_257 = vector.extract_strided_slice %select_n3A_255 {offsets = [0, 0], sizes = [8, 512], strides = [1, 1]} : vector<16x512xf32> to vector<8x512xf32>
    %slice3A_258 = vector.extract_strided_slice %select_n3A_255 {offsets = [8, 0], sizes = [8, 512], strides = [1, 1]} : vector<16x512xf32> to vector<8x512xf32>
    %slice3A_259 = vector.extract_strided_slice %select_n3A_256 {offsets = [0, 0], sizes = [8, 512], strides = [1, 1]} : vector<16x512xi32> to vector<8x512xi32>
    %slice3A_260 = vector.extract_strided_slice %select_n3A_256 {offsets = [8, 0], sizes = [8, 512], strides = [1, 1]} : vector<16x512xi32> to vector<8x512xi32>
    %lt3A_261 = arith.cmpf olt, %slice3A_258, %slice3A_257 : vector<8x512xf32>
    %select_n3A_262 = arith.select %lt3A_261, %slice3A_258, %slice3A_257 : vector<8x512xi1>, vector<8x512xf32>
    %select_n3A_263 = arith.select %lt3A_261, %slice3A_260, %slice3A_259 : vector<8x512xi1>, vector<8x512xi32>
    %slice3A_264 = vector.extract_strided_slice %select_n3A_262 {offsets = [0, 0], sizes = [4, 512], strides = [1, 1]} : vector<8x512xf32> to vector<4x512xf32>
    %slice3A_265 = vector.extract_strided_slice %select_n3A_262 {offsets = [4, 0], sizes = [4, 512], strides = [1, 1]} : vector<8x512xf32> to vector<4x512xf32>
    %slice3A_266 = vector.extract_strided_slice %select_n3A_263 {offsets = [0, 0], sizes = [4, 512], strides = [1, 1]} : vector<8x512xi32> to vector<4x512xi32>
    %slice3A_267 = vector.extract_strided_slice %select_n3A_263 {offsets = [4, 0], sizes = [4, 512], strides = [1, 1]} : vector<8x512xi32> to vector<4x512xi32>
    %lt3A_268 = arith.cmpf olt, %slice3A_265, %slice3A_264 : vector<4x512xf32>
    %select_n3A_269 = arith.select %lt3A_268, %slice3A_265, %slice3A_264 : vector<4x512xi1>, vector<4x512xf32>
    %select_n3A_270 = arith.select %lt3A_268, %slice3A_267, %slice3A_266 : vector<4x512xi1>, vector<4x512xi32>
    %slice3A_271 = vector.extract_strided_slice %select_n3A_269 {offsets = [0, 0], sizes = [2, 512], strides = [1, 1]} : vector<4x512xf32> to vector<2x512xf32>
    %slice3A_272 = vector.extract_strided_slice %select_n3A_269 {offsets = [2, 0], sizes = [2, 512], strides = [1, 1]} : vector<4x512xf32> to vector<2x512xf32>
    %slice3A_273 = vector.extract_strided_slice %select_n3A_270 {offsets = [0, 0], sizes = [2, 512], strides = [1, 1]} : vector<4x512xi32> to vector<2x512xi32>
    %slice3A_274 = vector.extract_strided_slice %select_n3A_270 {offsets = [2, 0], sizes = [2, 512], strides = [1, 1]} : vector<4x512xi32> to vector<2x512xi32>
    %lt3A_275 = arith.cmpf olt, %slice3A_272, %slice3A_271 : vector<2x512xf32>
    %select_n3A_276 = arith.select %lt3A_275, %slice3A_272, %slice3A_271 : vector<2x512xi1>, vector<2x512xf32>
    %select_n3A_277 = arith.select %lt3A_275, %slice3A_274, %slice3A_273 : vector<2x512xi1>, vector<2x512xi32>
    %slice3A_278 = vector.extract_strided_slice %select_n3A_276 {offsets = [0, 0], sizes = [1, 512], strides = [1, 1]} : vector<2x512xf32> to vector<1x512xf32>
    %slice3A_279 = vector.extract_strided_slice %select_n3A_276 {offsets = [1, 0], sizes = [1, 512], strides = [1, 1]} : vector<2x512xf32> to vector<1x512xf32>
    %slice3A_280 = vector.extract_strided_slice %select_n3A_277 {offsets = [0, 0], sizes = [1, 512], strides = [1, 1]} : vector<2x512xi32> to vector<1x512xi32>
    %slice3A_281 = vector.extract_strided_slice %select_n3A_277 {offsets = [1, 0], sizes = [1, 512], strides = [1, 1]} : vector<2x512xi32> to vector<1x512xi32>
    %lt3A_282 = arith.cmpf olt, %slice3A_279, %slice3A_278 : vector<1x512xf32>
    %select_n3A_283 = arith.select %lt3A_282, %slice3A_281, %slice3A_280 : vector<1x512xi1>, vector<1x512xi32>
    %squeeze3A_284 = vector.shape_cast %select_n3A_283 : vector<1x512xi32> to vector<512xi32>
    %broadcast_in_dim3A_285 = vector.shape_cast %squeeze3A_284 : vector<512xi32> to vector<1x512xi32>
    %eq3A = vector.broadcast %broadcast_in_dim3A_285 : vector<1x512xi32> to vector<256x512xi32>
    %eq3A_286 = arith.cmpi eq, %iota3A, %eq3A : vector<256x512xi32>
    %convert_element_type3A = arith.extui %eq3A_286 : vector<256x512xi1> to vector<256x512xi32>
    %convert_element_type3A_287 = arith.sitofp %convert_element_type3A : vector<256x512xi32> to vector<256x512xf32>
    %slice3A_288 = vector.extract_strided_slice %scan3A_213#0 {offsets = [0, 0], sizes = [256, 1], strides = [1, 1]} : vector<256x3xf32> to vector<256x1xf32>
    %mul3A_289 = vector.broadcast %slice3A_288 : vector<256x1xf32> to vector<256x512xf32>
    %mul3A_290 = arith.mulf %convert_element_type3A_287, %mul3A_289 : vector<256x512xf32>
    %reduce_sum3A = arith.constant dense<0.000000e+00> : vector<512xf32>
    %reduce_sum3A_291 = vector.multi_reduction <add>, %mul3A_290, %reduce_sum3A [0] : vector<256x512xf32> to vector<512xf32>
    %slice3A_292 = vector.extract_strided_slice %scan3A_213#0 {offsets = [0, 1], sizes = [256, 1], strides = [1, 1]} : vector<256x3xf32> to vector<256x1xf32>
    %mul3A_293 = vector.broadcast %slice3A_292 : vector<256x1xf32> to vector<256x512xf32>
    %mul3A_294 = arith.mulf %convert_element_type3A_287, %mul3A_293 : vector<256x512xf32>
    %reduce_sum3A_295 = arith.constant dense<0.000000e+00> : vector<512xf32>
    %reduce_sum3A_296 = vector.multi_reduction <add>, %mul3A_294, %reduce_sum3A_295 [0] : vector<256x512xf32> to vector<512xf32>
    %slice3A_297 = vector.extract_strided_slice %scan3A_213#0 {offsets = [0, 2], sizes = [256, 1], strides = [1, 1]} : vector<256x3xf32> to vector<256x1xf32>
    %mul3A_298 = vector.broadcast %slice3A_297 : vector<256x1xf32> to vector<256x512xf32>
    %mul3A_299 = arith.mulf %convert_element_type3A_287, %mul3A_298 : vector<256x512xf32>
    %reduce_sum3A_300 = arith.constant dense<0.000000e+00> : vector<512xf32>
    %reduce_sum3A_301 = vector.multi_reduction <add>, %mul3A_299, %reduce_sum3A_300 [0] : vector<256x512xf32> to vector<512xf32>
    %sub3A_302 = arith.subf %squeeze3A, %reduce_sum3A_291 : vector<512xf32>
    %abs3A = math.absf %sub3A_302 : vector<512xf32>
    %sub3A_303 = arith.subf %squeeze3A_10, %reduce_sum3A_296 : vector<512xf32>
    %abs3A_304 = math.absf %sub3A_303 : vector<512xf32>
    %add3A_305 = arith.addf %abs3A, %abs3A_304 : vector<512xf32>
    %sub3A_306 = arith.subf %squeeze3A_12, %reduce_sum3A_301 : vector<512xf32>
    %abs3A_307 = math.absf %sub3A_306 : vector<512xf32>
    %add3A_308 = arith.addf %add3A_305, %abs3A_307 : vector<512xf32>
    %reduce_sum3A_309 = vector.shape_cast %add3A_308 : vector<512xf32> to vector<1x512xf32>
    %reduce_sum3A_310 = arith.constant dense<0.000000e+00> : vector<1xf32>
    %reduce_sum3A_311 = vector.multi_reduction <add>, %reduce_sum3A_309, %reduce_sum3A_310 [1] : vector<1x512xf32> to vector<1xf32>
    %reduce_sum3A_312 = vector.shape_cast %reduce_sum3A_311 : vector<1xf32> to vector<1x1xf32>
    %reduce_sum3A_313 = vector.extract %reduce_sum3A_312[0, 0] : f32 from vector<1x1xf32>
    %swap3A = arith.constant 0 : index
    %swap3A_314 = arith.constant 0 : index
    %swap3A_315 = arith.constant 0 : index
    %swap3A_316 = vector.load %arg4[%swap3A, %swap3A_314, %swap3A_315] : memref<8x1x512xi32, #tpu.memory_space<vmem>>, vector<1x1x512xi32>
    %swap3A_317 = vector.shape_cast %swap3A_316 : vector<1x1x512xi32> to vector<512xi32>
    %swap3A_318 = vector.shape_cast %squeeze3A_284 : vector<512xi32> to vector<1x1x512xi32>
    tpu.vector_store %arg4[%swap3A, %swap3A_314, %swap3A_315], %swap3A_318 {strides = array<i32>} : memref<8x1x512xi32, #tpu.memory_space<vmem>>, vector<1x1x512xi32>,
    %broadcast_in_dim3A_319 = vector.broadcast %reduce_sum3A_313 : f32 to vector<128xf32>
    %swap3A_320 = arith.constant 0 : index
    %swap3A_321 = arith.constant 0 : index
    %swap3A_322 = arith.constant 0 : index
    %swap3A_323 = vector.load %arg5[%swap3A_320, %swap3A_321, %swap3A_322] : memref<8x1x128xf32, #tpu.memory_space<vmem>>, vector<1x1x128xf32>
    %swap3A_324 = vector.shape_cast %swap3A_323 : vector<1x1x128xf32> to vector<128xf32>
    %swap3A_325 = vector.shape_cast %broadcast_in_dim3A_319 : vector<128xf32> to vector<1x1x128xf32>
    tpu.vector_store %arg5[%swap3A_320, %swap3A_321, %swap3A_322], %swap3A_325 {strides = array<i32>} : memref<8x1x128xf32, #tpu.memory_space<vmem>>, vector<1x1x128xf32>,
    %dot_general3A_326 = arith.constant dense<0.000000e+00> : vector<256x512xf32>
    %dot_general3A_327 = tpu.matmul %scan3A_213#1, %get3A_25, %dot_general3A_326 {dimension_numbers = #tpu.dot_dimension_numbers<[1], [0], [0], [1], [0, 0, 1, 1], [], []>, transpose_lhs_hint = false} : vector<256x3xf32>, vector<3x512xf32>, vector<256x512xf32> -> vector<256x512xf32>
    %slice3A_328 = vector.extract_strided_slice %scan3A_213#1 {offsets = [0, 0], sizes = [256, 1], strides = [1, 1]} : vector<256x3xf32> to vector<256x1xf32>
    %slice3A_329 = vector.extract_strided_slice %scan3A_213#1 {offsets = [0, 1], sizes = [256, 1], strides = [1, 1]} : vector<256x3xf32> to vector<256x1xf32>
    %slice3A_330 = vector.extract_strided_slice %scan3A_213#1 {offsets = [0, 2], sizes = [256, 1], strides = [1, 1]} : vector<256x3xf32> to vector<256x1xf32>
    %mul3A_331 = arith.mulf %slice3A_328, %slice3A_328 : vector<256x1xf32>
    %mul3A_332 = arith.mulf %slice3A_329, %slice3A_329 : vector<256x1xf32>
    %add3A_333 = arith.addf %mul3A_331, %mul3A_332 : vector<256x1xf32>
    %mul3A_334 = arith.mulf %slice3A_330, %slice3A_330 : vector<256x1xf32>
    %add3A_335 = arith.addf %add3A_333, %mul3A_334 : vector<256x1xf32>
    %add3A_336 = vector.broadcast %broadcast_in_dim3A_37 : vector<1x512xf32> to vector<256x512xf32>
    %add3A_337 = vector.broadcast %add3A_335 : vector<256x1xf32> to vector<256x512xf32>
    %add3A_338 = arith.addf %add3A_336, %add3A_337 : vector<256x512xf32>
    %mul3A_339 = arith.constant 2.000000e+00 : f32
    %mul3A_340 = vector.broadcast %mul3A_339 : f32 to vector<256x512xf32>
    %mul3A_341 = arith.mulf %mul3A_340, %dot_general3A_327 : vector<256x512xf32>
    %sub3A_342 = arith.subf %add3A_338, %mul3A_341 : vector<256x512xf32>
    %max3A_343 = arith.constant 0.000000e+00 : f32
    %max3A_344 = vector.broadcast %max3A_343 : f32 to vector<256x512xf32>
    %max3A_345 = arith.maximumf %sub3A_342, %max3A_344 : vector<256x512xf32>
    %slice3A_346 = vector.extract_strided_slice %max3A_345 {offsets = [0, 0], sizes = [128, 512], strides = [1, 1]} : vector<256x512xf32> to vector<128x512xf32>
    %slice3A_347 = vector.extract_strided_slice %max3A_345 {offsets = [128, 0], sizes = [128, 512], strides = [1, 1]} : vector<256x512xf32> to vector<128x512xf32>
    %slice3A_348 = vector.extract_strided_slice %iota3A {offsets = [0, 0], sizes = [128, 512], strides = [1, 1]} : vector<256x512xi32> to vector<128x512xi32>
    %slice3A_349 = vector.extract_strided_slice %iota3A {offsets = [128, 0], sizes = [128, 512], strides = [1, 1]} : vector<256x512xi32> to vector<128x512xi32>
    %lt3A_350 = arith.cmpf olt, %slice3A_347, %slice3A_346 : vector<128x512xf32>
    %select_n3A_351 = arith.select %lt3A_350, %slice3A_347, %slice3A_346 : vector<128x512xi1>, vector<128x512xf32>
    %select_n3A_352 = arith.select %lt3A_350, %slice3A_349, %slice3A_348 : vector<128x512xi1>, vector<128x512xi32>
    %slice3A_353 = vector.extract_strided_slice %select_n3A_351 {offsets = [0, 0], sizes = [64, 512], strides = [1, 1]} : vector<128x512xf32> to vector<64x512xf32>
    %slice3A_354 = vector.extract_strided_slice %select_n3A_351 {offsets = [64, 0], sizes = [64, 512], strides = [1, 1]} : vector<128x512xf32> to vector<64x512xf32>
    %slice3A_355 = vector.extract_strided_slice %select_n3A_352 {offsets = [0, 0], sizes = [64, 512], strides = [1, 1]} : vector<128x512xi32> to vector<64x512xi32>
    %slice3A_356 = vector.extract_strided_slice %select_n3A_352 {offsets = [64, 0], sizes = [64, 512], strides = [1, 1]} : vector<128x512xi32> to vector<64x512xi32>
    %lt3A_357 = arith.cmpf olt, %slice3A_354, %slice3A_353 : vector<64x512xf32>
    %select_n3A_358 = arith.select %lt3A_357, %slice3A_354, %slice3A_353 : vector<64x512xi1>, vector<64x512xf32>
    %select_n3A_359 = arith.select %lt3A_357, %slice3A_356, %slice3A_355 : vector<64x512xi1>, vector<64x512xi32>
    %slice3A_360 = vector.extract_strided_slice %select_n3A_358 {offsets = [0, 0], sizes = [32, 512], strides = [1, 1]} : vector<64x512xf32> to vector<32x512xf32>
    %slice3A_361 = vector.extract_strided_slice %select_n3A_358 {offsets = [32, 0], sizes = [32, 512], strides = [1, 1]} : vector<64x512xf32> to vector<32x512xf32>
    %slice3A_362 = vector.extract_strided_slice %select_n3A_359 {offsets = [0, 0], sizes = [32, 512], strides = [1, 1]} : vector<64x512xi32> to vector<32x512xi32>
    %slice3A_363 = vector.extract_strided_slice %select_n3A_359 {offsets = [32, 0], sizes = [32, 512], strides = [1, 1]} : vector<64x512xi32> to vector<32x512xi32>
    %lt3A_364 = arith.cmpf olt, %slice3A_361, %slice3A_360 : vector<32x512xf32>
    %select_n3A_365 = arith.select %lt3A_364, %slice3A_361, %slice3A_360 : vector<32x512xi1>, vector<32x512xf32>
    %select_n3A_366 = arith.select %lt3A_364, %slice3A_363, %slice3A_362 : vector<32x512xi1>, vector<32x512xi32>
    %slice3A_367 = vector.extract_strided_slice %select_n3A_365 {offsets = [0, 0], sizes = [16, 512], strides = [1, 1]} : vector<32x512xf32> to vector<16x512xf32>
    %slice3A_368 = vector.extract_strided_slice %select_n3A_365 {offsets = [16, 0], sizes = [16, 512], strides = [1, 1]} : vector<32x512xf32> to vector<16x512xf32>
    %slice3A_369 = vector.extract_strided_slice %select_n3A_366 {offsets = [0, 0], sizes = [16, 512], strides = [1, 1]} : vector<32x512xi32> to vector<16x512xi32>
    %slice3A_370 = vector.extract_strided_slice %select_n3A_366 {offsets = [16, 0], sizes = [16, 512], strides = [1, 1]} : vector<32x512xi32> to vector<16x512xi32>
    %lt3A_371 = arith.cmpf olt, %slice3A_368, %slice3A_367 : vector<16x512xf32>
    %select_n3A_372 = arith.select %lt3A_371, %slice3A_368, %slice3A_367 : vector<16x512xi1>, vector<16x512xf32>
    %select_n3A_373 = arith.select %lt3A_371, %slice3A_370, %slice3A_369 : vector<16x512xi1>, vector<16x512xi32>
    %slice3A_374 = vector.extract_strided_slice %select_n3A_372 {offsets = [0, 0], sizes = [8, 512], strides = [1, 1]} : vector<16x512xf32> to vector<8x512xf32>
    %slice3A_375 = vector.extract_strided_slice %select_n3A_372 {offsets = [8, 0], sizes = [8, 512], strides = [1, 1]} : vector<16x512xf32> to vector<8x512xf32>
    %slice3A_376 = vector.extract_strided_slice %select_n3A_373 {offsets = [0, 0], sizes = [8, 512], strides = [1, 1]} : vector<16x512xi32> to vector<8x512xi32>
    %slice3A_377 = vector.extract_strided_slice %select_n3A_373 {offsets = [8, 0], sizes = [8, 512], strides = [1, 1]} : vector<16x512xi32> to vector<8x512xi32>
    %lt3A_378 = arith.cmpf olt, %slice3A_375, %slice3A_374 : vector<8x512xf32>
    %select_n3A_379 = arith.select %lt3A_378, %slice3A_375, %slice3A_374 : vector<8x512xi1>, vector<8x512xf32>
    %select_n3A_380 = arith.select %lt3A_378, %slice3A_377, %slice3A_376 : vector<8x512xi1>, vector<8x512xi32>
    %slice3A_381 = vector.extract_strided_slice %select_n3A_379 {offsets = [0, 0], sizes = [4, 512], strides = [1, 1]} : vector<8x512xf32> to vector<4x512xf32>
    %slice3A_382 = vector.extract_strided_slice %select_n3A_379 {offsets = [4, 0], sizes = [4, 512], strides = [1, 1]} : vector<8x512xf32> to vector<4x512xf32>
    %slice3A_383 = vector.extract_strided_slice %select_n3A_380 {offsets = [0, 0], sizes = [4, 512], strides = [1, 1]} : vector<8x512xi32> to vector<4x512xi32>
    %slice3A_384 = vector.extract_strided_slice %select_n3A_380 {offsets = [4, 0], sizes = [4, 512], strides = [1, 1]} : vector<8x512xi32> to vector<4x512xi32>
    %lt3A_385 = arith.cmpf olt, %slice3A_382, %slice3A_381 : vector<4x512xf32>
    %select_n3A_386 = arith.select %lt3A_385, %slice3A_382, %slice3A_381 : vector<4x512xi1>, vector<4x512xf32>
    %select_n3A_387 = arith.select %lt3A_385, %slice3A_384, %slice3A_383 : vector<4x512xi1>, vector<4x512xi32>
    %slice3A_388 = vector.extract_strided_slice %select_n3A_386 {offsets = [0, 0], sizes = [2, 512], strides = [1, 1]} : vector<4x512xf32> to vector<2x512xf32>
    %slice3A_389 = vector.extract_strided_slice %select_n3A_386 {offsets = [2, 0], sizes = [2, 512], strides = [1, 1]} : vector<4x512xf32> to vector<2x512xf32>
    %slice3A_390 = vector.extract_strided_slice %select_n3A_387 {offsets = [0, 0], sizes = [2, 512], strides = [1, 1]} : vector<4x512xi32> to vector<2x512xi32>
    %slice3A_391 = vector.extract_strided_slice %select_n3A_387 {offsets = [2, 0], sizes = [2, 512], strides = [1, 1]} : vector<4x512xi32> to vector<2x512xi32>
    %lt3A_392 = arith.cmpf olt, %slice3A_389, %slice3A_388 : vector<2x512xf32>
    %select_n3A_393 = arith.select %lt3A_392, %slice3A_389, %slice3A_388 : vector<2x512xi1>, vector<2x512xf32>
    %select_n3A_394 = arith.select %lt3A_392, %slice3A_391, %slice3A_390 : vector<2x512xi1>, vector<2x512xi32>
    %slice3A_395 = vector.extract_strided_slice %select_n3A_393 {offsets = [0, 0], sizes = [1, 512], strides = [1, 1]} : vector<2x512xf32> to vector<1x512xf32>
    %slice3A_396 = vector.extract_strided_slice %select_n3A_393 {offsets = [1, 0], sizes = [1, 512], strides = [1, 1]} : vector<2x512xf32> to vector<1x512xf32>
    %slice3A_397 = vector.extract_strided_slice %select_n3A_394 {offsets = [0, 0], sizes = [1, 512], strides = [1, 1]} : vector<2x512xi32> to vector<1x512xi32>
    %slice3A_398 = vector.extract_strided_slice %select_n3A_394 {offsets = [1, 0], sizes = [1, 512], strides = [1, 1]} : vector<2x512xi32> to vector<1x512xi32>
    %lt3A_399 = arith.cmpf olt, %slice3A_396, %slice3A_395 : vector<1x512xf32>
    %select_n3A_400 = arith.select %lt3A_399, %slice3A_398, %slice3A_397 : vector<1x512xi1>, vector<1x512xi32>
    %squeeze3A_401 = vector.shape_cast %select_n3A_400 : vector<1x512xi32> to vector<512xi32>
    %broadcast_in_dim3A_402 = vector.shape_cast %squeeze3A_401 : vector<512xi32> to vector<1x512xi32>
    %eq3A_403 = vector.broadcast %broadcast_in_dim3A_402 : vector<1x512xi32> to vector<256x512xi32>
    %eq3A_404 = arith.cmpi eq, %iota3A, %eq3A_403 : vector<256x512xi32>
    %convert_element_type3A_405 = arith.extui %eq3A_404 : vector<256x512xi1> to vector<256x512xi32>
    %convert_element_type3A_406 = arith.sitofp %convert_element_type3A_405 : vector<256x512xi32> to vector<256x512xf32>
    %slice3A_407 = vector.extract_strided_slice %scan3A_213#1 {offsets = [0, 0], sizes = [256, 1], strides = [1, 1]} : vector<256x3xf32> to vector<256x1xf32>
    %mul3A_408 = vector.broadcast %slice3A_407 : vector<256x1xf32> to vector<256x512xf32>
    %mul3A_409 = arith.mulf %convert_element_type3A_406, %mul3A_408 : vector<256x512xf32>
    %reduce_sum3A_410 = arith.constant dense<0.000000e+00> : vector<512xf32>
    %reduce_sum3A_411 = vector.multi_reduction <add>, %mul3A_409, %reduce_sum3A_410 [0] : vector<256x512xf32> to vector<512xf32>
    %slice3A_412 = vector.extract_strided_slice %scan3A_213#1 {offsets = [0, 1], sizes = [256, 1], strides = [1, 1]} : vector<256x3xf32> to vector<256x1xf32>
    %mul3A_413 = vector.broadcast %slice3A_412 : vector<256x1xf32> to vector<256x512xf32>
    %mul3A_414 = arith.mulf %convert_element_type3A_406, %mul3A_413 : vector<256x512xf32>
    %reduce_sum3A_415 = arith.constant dense<0.000000e+00> : vector<512xf32>
    %reduce_sum3A_416 = vector.multi_reduction <add>, %mul3A_414, %reduce_sum3A_415 [0] : vector<256x512xf32> to vector<512xf32>
    %slice3A_417 = vector.extract_strided_slice %scan3A_213#1 {offsets = [0, 2], sizes = [256, 1], strides = [1, 1]} : vector<256x3xf32> to vector<256x1xf32>
    %mul3A_418 = vector.broadcast %slice3A_417 : vector<256x1xf32> to vector<256x512xf32>
    %mul3A_419 = arith.mulf %convert_element_type3A_406, %mul3A_418 : vector<256x512xf32>
    %reduce_sum3A_420 = arith.constant dense<0.000000e+00> : vector<512xf32>
    %reduce_sum3A_421 = vector.multi_reduction <add>, %mul3A_419, %reduce_sum3A_420 [0] : vector<256x512xf32> to vector<512xf32>
    %sub3A_422 = arith.subf %squeeze3A_27, %reduce_sum3A_411 : vector<512xf32>
    %abs3A_423 = math.absf %sub3A_422 : vector<512xf32>
    %sub3A_424 = arith.subf %squeeze3A_29, %reduce_sum3A_416 : vector<512xf32>
    %abs3A_425 = math.absf %sub3A_424 : vector<512xf32>
    %add3A_426 = arith.addf %abs3A_423, %abs3A_425 : vector<512xf32>
    %sub3A_427 = arith.subf %squeeze3A_31, %reduce_sum3A_421 : vector<512xf32>
    %abs3A_428 = math.absf %sub3A_427 : vector<512xf32>
    %add3A_429 = arith.addf %add3A_426, %abs3A_428 : vector<512xf32>
    %reduce_sum3A_430 = vector.shape_cast %add3A_429 : vector<512xf32> to vector<1x512xf32>
    %reduce_sum3A_431 = arith.constant dense<0.000000e+00> : vector<1xf32>
    %reduce_sum3A_432 = vector.multi_reduction <add>, %reduce_sum3A_430, %reduce_sum3A_431 [1] : vector<1x512xf32> to vector<1xf32>
    %reduce_sum3A_433 = vector.shape_cast %reduce_sum3A_432 : vector<1xf32> to vector<1x1xf32>
    %reduce_sum3A_434 = vector.extract %reduce_sum3A_433[0, 0] : f32 from vector<1x1xf32>
    %swap3A_435 = arith.constant 1 : index
    %swap3A_436 = arith.constant 0 : index
    %swap3A_437 = arith.constant 0 : index
    %swap3A_438 = vector.load %arg4[%swap3A_435, %swap3A_436, %swap3A_437] : memref<8x1x512xi32, #tpu.memory_space<vmem>>, vector<1x1x512xi32>
    %swap3A_439 = vector.shape_cast %swap3A_438 : vector<1x1x512xi32> to vector<512xi32>
    %swap3A_440 = vector.shape_cast %squeeze3A_401 : vector<512xi32> to vector<1x1x512xi32>
    tpu.vector_store %arg4[%swap3A_435, %swap3A_436, %swap3A_437], %swap3A_440 {strides = array<i32>} : memref<8x1x512xi32, #tpu.memory_space<vmem>>, vector<1x1x512xi32>,
    %broadcast_in_dim3A_441 = vector.broadcast %reduce_sum3A_434 : f32 to vector<128xf32>
    %swap3A_442 = arith.constant 1 : index
    %swap3A_443 = arith.constant 0 : index
    %swap3A_444 = arith.constant 0 : index
    %swap3A_445 = vector.load %arg5[%swap3A_442, %swap3A_443, %swap3A_444] : memref<8x1x128xf32, #tpu.memory_space<vmem>>, vector<1x1x128xf32>
    %swap3A_446 = vector.shape_cast %swap3A_445 : vector<1x1x128xf32> to vector<128xf32>
    %swap3A_447 = vector.shape_cast %broadcast_in_dim3A_441 : vector<128xf32> to vector<1x1x128xf32>
    tpu.vector_store %arg5[%swap3A_442, %swap3A_443, %swap3A_444], %swap3A_447 {strides = array<i32>} : memref<8x1x128xf32, #tpu.memory_space<vmem>>, vector<1x1x128xf32>,
    %dot_general3A_448 = arith.constant dense<0.000000e+00> : vector<256x512xf32>
    %dot_general3A_449 = tpu.matmul %scan3A_213#2, %get3A_47, %dot_general3A_448 {dimension_numbers = #tpu.dot_dimension_numbers<[1], [0], [0], [1], [0, 0, 1, 1], [], []>, transpose_lhs_hint = false} : vector<256x3xf32>, vector<3x512xf32>, vector<256x512xf32> -> vector<256x512xf32>
    %slice3A_450 = vector.extract_strided_slice %scan3A_213#2 {offsets = [0, 0], sizes = [256, 1], strides = [1, 1]} : vector<256x3xf32> to vector<256x1xf32>
    %slice3A_451 = vector.extract_strided_slice %scan3A_213#2 {offsets = [0, 1], sizes = [256, 1], strides = [1, 1]} : vector<256x3xf32> to vector<256x1xf32>
    %slice3A_452 = vector.extract_strided_slice %scan3A_213#2 {offsets = [0, 2], sizes = [256, 1], strides = [1, 1]} : vector<256x3xf32> to vector<256x1xf32>
    %mul3A_453 = arith.mulf %slice3A_450, %slice3A_450 : vector<256x1xf32>
    %mul3A_454 = arith.mulf %slice3A_451, %slice3A_451 : vector<256x1xf32>
    %add3A_455 = arith.addf %mul3A_453, %mul3A_454 : vector<256x1xf32>
    %mul3A_456 = arith.mulf %slice3A_452, %slice3A_452 : vector<256x1xf32>
    %add3A_457 = arith.addf %add3A_455, %mul3A_456 : vector<256x1xf32>
    %add3A_458 = vector.broadcast %broadcast_in_dim3A_59 : vector<1x512xf32> to vector<256x512xf32>
    %add3A_459 = vector.broadcast %add3A_457 : vector<256x1xf32> to vector<256x512xf32>
    %add3A_460 = arith.addf %add3A_458, %add3A_459 : vector<256x512xf32>
    %mul3A_461 = arith.constant 2.000000e+00 : f32
    %mul3A_462 = vector.broadcast %mul3A_461 : f32 to vector<256x512xf32>
    %mul3A_463 = arith.mulf %mul3A_462, %dot_general3A_449 : vector<256x512xf32>
    %sub3A_464 = arith.subf %add3A_460, %mul3A_463 : vector<256x512xf32>
    %max3A_465 = arith.constant 0.000000e+00 : f32
    %max3A_466 = vector.broadcast %max3A_465 : f32 to vector<256x512xf32>
    %max3A_467 = arith.maximumf %sub3A_464, %max3A_466 : vector<256x512xf32>
    %slice3A_468 = vector.extract_strided_slice %max3A_467 {offsets = [0, 0], sizes = [128, 512], strides = [1, 1]} : vector<256x512xf32> to vector<128x512xf32>
    %slice3A_469 = vector.extract_strided_slice %max3A_467 {offsets = [128, 0], sizes = [128, 512], strides = [1, 1]} : vector<256x512xf32> to vector<128x512xf32>
    %slice3A_470 = vector.extract_strided_slice %iota3A {offsets = [0, 0], sizes = [128, 512], strides = [1, 1]} : vector<256x512xi32> to vector<128x512xi32>
    %slice3A_471 = vector.extract_strided_slice %iota3A {offsets = [128, 0], sizes = [128, 512], strides = [1, 1]} : vector<256x512xi32> to vector<128x512xi32>
    %lt3A_472 = arith.cmpf olt, %slice3A_469, %slice3A_468 : vector<128x512xf32>
    %select_n3A_473 = arith.select %lt3A_472, %slice3A_469, %slice3A_468 : vector<128x512xi1>, vector<128x512xf32>
    %select_n3A_474 = arith.select %lt3A_472, %slice3A_471, %slice3A_470 : vector<128x512xi1>, vector<128x512xi32>
    %slice3A_475 = vector.extract_strided_slice %select_n3A_473 {offsets = [0, 0], sizes = [64, 512], strides = [1, 1]} : vector<128x512xf32> to vector<64x512xf32>
    %slice3A_476 = vector.extract_strided_slice %select_n3A_473 {offsets = [64, 0], sizes = [64, 512], strides = [1, 1]} : vector<128x512xf32> to vector<64x512xf32>
    %slice3A_477 = vector.extract_strided_slice %select_n3A_474 {offsets = [0, 0], sizes = [64, 512], strides = [1, 1]} : vector<128x512xi32> to vector<64x512xi32>
    %slice3A_478 = vector.extract_strided_slice %select_n3A_474 {offsets = [64, 0], sizes = [64, 512], strides = [1, 1]} : vector<128x512xi32> to vector<64x512xi32>
    %lt3A_479 = arith.cmpf olt, %slice3A_476, %slice3A_475 : vector<64x512xf32>
    %select_n3A_480 = arith.select %lt3A_479, %slice3A_476, %slice3A_475 : vector<64x512xi1>, vector<64x512xf32>
    %select_n3A_481 = arith.select %lt3A_479, %slice3A_478, %slice3A_477 : vector<64x512xi1>, vector<64x512xi32>
    %slice3A_482 = vector.extract_strided_slice %select_n3A_480 {offsets = [0, 0], sizes = [32, 512], strides = [1, 1]} : vector<64x512xf32> to vector<32x512xf32>
    %slice3A_483 = vector.extract_strided_slice %select_n3A_480 {offsets = [32, 0], sizes = [32, 512], strides = [1, 1]} : vector<64x512xf32> to vector<32x512xf32>
    %slice3A_484 = vector.extract_strided_slice %select_n3A_481 {offsets = [0, 0], sizes = [32, 512], strides = [1, 1]} : vector<64x512xi32> to vector<32x512xi32>
    %slice3A_485 = vector.extract_strided_slice %select_n3A_481 {offsets = [32, 0], sizes = [32, 512], strides = [1, 1]} : vector<64x512xi32> to vector<32x512xi32>
    %lt3A_486 = arith.cmpf olt, %slice3A_483, %slice3A_482 : vector<32x512xf32>
    %select_n3A_487 = arith.select %lt3A_486, %slice3A_483, %slice3A_482 : vector<32x512xi1>, vector<32x512xf32>
    %select_n3A_488 = arith.select %lt3A_486, %slice3A_485, %slice3A_484 : vector<32x512xi1>, vector<32x512xi32>
    %slice3A_489 = vector.extract_strided_slice %select_n3A_487 {offsets = [0, 0], sizes = [16, 512], strides = [1, 1]} : vector<32x512xf32> to vector<16x512xf32>
    %slice3A_490 = vector.extract_strided_slice %select_n3A_487 {offsets = [16, 0], sizes = [16, 512], strides = [1, 1]} : vector<32x512xf32> to vector<16x512xf32>
    %slice3A_491 = vector.extract_strided_slice %select_n3A_488 {offsets = [0, 0], sizes = [16, 512], strides = [1, 1]} : vector<32x512xi32> to vector<16x512xi32>
    %slice3A_492 = vector.extract_strided_slice %select_n3A_488 {offsets = [16, 0], sizes = [16, 512], strides = [1, 1]} : vector<32x512xi32> to vector<16x512xi32>
    %lt3A_493 = arith.cmpf olt, %slice3A_490, %slice3A_489 : vector<16x512xf32>
    %select_n3A_494 = arith.select %lt3A_493, %slice3A_490, %slice3A_489 : vector<16x512xi1>, vector<16x512xf32>
    %select_n3A_495 = arith.select %lt3A_493, %slice3A_492, %slice3A_491 : vector<16x512xi1>, vector<16x512xi32>
    %slice3A_496 = vector.extract_strided_slice %select_n3A_494 {offsets = [0, 0], sizes = [8, 512], strides = [1, 1]} : vector<16x512xf32> to vector<8x512xf32>
    %slice3A_497 = vector.extract_strided_slice %select_n3A_494 {offsets = [8, 0], sizes = [8, 512], strides = [1, 1]} : vector<16x512xf32> to vector<8x512xf32>
    %slice3A_498 = vector.extract_strided_slice %select_n3A_495 {offsets = [0, 0], sizes = [8, 512], strides = [1, 1]} : vector<16x512xi32> to vector<8x512xi32>
    %slice3A_499 = vector.extract_strided_slice %select_n3A_495 {offsets = [8, 0], sizes = [8, 512], strides = [1, 1]} : vector<16x512xi32> to vector<8x512xi32>
    %lt3A_500 = arith.cmpf olt, %slice3A_497, %slice3A_496 : vector<8x512xf32>
    %select_n3A_501 = arith.select %lt3A_500, %slice3A_497, %slice3A_496 : vector<8x512xi1>, vector<8x512xf32>
    %select_n3A_502 = arith.select %lt3A_500, %slice3A_499, %slice3A_498 : vector<8x512xi1>, vector<8x512xi32>
    %slice3A_503 = vector.extract_strided_slice %select_n3A_501 {offsets = [0, 0], sizes = [4, 512], strides = [1, 1]} : vector<8x512xf32> to vector<4x512xf32>
    %slice3A_504 = vector.extract_strided_slice %select_n3A_501 {offsets = [4, 0], sizes = [4, 512], strides = [1, 1]} : vector<8x512xf32> to vector<4x512xf32>
    %slice3A_505 = vector.extract_strided_slice %select_n3A_502 {offsets = [0, 0], sizes = [4, 512], strides = [1, 1]} : vector<8x512xi32> to vector<4x512xi32>
    %slice3A_506 = vector.extract_strided_slice %select_n3A_502 {offsets = [4, 0], sizes = [4, 512], strides = [1, 1]} : vector<8x512xi32> to vector<4x512xi32>
    %lt3A_507 = arith.cmpf olt, %slice3A_504, %slice3A_503 : vector<4x512xf32>
    %select_n3A_508 = arith.select %lt3A_507, %slice3A_504, %slice3A_503 : vector<4x512xi1>, vector<4x512xf32>
    %select_n3A_509 = arith.select %lt3A_507, %slice3A_506, %slice3A_505 : vector<4x512xi1>, vector<4x512xi32>
    %slice3A_510 = vector.extract_strided_slice %select_n3A_508 {offsets = [0, 0], sizes = [2, 512], strides = [1, 1]} : vector<4x512xf32> to vector<2x512xf32>
    %slice3A_511 = vector.extract_strided_slice %select_n3A_508 {offsets = [2, 0], sizes = [2, 512], strides = [1, 1]} : vector<4x512xf32> to vector<2x512xf32>
    %slice3A_512 = vector.extract_strided_slice %select_n3A_509 {offsets = [0, 0], sizes = [2, 512], strides = [1, 1]} : vector<4x512xi32> to vector<2x512xi32>
    %slice3A_513 = vector.extract_strided_slice %select_n3A_509 {offsets = [2, 0], sizes = [2, 512], strides = [1, 1]} : vector<4x512xi32> to vector<2x512xi32>
    %lt3A_514 = arith.cmpf olt, %slice3A_511, %slice3A_510 : vector<2x512xf32>
    %select_n3A_515 = arith.select %lt3A_514, %slice3A_511, %slice3A_510 : vector<2x512xi1>, vector<2x512xf32>
    %select_n3A_516 = arith.select %lt3A_514, %slice3A_513, %slice3A_512 : vector<2x512xi1>, vector<2x512xi32>
    %slice3A_517 = vector.extract_strided_slice %select_n3A_515 {offsets = [0, 0], sizes = [1, 512], strides = [1, 1]} : vector<2x512xf32> to vector<1x512xf32>
    %slice3A_518 = vector.extract_strided_slice %select_n3A_515 {offsets = [1, 0], sizes = [1, 512], strides = [1, 1]} : vector<2x512xf32> to vector<1x512xf32>
    %slice3A_519 = vector.extract_strided_slice %select_n3A_516 {offsets = [0, 0], sizes = [1, 512], strides = [1, 1]} : vector<2x512xi32> to vector<1x512xi32>
    %slice3A_520 = vector.extract_strided_slice %select_n3A_516 {offsets = [1, 0], sizes = [1, 512], strides = [1, 1]} : vector<2x512xi32> to vector<1x512xi32>
    %lt3A_521 = arith.cmpf olt, %slice3A_518, %slice3A_517 : vector<1x512xf32>
    %select_n3A_522 = arith.select %lt3A_521, %slice3A_520, %slice3A_519 : vector<1x512xi1>, vector<1x512xi32>
    %squeeze3A_523 = vector.shape_cast %select_n3A_522 : vector<1x512xi32> to vector<512xi32>
    %broadcast_in_dim3A_524 = vector.shape_cast %squeeze3A_523 : vector<512xi32> to vector<1x512xi32>
    %eq3A_525 = vector.broadcast %broadcast_in_dim3A_524 : vector<1x512xi32> to vector<256x512xi32>
    %eq3A_526 = arith.cmpi eq, %iota3A, %eq3A_525 : vector<256x512xi32>
    %convert_element_type3A_527 = arith.extui %eq3A_526 : vector<256x512xi1> to vector<256x512xi32>
    %convert_element_type3A_528 = arith.sitofp %convert_element_type3A_527 : vector<256x512xi32> to vector<256x512xf32>
    %slice3A_529 = vector.extract_strided_slice %scan3A_213#2 {offsets = [0, 0], sizes = [256, 1], strides = [1, 1]} : vector<256x3xf32> to vector<256x1xf32>
    %mul3A_530 = vector.broadcast %slice3A_529 : vector<256x1xf32> to vector<256x512xf32>
    %mul3A_531 = arith.mulf %convert_element_type3A_528, %mul3A_530 : vector<256x512xf32>
    %reduce_sum3A_532 = arith.constant dense<0.000000e+00> : vector<512xf32>
    %reduce_sum3A_533 = vector.multi_reduction <add>, %mul3A_531, %reduce_sum3A_532 [0] : vector<256x512xf32> to vector<512xf32>
    %slice3A_534 = vector.extract_strided_slice %scan3A_213#2 {offsets = [0, 1], sizes = [256, 1], strides = [1, 1]} : vector<256x3xf32> to vector<256x1xf32>
    %mul3A_535 = vector.broadcast %slice3A_534 : vector<256x1xf32> to vector<256x512xf32>
    %mul3A_536 = arith.mulf %convert_element_type3A_528, %mul3A_535 : vector<256x512xf32>
    %reduce_sum3A_537 = arith.constant dense<0.000000e+00> : vector<512xf32>
    %reduce_sum3A_538 = vector.multi_reduction <add>, %mul3A_536, %reduce_sum3A_537 [0] : vector<256x512xf32> to vector<512xf32>
    %slice3A_539 = vector.extract_strided_slice %scan3A_213#2 {offsets = [0, 2], sizes = [256, 1], strides = [1, 1]} : vector<256x3xf32> to vector<256x1xf32>
    %mul3A_540 = vector.broadcast %slice3A_539 : vector<256x1xf32> to vector<256x512xf32>
    %mul3A_541 = arith.mulf %convert_element_type3A_528, %mul3A_540 : vector<256x512xf32>
    %reduce_sum3A_542 = arith.constant dense<0.000000e+00> : vector<512xf32>
    %reduce_sum3A_543 = vector.multi_reduction <add>, %mul3A_541, %reduce_sum3A_542 [0] : vector<256x512xf32> to vector<512xf32>
    %sub3A_544 = arith.subf %squeeze3A_49, %reduce_sum3A_533 : vector<512xf32>
    %abs3A_545 = math.absf %sub3A_544 : vector<512xf32>
    %sub3A_546 = arith.subf %squeeze3A_51, %reduce_sum3A_538 : vector<512xf32>
    %abs3A_547 = math.absf %sub3A_546 : vector<512xf32>
    %add3A_548 = arith.addf %abs3A_545, %abs3A_547 : vector<512xf32>
    %sub3A_549 = arith.subf %squeeze3A_53, %reduce_sum3A_543 : vector<512xf32>
    %abs3A_550 = math.absf %sub3A_549 : vector<512xf32>
    %add3A_551 = arith.addf %add3A_548, %abs3A_550 : vector<512xf32>
    %reduce_sum3A_552 = vector.shape_cast %add3A_551 : vector<512xf32> to vector<1x512xf32>
    %reduce_sum3A_553 = arith.constant dense<0.000000e+00> : vector<1xf32>
    %reduce_sum3A_554 = vector.multi_reduction <add>, %reduce_sum3A_552, %reduce_sum3A_553 [1] : vector<1x512xf32> to vector<1xf32>
    %reduce_sum3A_555 = vector.shape_cast %reduce_sum3A_554 : vector<1xf32> to vector<1x1xf32>
    %reduce_sum3A_556 = vector.extract %reduce_sum3A_555[0, 0] : f32 from vector<1x1xf32>
    %swap3A_557 = arith.constant 2 : index
    %swap3A_558 = arith.constant 0 : index
    %swap3A_559 = arith.constant 0 : index
    %swap3A_560 = vector.load %arg4[%swap3A_557, %swap3A_558, %swap3A_559] : memref<8x1x512xi32, #tpu.memory_space<vmem>>, vector<1x1x512xi32>
    %swap3A_561 = vector.shape_cast %swap3A_560 : vector<1x1x512xi32> to vector<512xi32>
    %swap3A_562 = vector.shape_cast %squeeze3A_523 : vector<512xi32> to vector<1x1x512xi32>
    tpu.vector_store %arg4[%swap3A_557, %swap3A_558, %swap3A_559], %swap3A_562 {strides = array<i32>} : memref<8x1x512xi32, #tpu.memory_space<vmem>>, vector<1x1x512xi32>,
    %broadcast_in_dim3A_563 = vector.broadcast %reduce_sum3A_556 : f32 to vector<128xf32>
    %swap3A_564 = arith.constant 2 : index
    %swap3A_565 = arith.constant 0 : index
    %swap3A_566 = arith.constant 0 : index
    %swap3A_567 = vector.load %arg5[%swap3A_564, %swap3A_565, %swap3A_566] : memref<8x1x128xf32, #tpu.memory_space<vmem>>, vector<1x1x128xf32>
    %swap3A_568 = vector.shape_cast %swap3A_567 : vector<1x1x128xf32> to vector<128xf32>
    %swap3A_569 = vector.shape_cast %broadcast_in_dim3A_563 : vector<128xf32> to vector<1x1x128xf32>
    tpu.vector_store %arg5[%swap3A_564, %swap3A_565, %swap3A_566], %swap3A_569 {strides = array<i32>} : memref<8x1x128xf32, #tpu.memory_space<vmem>>, vector<1x1x128xf32>,
    %dot_general3A_570 = arith.constant dense<0.000000e+00> : vector<256x512xf32>
    %dot_general3A_571 = tpu.matmul %scan3A_213#3, %get3A_69, %dot_general3A_570 {dimension_numbers = #tpu.dot_dimension_numbers<[1], [0], [0], [1], [0, 0, 1, 1], [], []>, transpose_lhs_hint = false} : vector<256x3xf32>, vector<3x512xf32>, vector<256x512xf32> -> vector<256x512xf32>
    %slice3A_572 = vector.extract_strided_slice %scan3A_213#3 {offsets = [0, 0], sizes = [256, 1], strides = [1, 1]} : vector<256x3xf32> to vector<256x1xf32>
    %slice3A_573 = vector.extract_strided_slice %scan3A_213#3 {offsets = [0, 1], sizes = [256, 1], strides = [1, 1]} : vector<256x3xf32> to vector<256x1xf32>
    %slice3A_574 = vector.extract_strided_slice %scan3A_213#3 {offsets = [0, 2], sizes = [256, 1], strides = [1, 1]} : vector<256x3xf32> to vector<256x1xf32>
    %mul3A_575 = arith.mulf %slice3A_572, %slice3A_572 : vector<256x1xf32>
    %mul3A_576 = arith.mulf %slice3A_573, %slice3A_573 : vector<256x1xf32>
    %add3A_577 = arith.addf %mul3A_575, %mul3A_576 : vector<256x1xf32>
    %mul3A_578 = arith.mulf %slice3A_574, %slice3A_574 : vector<256x1xf32>
    %add3A_579 = arith.addf %add3A_577, %mul3A_578 : vector<256x1xf32>
    %add3A_580 = vector.broadcast %broadcast_in_dim3A_81 : vector<1x512xf32> to vector<256x512xf32>
    %add3A_581 = vector.broadcast %add3A_579 : vector<256x1xf32> to vector<256x512xf32>
    %add3A_582 = arith.addf %add3A_580, %add3A_581 : vector<256x512xf32>
    %mul3A_583 = arith.constant 2.000000e+00 : f32
    %mul3A_584 = vector.broadcast %mul3A_583 : f32 to vector<256x512xf32>
    %mul3A_585 = arith.mulf %mul3A_584, %dot_general3A_571 : vector<256x512xf32>
    %sub3A_586 = arith.subf %add3A_582, %mul3A_585 : vector<256x512xf32>
    %max3A_587 = arith.constant 0.000000e+00 : f32
    %max3A_588 = vector.broadcast %max3A_587 : f32 to vector<256x512xf32>
    %max3A_589 = arith.maximumf %sub3A_586, %max3A_588 : vector<256x512xf32>
    %slice3A_590 = vector.extract_strided_slice %max3A_589 {offsets = [0, 0], sizes = [128, 512], strides = [1, 1]} : vector<256x512xf32> to vector<128x512xf32>
    %slice3A_591 = vector.extract_strided_slice %max3A_589 {offsets = [128, 0], sizes = [128, 512], strides = [1, 1]} : vector<256x512xf32> to vector<128x512xf32>
    %slice3A_592 = vector.extract_strided_slice %iota3A {offsets = [0, 0], sizes = [128, 512], strides = [1, 1]} : vector<256x512xi32> to vector<128x512xi32>
    %slice3A_593 = vector.extract_strided_slice %iota3A {offsets = [128, 0], sizes = [128, 512], strides = [1, 1]} : vector<256x512xi32> to vector<128x512xi32>
    %lt3A_594 = arith.cmpf olt, %slice3A_591, %slice3A_590 : vector<128x512xf32>
    %select_n3A_595 = arith.select %lt3A_594, %slice3A_591, %slice3A_590 : vector<128x512xi1>, vector<128x512xf32>
    %select_n3A_596 = arith.select %lt3A_594, %slice3A_593, %slice3A_592 : vector<128x512xi1>, vector<128x512xi32>
    %slice3A_597 = vector.extract_strided_slice %select_n3A_595 {offsets = [0, 0], sizes = [64, 512], strides = [1, 1]} : vector<128x512xf32> to vector<64x512xf32>
    %slice3A_598 = vector.extract_strided_slice %select_n3A_595 {offsets = [64, 0], sizes = [64, 512], strides = [1, 1]} : vector<128x512xf32> to vector<64x512xf32>
    %slice3A_599 = vector.extract_strided_slice %select_n3A_596 {offsets = [0, 0], sizes = [64, 512], strides = [1, 1]} : vector<128x512xi32> to vector<64x512xi32>
    %slice3A_600 = vector.extract_strided_slice %select_n3A_596 {offsets = [64, 0], sizes = [64, 512], strides = [1, 1]} : vector<128x512xi32> to vector<64x512xi32>
    %lt3A_601 = arith.cmpf olt, %slice3A_598, %slice3A_597 : vector<64x512xf32>
    %select_n3A_602 = arith.select %lt3A_601, %slice3A_598, %slice3A_597 : vector<64x512xi1>, vector<64x512xf32>
    %select_n3A_603 = arith.select %lt3A_601, %slice3A_600, %slice3A_599 : vector<64x512xi1>, vector<64x512xi32>
    %slice3A_604 = vector.extract_strided_slice %select_n3A_602 {offsets = [0, 0], sizes = [32, 512], strides = [1, 1]} : vector<64x512xf32> to vector<32x512xf32>
    %slice3A_605 = vector.extract_strided_slice %select_n3A_602 {offsets = [32, 0], sizes = [32, 512], strides = [1, 1]} : vector<64x512xf32> to vector<32x512xf32>
    %slice3A_606 = vector.extract_strided_slice %select_n3A_603 {offsets = [0, 0], sizes = [32, 512], strides = [1, 1]} : vector<64x512xi32> to vector<32x512xi32>
    %slice3A_607 = vector.extract_strided_slice %select_n3A_603 {offsets = [32, 0], sizes = [32, 512], strides = [1, 1]} : vector<64x512xi32> to vector<32x512xi32>
    %lt3A_608 = arith.cmpf olt, %slice3A_605, %slice3A_604 : vector<32x512xf32>
    %select_n3A_609 = arith.select %lt3A_608, %slice3A_605, %slice3A_604 : vector<32x512xi1>, vector<32x512xf32>
    %select_n3A_610 = arith.select %lt3A_608, %slice3A_607, %slice3A_606 : vector<32x512xi1>, vector<32x512xi32>
    %slice3A_611 = vector.extract_strided_slice %select_n3A_609 {offsets = [0, 0], sizes = [16, 512], strides = [1, 1]} : vector<32x512xf32> to vector<16x512xf32>
    %slice3A_612 = vector.extract_strided_slice %select_n3A_609 {offsets = [16, 0], sizes = [16, 512], strides = [1, 1]} : vector<32x512xf32> to vector<16x512xf32>
    %slice3A_613 = vector.extract_strided_slice %select_n3A_610 {offsets = [0, 0], sizes = [16, 512], strides = [1, 1]} : vector<32x512xi32> to vector<16x512xi32>
    %slice3A_614 = vector.extract_strided_slice %select_n3A_610 {offsets = [16, 0], sizes = [16, 512], strides = [1, 1]} : vector<32x512xi32> to vector<16x512xi32>
    %lt3A_615 = arith.cmpf olt, %slice3A_612, %slice3A_611 : vector<16x512xf32>
    %select_n3A_616 = arith.select %lt3A_615, %slice3A_612, %slice3A_611 : vector<16x512xi1>, vector<16x512xf32>
    %select_n3A_617 = arith.select %lt3A_615, %slice3A_614, %slice3A_613 : vector<16x512xi1>, vector<16x512xi32>
    %slice3A_618 = vector.extract_strided_slice %select_n3A_616 {offsets = [0, 0], sizes = [8, 512], strides = [1, 1]} : vector<16x512xf32> to vector<8x512xf32>
    %slice3A_619 = vector.extract_strided_slice %select_n3A_616 {offsets = [8, 0], sizes = [8, 512], strides = [1, 1]} : vector<16x512xf32> to vector<8x512xf32>
    %slice3A_620 = vector.extract_strided_slice %select_n3A_617 {offsets = [0, 0], sizes = [8, 512], strides = [1, 1]} : vector<16x512xi32> to vector<8x512xi32>
    %slice3A_621 = vector.extract_strided_slice %select_n3A_617 {offsets = [8, 0], sizes = [8, 512], strides = [1, 1]} : vector<16x512xi32> to vector<8x512xi32>
    %lt3A_622 = arith.cmpf olt, %slice3A_619, %slice3A_618 : vector<8x512xf32>
    %select_n3A_623 = arith.select %lt3A_622, %slice3A_619, %slice3A_618 : vector<8x512xi1>, vector<8x512xf32>
    %select_n3A_624 = arith.select %lt3A_622, %slice3A_621, %slice3A_620 : vector<8x512xi1>, vector<8x512xi32>
    %slice3A_625 = vector.extract_strided_slice %select_n3A_623 {offsets = [0, 0], sizes = [4, 512], strides = [1, 1]} : vector<8x512xf32> to vector<4x512xf32>
    %slice3A_626 = vector.extract_strided_slice %select_n3A_623 {offsets = [4, 0], sizes = [4, 512], strides = [1, 1]} : vector<8x512xf32> to vector<4x512xf32>
    %slice3A_627 = vector.extract_strided_slice %select_n3A_624 {offsets = [0, 0], sizes = [4, 512], strides = [1, 1]} : vector<8x512xi32> to vector<4x512xi32>
    %slice3A_628 = vector.extract_strided_slice %select_n3A_624 {offsets = [4, 0], sizes = [4, 512], strides = [1, 1]} : vector<8x512xi32> to vector<4x512xi32>
    %lt3A_629 = arith.cmpf olt, %slice3A_626, %slice3A_625 : vector<4x512xf32>
    %select_n3A_630 = arith.select %lt3A_629, %slice3A_626, %slice3A_625 : vector<4x512xi1>, vector<4x512xf32>
    %select_n3A_631 = arith.select %lt3A_629, %slice3A_628, %slice3A_627 : vector<4x512xi1>, vector<4x512xi32>
    %slice3A_632 = vector.extract_strided_slice %select_n3A_630 {offsets = [0, 0], sizes = [2, 512], strides = [1, 1]} : vector<4x512xf32> to vector<2x512xf32>
    %slice3A_633 = vector.extract_strided_slice %select_n3A_630 {offsets = [2, 0], sizes = [2, 512], strides = [1, 1]} : vector<4x512xf32> to vector<2x512xf32>
    %slice3A_634 = vector.extract_strided_slice %select_n3A_631 {offsets = [0, 0], sizes = [2, 512], strides = [1, 1]} : vector<4x512xi32> to vector<2x512xi32>
    %slice3A_635 = vector.extract_strided_slice %select_n3A_631 {offsets = [2, 0], sizes = [2, 512], strides = [1, 1]} : vector<4x512xi32> to vector<2x512xi32>
    %lt3A_636 = arith.cmpf olt, %slice3A_633, %slice3A_632 : vector<2x512xf32>
    %select_n3A_637 = arith.select %lt3A_636, %slice3A_633, %slice3A_632 : vector<2x512xi1>, vector<2x512xf32>
    %select_n3A_638 = arith.select %lt3A_636, %slice3A_635, %slice3A_634 : vector<2x512xi1>, vector<2x512xi32>
    %slice3A_639 = vector.extract_strided_slice %select_n3A_637 {offsets = [0, 0], sizes = [1, 512], strides = [1, 1]} : vector<2x512xf32> to vector<1x512xf32>
    %slice3A_640 = vector.extract_strided_slice %select_n3A_637 {offsets = [1, 0], sizes = [1, 512], strides = [1, 1]} : vector<2x512xf32> to vector<1x512xf32>
    %slice3A_641 = vector.extract_strided_slice %select_n3A_638 {offsets = [0, 0], sizes = [1, 512], strides = [1, 1]} : vector<2x512xi32> to vector<1x512xi32>
    %slice3A_642 = vector.extract_strided_slice %select_n3A_638 {offsets = [1, 0], sizes = [1, 512], strides = [1, 1]} : vector<2x512xi32> to vector<1x512xi32>
    %lt3A_643 = arith.cmpf olt, %slice3A_640, %slice3A_639 : vector<1x512xf32>
    %select_n3A_644 = arith.select %lt3A_643, %slice3A_642, %slice3A_641 : vector<1x512xi1>, vector<1x512xi32>
    %squeeze3A_645 = vector.shape_cast %select_n3A_644 : vector<1x512xi32> to vector<512xi32>
    %broadcast_in_dim3A_646 = vector.shape_cast %squeeze3A_645 : vector<512xi32> to vector<1x512xi32>
    %eq3A_647 = vector.broadcast %broadcast_in_dim3A_646 : vector<1x512xi32> to vector<256x512xi32>
    %eq3A_648 = arith.cmpi eq, %iota3A, %eq3A_647 : vector<256x512xi32>
    %convert_element_type3A_649 = arith.extui %eq3A_648 : vector<256x512xi1> to vector<256x512xi32>
    %convert_element_type3A_650 = arith.sitofp %convert_element_type3A_649 : vector<256x512xi32> to vector<256x512xf32>
    %slice3A_651 = vector.extract_strided_slice %scan3A_213#3 {offsets = [0, 0], sizes = [256, 1], strides = [1, 1]} : vector<256x3xf32> to vector<256x1xf32>
    %mul3A_652 = vector.broadcast %slice3A_651 : vector<256x1xf32> to vector<256x512xf32>
    %mul3A_653 = arith.mulf %convert_element_type3A_650, %mul3A_652 : vector<256x512xf32>
    %reduce_sum3A_654 = arith.constant dense<0.000000e+00> : vector<512xf32>
    %reduce_sum3A_655 = vector.multi_reduction <add>, %mul3A_653, %reduce_sum3A_654 [0] : vector<256x512xf32> to vector<512xf32>
    %slice3A_656 = vector.extract_strided_slice %scan3A_213#3 {offsets = [0, 1], sizes = [256, 1], strides = [1, 1]} : vector<256x3xf32> to vector<256x1xf32>
    %mul3A_657 = vector.broadcast %slice3A_656 : vector<256x1xf32> to vector<256x512xf32>
    %mul3A_658 = arith.mulf %convert_element_type3A_650, %mul3A_657 : vector<256x512xf32>
    %reduce_sum3A_659 = arith.constant dense<0.000000e+00> : vector<512xf32>
    %reduce_sum3A_660 = vector.multi_reduction <add>, %mul3A_658, %reduce_sum3A_659 [0] : vector<256x512xf32> to vector<512xf32>
    %slice3A_661 = vector.extract_strided_slice %scan3A_213#3 {offsets = [0, 2], sizes = [256, 1], strides = [1, 1]} : vector<256x3xf32> to vector<256x1xf32>
    %mul3A_662 = vector.broadcast %slice3A_661 : vector<256x1xf32> to vector<256x512xf32>
    %mul3A_663 = arith.mulf %convert_element_type3A_650, %mul3A_662 : vector<256x512xf32>
    %reduce_sum3A_664 = arith.constant dense<0.000000e+00> : vector<512xf32>
    %reduce_sum3A_665 = vector.multi_reduction <add>, %mul3A_663, %reduce_sum3A_664 [0] : vector<256x512xf32> to vector<512xf32>
    %sub3A_666 = arith.subf %squeeze3A_71, %reduce_sum3A_655 : vector<512xf32>
    %abs3A_667 = math.absf %sub3A_666 : vector<512xf32>
    %sub3A_668 = arith.subf %squeeze3A_73, %reduce_sum3A_660 : vector<512xf32>
    %abs3A_669 = math.absf %sub3A_668 : vector<512xf32>
    %add3A_670 = arith.addf %abs3A_667, %abs3A_669 : vector<512xf32>
    %sub3A_671 = arith.subf %squeeze3A_75, %reduce_sum3A_665 : vector<512xf32>
    %abs3A_672 = math.absf %sub3A_671 : vector<512xf32>
    %add3A_673 = arith.addf %add3A_670, %abs3A_672 : vector<512xf32>
    %reduce_sum3A_674 = vector.shape_cast %add3A_673 : vector<512xf32> to vector<1x512xf32>
    %reduce_sum3A_675 = arith.constant dense<0.000000e+00> : vector<1xf32>
    %reduce_sum3A_676 = vector.multi_reduction <add>, %reduce_sum3A_674, %reduce_sum3A_675 [1] : vector<1x512xf32> to vector<1xf32>
    %reduce_sum3A_677 = vector.shape_cast %reduce_sum3A_676 : vector<1xf32> to vector<1x1xf32>
    %reduce_sum3A_678 = vector.extract %reduce_sum3A_677[0, 0] : f32 from vector<1x1xf32>
    %swap3A_679 = arith.constant 3 : index
    %swap3A_680 = arith.constant 0 : index
    %swap3A_681 = arith.constant 0 : index
    %swap3A_682 = vector.load %arg4[%swap3A_679, %swap3A_680, %swap3A_681] : memref<8x1x512xi32, #tpu.memory_space<vmem>>, vector<1x1x512xi32>
    %swap3A_683 = vector.shape_cast %swap3A_682 : vector<1x1x512xi32> to vector<512xi32>
    %swap3A_684 = vector.shape_cast %squeeze3A_645 : vector<512xi32> to vector<1x1x512xi32>
    tpu.vector_store %arg4[%swap3A_679, %swap3A_680, %swap3A_681], %swap3A_684 {strides = array<i32>} : memref<8x1x512xi32, #tpu.memory_space<vmem>>, vector<1x1x512xi32>,
    %broadcast_in_dim3A_685 = vector.broadcast %reduce_sum3A_678 : f32 to vector<128xf32>
    %swap3A_686 = arith.constant 3 : index
    %swap3A_687 = arith.constant 0 : index
    %swap3A_688 = arith.constant 0 : index
    %swap3A_689 = vector.load %arg5[%swap3A_686, %swap3A_687, %swap3A_688] : memref<8x1x128xf32, #tpu.memory_space<vmem>>, vector<1x1x128xf32>
    %swap3A_690 = vector.shape_cast %swap3A_689 : vector<1x1x128xf32> to vector<128xf32>
    %swap3A_691 = vector.shape_cast %broadcast_in_dim3A_685 : vector<128xf32> to vector<1x1x128xf32>
    tpu.vector_store %arg5[%swap3A_686, %swap3A_687, %swap3A_688], %swap3A_691 {strides = array<i32>} : memref<8x1x128xf32, #tpu.memory_space<vmem>>, vector<1x1x128xf32>,
    %dot_general3A_692 = arith.constant dense<0.000000e+00> : vector<256x512xf32>
    %dot_general3A_693 = tpu.matmul %scan3A_213#4, %get3A_91, %dot_general3A_692 {dimension_numbers = #tpu.dot_dimension_numbers<[1], [0], [0], [1], [0, 0, 1, 1], [], []>, transpose_lhs_hint = false} : vector<256x3xf32>, vector<3x512xf32>, vector<256x512xf32> -> vector<256x512xf32>
    %slice3A_694 = vector.extract_strided_slice %scan3A_213#4 {offsets = [0, 0], sizes = [256, 1], strides = [1, 1]} : vector<256x3xf32> to vector<256x1xf32>
    %slice3A_695 = vector.extract_strided_slice %scan3A_213#4 {offsets = [0, 1], sizes = [256, 1], strides = [1, 1]} : vector<256x3xf32> to vector<256x1xf32>
    %slice3A_696 = vector.extract_strided_slice %scan3A_213#4 {offsets = [0, 2], sizes = [256, 1], strides = [1, 1]} : vector<256x3xf32> to vector<256x1xf32>
    %mul3A_697 = arith.mulf %slice3A_694, %slice3A_694 : vector<256x1xf32>
    %mul3A_698 = arith.mulf %slice3A_695, %slice3A_695 : vector<256x1xf32>
    %add3A_699 = arith.addf %mul3A_697, %mul3A_698 : vector<256x1xf32>
    %mul3A_700 = arith.mulf %slice3A_696, %slice3A_696 : vector<256x1xf32>
    %add3A_701 = arith.addf %add3A_699, %mul3A_700 : vector<256x1xf32>
    %add3A_702 = vector.broadcast %broadcast_in_dim3A_103 : vector<1x512xf32> to vector<256x512xf32>
    %add3A_703 = vector.broadcast %add3A_701 : vector<256x1xf32> to vector<256x512xf32>
    %add3A_704 = arith.addf %add3A_702, %add3A_703 : vector<256x512xf32>
    %mul3A_705 = arith.constant 2.000000e+00 : f32
    %mul3A_706 = vector.broadcast %mul3A_705 : f32 to vector<256x512xf32>
    %mul3A_707 = arith.mulf %mul3A_706, %dot_general3A_693 : vector<256x512xf32>
    %sub3A_708 = arith.subf %add3A_704, %mul3A_707 : vector<256x512xf32>
    %max3A_709 = arith.constant 0.000000e+00 : f32
    %max3A_710 = vector.broadcast %max3A_709 : f32 to vector<256x512xf32>
    %max3A_711 = arith.maximumf %sub3A_708, %max3A_710 : vector<256x512xf32>
    %slice3A_712 = vector.extract_strided_slice %max3A_711 {offsets = [0, 0], sizes = [128, 512], strides = [1, 1]} : vector<256x512xf32> to vector<128x512xf32>
    %slice3A_713 = vector.extract_strided_slice %max3A_711 {offsets = [128, 0], sizes = [128, 512], strides = [1, 1]} : vector<256x512xf32> to vector<128x512xf32>
    %slice3A_714 = vector.extract_strided_slice %iota3A {offsets = [0, 0], sizes = [128, 512], strides = [1, 1]} : vector<256x512xi32> to vector<128x512xi32>
    %slice3A_715 = vector.extract_strided_slice %iota3A {offsets = [128, 0], sizes = [128, 512], strides = [1, 1]} : vector<256x512xi32> to vector<128x512xi32>
    %lt3A_716 = arith.cmpf olt, %slice3A_713, %slice3A_712 : vector<128x512xf32>
    %select_n3A_717 = arith.select %lt3A_716, %slice3A_713, %slice3A_712 : vector<128x512xi1>, vector<128x512xf32>
    %select_n3A_718 = arith.select %lt3A_716, %slice3A_715, %slice3A_714 : vector<128x512xi1>, vector<128x512xi32>
    %slice3A_719 = vector.extract_strided_slice %select_n3A_717 {offsets = [0, 0], sizes = [64, 512], strides = [1, 1]} : vector<128x512xf32> to vector<64x512xf32>
    %slice3A_720 = vector.extract_strided_slice %select_n3A_717 {offsets = [64, 0], sizes = [64, 512], strides = [1, 1]} : vector<128x512xf32> to vector<64x512xf32>
    %slice3A_721 = vector.extract_strided_slice %select_n3A_718 {offsets = [0, 0], sizes = [64, 512], strides = [1, 1]} : vector<128x512xi32> to vector<64x512xi32>
    %slice3A_722 = vector.extract_strided_slice %select_n3A_718 {offsets = [64, 0], sizes = [64, 512], strides = [1, 1]} : vector<128x512xi32> to vector<64x512xi32>
    %lt3A_723 = arith.cmpf olt, %slice3A_720, %slice3A_719 : vector<64x512xf32>
    %select_n3A_724 = arith.select %lt3A_723, %slice3A_720, %slice3A_719 : vector<64x512xi1>, vector<64x512xf32>
    %select_n3A_725 = arith.select %lt3A_723, %slice3A_722, %slice3A_721 : vector<64x512xi1>, vector<64x512xi32>
    %slice3A_726 = vector.extract_strided_slice %select_n3A_724 {offsets = [0, 0], sizes = [32, 512], strides = [1, 1]} : vector<64x512xf32> to vector<32x512xf32>
    %slice3A_727 = vector.extract_strided_slice %select_n3A_724 {offsets = [32, 0], sizes = [32, 512], strides = [1, 1]} : vector<64x512xf32> to vector<32x512xf32>
    %slice3A_728 = vector.extract_strided_slice %select_n3A_725 {offsets = [0, 0], sizes = [32, 512], strides = [1, 1]} : vector<64x512xi32> to vector<32x512xi32>
    %slice3A_729 = vector.extract_strided_slice %select_n3A_725 {offsets = [32, 0], sizes = [32, 512], strides = [1, 1]} : vector<64x512xi32> to vector<32x512xi32>
    %lt3A_730 = arith.cmpf olt, %slice3A_727, %slice3A_726 : vector<32x512xf32>
    %select_n3A_731 = arith.select %lt3A_730, %slice3A_727, %slice3A_726 : vector<32x512xi1>, vector<32x512xf32>
    %select_n3A_732 = arith.select %lt3A_730, %slice3A_729, %slice3A_728 : vector<32x512xi1>, vector<32x512xi32>
    %slice3A_733 = vector.extract_strided_slice %select_n3A_731 {offsets = [0, 0], sizes = [16, 512], strides = [1, 1]} : vector<32x512xf32> to vector<16x512xf32>
    %slice3A_734 = vector.extract_strided_slice %select_n3A_731 {offsets = [16, 0], sizes = [16, 512], strides = [1, 1]} : vector<32x512xf32> to vector<16x512xf32>
    %slice3A_735 = vector.extract_strided_slice %select_n3A_732 {offsets = [0, 0], sizes = [16, 512], strides = [1, 1]} : vector<32x512xi32> to vector<16x512xi32>
    %slice3A_736 = vector.extract_strided_slice %select_n3A_732 {offsets = [16, 0], sizes = [16, 512], strides = [1, 1]} : vector<32x512xi32> to vector<16x512xi32>
    %lt3A_737 = arith.cmpf olt, %slice3A_734, %slice3A_733 : vector<16x512xf32>
    %select_n3A_738 = arith.select %lt3A_737, %slice3A_734, %slice3A_733 : vector<16x512xi1>, vector<16x512xf32>
    %select_n3A_739 = arith.select %lt3A_737, %slice3A_736, %slice3A_735 : vector<16x512xi1>, vector<16x512xi32>
    %slice3A_740 = vector.extract_strided_slice %select_n3A_738 {offsets = [0, 0], sizes = [8, 512], strides = [1, 1]} : vector<16x512xf32> to vector<8x512xf32>
    %slice3A_741 = vector.extract_strided_slice %select_n3A_738 {offsets = [8, 0], sizes = [8, 512], strides = [1, 1]} : vector<16x512xf32> to vector<8x512xf32>
    %slice3A_742 = vector.extract_strided_slice %select_n3A_739 {offsets = [0, 0], sizes = [8, 512], strides = [1, 1]} : vector<16x512xi32> to vector<8x512xi32>
    %slice3A_743 = vector.extract_strided_slice %select_n3A_739 {offsets = [8, 0], sizes = [8, 512], strides = [1, 1]} : vector<16x512xi32> to vector<8x512xi32>
    %lt3A_744 = arith.cmpf olt, %slice3A_741, %slice3A_740 : vector<8x512xf32>
    %select_n3A_745 = arith.select %lt3A_744, %slice3A_741, %slice3A_740 : vector<8x512xi1>, vector<8x512xf32>
    %select_n3A_746 = arith.select %lt3A_744, %slice3A_743, %slice3A_742 : vector<8x512xi1>, vector<8x512xi32>
    %slice3A_747 = vector.extract_strided_slice %select_n3A_745 {offsets = [0, 0], sizes = [4, 512], strides = [1, 1]} : vector<8x512xf32> to vector<4x512xf32>
    %slice3A_748 = vector.extract_strided_slice %select_n3A_745 {offsets = [4, 0], sizes = [4, 512], strides = [1, 1]} : vector<8x512xf32> to vector<4x512xf32>
    %slice3A_749 = vector.extract_strided_slice %select_n3A_746 {offsets = [0, 0], sizes = [4, 512], strides = [1, 1]} : vector<8x512xi32> to vector<4x512xi32>
    %slice3A_750 = vector.extract_strided_slice %select_n3A_746 {offsets = [4, 0], sizes = [4, 512], strides = [1, 1]} : vector<8x512xi32> to vector<4x512xi32>
    %lt3A_751 = arith.cmpf olt, %slice3A_748, %slice3A_747 : vector<4x512xf32>
    %select_n3A_752 = arith.select %lt3A_751, %slice3A_748, %slice3A_747 : vector<4x512xi1>, vector<4x512xf32>
    %select_n3A_753 = arith.select %lt3A_751, %slice3A_750, %slice3A_749 : vector<4x512xi1>, vector<4x512xi32>
    %slice3A_754 = vector.extract_strided_slice %select_n3A_752 {offsets = [0, 0], sizes = [2, 512], strides = [1, 1]} : vector<4x512xf32> to vector<2x512xf32>
    %slice3A_755 = vector.extract_strided_slice %select_n3A_752 {offsets = [2, 0], sizes = [2, 512], strides = [1, 1]} : vector<4x512xf32> to vector<2x512xf32>
    %slice3A_756 = vector.extract_strided_slice %select_n3A_753 {offsets = [0, 0], sizes = [2, 512], strides = [1, 1]} : vector<4x512xi32> to vector<2x512xi32>
    %slice3A_757 = vector.extract_strided_slice %select_n3A_753 {offsets = [2, 0], sizes = [2, 512], strides = [1, 1]} : vector<4x512xi32> to vector<2x512xi32>
    %lt3A_758 = arith.cmpf olt, %slice3A_755, %slice3A_754 : vector<2x512xf32>
    %select_n3A_759 = arith.select %lt3A_758, %slice3A_755, %slice3A_754 : vector<2x512xi1>, vector<2x512xf32>
    %select_n3A_760 = arith.select %lt3A_758, %slice3A_757, %slice3A_756 : vector<2x512xi1>, vector<2x512xi32>
    %slice3A_761 = vector.extract_strided_slice %select_n3A_759 {offsets = [0, 0], sizes = [1, 512], strides = [1, 1]} : vector<2x512xf32> to vector<1x512xf32>
    %slice3A_762 = vector.extract_strided_slice %select_n3A_759 {offsets = [1, 0], sizes = [1, 512], strides = [1, 1]} : vector<2x512xf32> to vector<1x512xf32>
    %slice3A_763 = vector.extract_strided_slice %select_n3A_760 {offsets = [0, 0], sizes = [1, 512], strides = [1, 1]} : vector<2x512xi32> to vector<1x512xi32>
    %slice3A_764 = vector.extract_strided_slice %select_n3A_760 {offsets = [1, 0], sizes = [1, 512], strides = [1, 1]} : vector<2x512xi32> to vector<1x512xi32>
    %lt3A_765 = arith.cmpf olt, %slice3A_762, %slice3A_761 : vector<1x512xf32>
    %select_n3A_766 = arith.select %lt3A_765, %slice3A_764, %slice3A_763 : vector<1x512xi1>, vector<1x512xi32>
    %squeeze3A_767 = vector.shape_cast %select_n3A_766 : vector<1x512xi32> to vector<512xi32>
    %broadcast_in_dim3A_768 = vector.shape_cast %squeeze3A_767 : vector<512xi32> to vector<1x512xi32>
    %eq3A_769 = vector.broadcast %broadcast_in_dim3A_768 : vector<1x512xi32> to vector<256x512xi32>
    %eq3A_770 = arith.cmpi eq, %iota3A, %eq3A_769 : vector<256x512xi32>
    %convert_element_type3A_771 = arith.extui %eq3A_770 : vector<256x512xi1> to vector<256x512xi32>
    %convert_element_type3A_772 = arith.sitofp %convert_element_type3A_771 : vector<256x512xi32> to vector<256x512xf32>
    %slice3A_773 = vector.extract_strided_slice %scan3A_213#4 {offsets = [0, 0], sizes = [256, 1], strides = [1, 1]} : vector<256x3xf32> to vector<256x1xf32>
    %mul3A_774 = vector.broadcast %slice3A_773 : vector<256x1xf32> to vector<256x512xf32>
    %mul3A_775 = arith.mulf %convert_element_type3A_772, %mul3A_774 : vector<256x512xf32>
    %reduce_sum3A_776 = arith.constant dense<0.000000e+00> : vector<512xf32>
    %reduce_sum3A_777 = vector.multi_reduction <add>, %mul3A_775, %reduce_sum3A_776 [0] : vector<256x512xf32> to vector<512xf32>
    %slice3A_778 = vector.extract_strided_slice %scan3A_213#4 {offsets = [0, 1], sizes = [256, 1], strides = [1, 1]} : vector<256x3xf32> to vector<256x1xf32>
    %mul3A_779 = vector.broadcast %slice3A_778 : vector<256x1xf32> to vector<256x512xf32>
    %mul3A_780 = arith.mulf %convert_element_type3A_772, %mul3A_779 : vector<256x512xf32>
    %reduce_sum3A_781 = arith.constant dense<0.000000e+00> : vector<512xf32>
    %reduce_sum3A_782 = vector.multi_reduction <add>, %mul3A_780, %reduce_sum3A_781 [0] : vector<256x512xf32> to vector<512xf32>
    %slice3A_783 = vector.extract_strided_slice %scan3A_213#4 {offsets = [0, 2], sizes = [256, 1], strides = [1, 1]} : vector<256x3xf32> to vector<256x1xf32>
    %mul3A_784 = vector.broadcast %slice3A_783 : vector<256x1xf32> to vector<256x512xf32>
    %mul3A_785 = arith.mulf %convert_element_type3A_772, %mul3A_784 : vector<256x512xf32>
    %reduce_sum3A_786 = arith.constant dense<0.000000e+00> : vector<512xf32>
    %reduce_sum3A_787 = vector.multi_reduction <add>, %mul3A_785, %reduce_sum3A_786 [0] : vector<256x512xf32> to vector<512xf32>
    %sub3A_788 = arith.subf %squeeze3A_93, %reduce_sum3A_777 : vector<512xf32>
    %abs3A_789 = math.absf %sub3A_788 : vector<512xf32>
    %sub3A_790 = arith.subf %squeeze3A_95, %reduce_sum3A_782 : vector<512xf32>
    %abs3A_791 = math.absf %sub3A_790 : vector<512xf32>
    %add3A_792 = arith.addf %abs3A_789, %abs3A_791 : vector<512xf32>
    %sub3A_793 = arith.subf %squeeze3A_97, %reduce_sum3A_787 : vector<512xf32>
    %abs3A_794 = math.absf %sub3A_793 : vector<512xf32>
    %add3A_795 = arith.addf %add3A_792, %abs3A_794 : vector<512xf32>
    %reduce_sum3A_796 = vector.shape_cast %add3A_795 : vector<512xf32> to vector<1x512xf32>
    %reduce_sum3A_797 = arith.constant dense<0.000000e+00> : vector<1xf32>
    %reduce_sum3A_798 = vector.multi_reduction <add>, %reduce_sum3A_796, %reduce_sum3A_797 [1] : vector<1x512xf32> to vector<1xf32>
    %reduce_sum3A_799 = vector.shape_cast %reduce_sum3A_798 : vector<1xf32> to vector<1x1xf32>
    %reduce_sum3A_800 = vector.extract %reduce_sum3A_799[0, 0] : f32 from vector<1x1xf32>
    %swap3A_801 = arith.constant 4 : index
    %swap3A_802 = arith.constant 0 : index
    %swap3A_803 = arith.constant 0 : index
    %swap3A_804 = vector.load %arg4[%swap3A_801, %swap3A_802, %swap3A_803] : memref<8x1x512xi32, #tpu.memory_space<vmem>>, vector<1x1x512xi32>
    %swap3A_805 = vector.shape_cast %swap3A_804 : vector<1x1x512xi32> to vector<512xi32>
    %swap3A_806 = vector.shape_cast %squeeze3A_767 : vector<512xi32> to vector<1x1x512xi32>
    tpu.vector_store %arg4[%swap3A_801, %swap3A_802, %swap3A_803], %swap3A_806 {strides = array<i32>} : memref<8x1x512xi32, #tpu.memory_space<vmem>>, vector<1x1x512xi32>,
    %broadcast_in_dim3A_807 = vector.broadcast %reduce_sum3A_800 : f32 to vector<128xf32>
    %swap3A_808 = arith.constant 4 : index
    %swap3A_809 = arith.constant 0 : index
    %swap3A_810 = arith.constant 0 : index
    %swap3A_811 = vector.load %arg5[%swap3A_808, %swap3A_809, %swap3A_810] : memref<8x1x128xf32, #tpu.memory_space<vmem>>, vector<1x1x128xf32>
    %swap3A_812 = vector.shape_cast %swap3A_811 : vector<1x1x128xf32> to vector<128xf32>
    %swap3A_813 = vector.shape_cast %broadcast_in_dim3A_807 : vector<128xf32> to vector<1x1x128xf32>
    tpu.vector_store %arg5[%swap3A_808, %swap3A_809, %swap3A_810], %swap3A_813 {strides = array<i32>} : memref<8x1x128xf32, #tpu.memory_space<vmem>>, vector<1x1x128xf32>,
    %dot_general3A_814 = arith.constant dense<0.000000e+00> : vector<256x512xf32>
    %dot_general3A_815 = tpu.matmul %scan3A_213#5, %get3A_113, %dot_general3A_814 {dimension_numbers = #tpu.dot_dimension_numbers<[1], [0], [0], [1], [0, 0, 1, 1], [], []>, transpose_lhs_hint = false} : vector<256x3xf32>, vector<3x512xf32>, vector<256x512xf32> -> vector<256x512xf32>
    %slice3A_816 = vector.extract_strided_slice %scan3A_213#5 {offsets = [0, 0], sizes = [256, 1], strides = [1, 1]} : vector<256x3xf32> to vector<256x1xf32>
    %slice3A_817 = vector.extract_strided_slice %scan3A_213#5 {offsets = [0, 1], sizes = [256, 1], strides = [1, 1]} : vector<256x3xf32> to vector<256x1xf32>
    %slice3A_818 = vector.extract_strided_slice %scan3A_213#5 {offsets = [0, 2], sizes = [256, 1], strides = [1, 1]} : vector<256x3xf32> to vector<256x1xf32>
    %mul3A_819 = arith.mulf %slice3A_816, %slice3A_816 : vector<256x1xf32>
    %mul3A_820 = arith.mulf %slice3A_817, %slice3A_817 : vector<256x1xf32>
    %add3A_821 = arith.addf %mul3A_819, %mul3A_820 : vector<256x1xf32>
    %mul3A_822 = arith.mulf %slice3A_818, %slice3A_818 : vector<256x1xf32>
    %add3A_823 = arith.addf %add3A_821, %mul3A_822 : vector<256x1xf32>
    %add3A_824 = vector.broadcast %broadcast_in_dim3A_125 : vector<1x512xf32> to vector<256x512xf32>
    %add3A_825 = vector.broadcast %add3A_823 : vector<256x1xf32> to vector<256x512xf32>
    %add3A_826 = arith.addf %add3A_824, %add3A_825 : vector<256x512xf32>
    %mul3A_827 = arith.constant 2.000000e+00 : f32
    %mul3A_828 = vector.broadcast %mul3A_827 : f32 to vector<256x512xf32>
    %mul3A_829 = arith.mulf %mul3A_828, %dot_general3A_815 : vector<256x512xf32>
    %sub3A_830 = arith.subf %add3A_826, %mul3A_829 : vector<256x512xf32>
    %max3A_831 = arith.constant 0.000000e+00 : f32
    %max3A_832 = vector.broadcast %max3A_831 : f32 to vector<256x512xf32>
    %max3A_833 = arith.maximumf %sub3A_830, %max3A_832 : vector<256x512xf32>
    %slice3A_834 = vector.extract_strided_slice %max3A_833 {offsets = [0, 0], sizes = [128, 512], strides = [1, 1]} : vector<256x512xf32> to vector<128x512xf32>
    %slice3A_835 = vector.extract_strided_slice %max3A_833 {offsets = [128, 0], sizes = [128, 512], strides = [1, 1]} : vector<256x512xf32> to vector<128x512xf32>
    %slice3A_836 = vector.extract_strided_slice %iota3A {offsets = [0, 0], sizes = [128, 512], strides = [1, 1]} : vector<256x512xi32> to vector<128x512xi32>
    %slice3A_837 = vector.extract_strided_slice %iota3A {offsets = [128, 0], sizes = [128, 512], strides = [1, 1]} : vector<256x512xi32> to vector<128x512xi32>
    %lt3A_838 = arith.cmpf olt, %slice3A_835, %slice3A_834 : vector<128x512xf32>
    %select_n3A_839 = arith.select %lt3A_838, %slice3A_835, %slice3A_834 : vector<128x512xi1>, vector<128x512xf32>
    %select_n3A_840 = arith.select %lt3A_838, %slice3A_837, %slice3A_836 : vector<128x512xi1>, vector<128x512xi32>
    %slice3A_841 = vector.extract_strided_slice %select_n3A_839 {offsets = [0, 0], sizes = [64, 512], strides = [1, 1]} : vector<128x512xf32> to vector<64x512xf32>
    %slice3A_842 = vector.extract_strided_slice %select_n3A_839 {offsets = [64, 0], sizes = [64, 512], strides = [1, 1]} : vector<128x512xf32> to vector<64x512xf32>
    %slice3A_843 = vector.extract_strided_slice %select_n3A_840 {offsets = [0, 0], sizes = [64, 512], strides = [1, 1]} : vector<128x512xi32> to vector<64x512xi32>
    %slice3A_844 = vector.extract_strided_slice %select_n3A_840 {offsets = [64, 0], sizes = [64, 512], strides = [1, 1]} : vector<128x512xi32> to vector<64x512xi32>
    %lt3A_845 = arith.cmpf olt, %slice3A_842, %slice3A_841 : vector<64x512xf32>
    %select_n3A_846 = arith.select %lt3A_845, %slice3A_842, %slice3A_841 : vector<64x512xi1>, vector<64x512xf32>
    %select_n3A_847 = arith.select %lt3A_845, %slice3A_844, %slice3A_843 : vector<64x512xi1>, vector<64x512xi32>
    %slice3A_848 = vector.extract_strided_slice %select_n3A_846 {offsets = [0, 0], sizes = [32, 512], strides = [1, 1]} : vector<64x512xf32> to vector<32x512xf32>
    %slice3A_849 = vector.extract_strided_slice %select_n3A_846 {offsets = [32, 0], sizes = [32, 512], strides = [1, 1]} : vector<64x512xf32> to vector<32x512xf32>
    %slice3A_850 = vector.extract_strided_slice %select_n3A_847 {offsets = [0, 0], sizes = [32, 512], strides = [1, 1]} : vector<64x512xi32> to vector<32x512xi32>
    %slice3A_851 = vector.extract_strided_slice %select_n3A_847 {offsets = [32, 0], sizes = [32, 512], strides = [1, 1]} : vector<64x512xi32> to vector<32x512xi32>
    %lt3A_852 = arith.cmpf olt, %slice3A_849, %slice3A_848 : vector<32x512xf32>
    %select_n3A_853 = arith.select %lt3A_852, %slice3A_849, %slice3A_848 : vector<32x512xi1>, vector<32x512xf32>
    %select_n3A_854 = arith.select %lt3A_852, %slice3A_851, %slice3A_850 : vector<32x512xi1>, vector<32x512xi32>
    %slice3A_855 = vector.extract_strided_slice %select_n3A_853 {offsets = [0, 0], sizes = [16, 512], strides = [1, 1]} : vector<32x512xf32> to vector<16x512xf32>
    %slice3A_856 = vector.extract_strided_slice %select_n3A_853 {offsets = [16, 0], sizes = [16, 512], strides = [1, 1]} : vector<32x512xf32> to vector<16x512xf32>
    %slice3A_857 = vector.extract_strided_slice %select_n3A_854 {offsets = [0, 0], sizes = [16, 512], strides = [1, 1]} : vector<32x512xi32> to vector<16x512xi32>
    %slice3A_858 = vector.extract_strided_slice %select_n3A_854 {offsets = [16, 0], sizes = [16, 512], strides = [1, 1]} : vector<32x512xi32> to vector<16x512xi32>
    %lt3A_859 = arith.cmpf olt, %slice3A_856, %slice3A_855 : vector<16x512xf32>
    %select_n3A_860 = arith.select %lt3A_859, %slice3A_856, %slice3A_855 : vector<16x512xi1>, vector<16x512xf32>
    %select_n3A_861 = arith.select %lt3A_859, %slice3A_858, %slice3A_857 : vector<16x512xi1>, vector<16x512xi32>
    %slice3A_862 = vector.extract_strided_slice %select_n3A_860 {offsets = [0, 0], sizes = [8, 512], strides = [1, 1]} : vector<16x512xf32> to vector<8x512xf32>
    %slice3A_863 = vector.extract_strided_slice %select_n3A_860 {offsets = [8, 0], sizes = [8, 512], strides = [1, 1]} : vector<16x512xf32> to vector<8x512xf32>
    %slice3A_864 = vector.extract_strided_slice %select_n3A_861 {offsets = [0, 0], sizes = [8, 512], strides = [1, 1]} : vector<16x512xi32> to vector<8x512xi32>
    %slice3A_865 = vector.extract_strided_slice %select_n3A_861 {offsets = [8, 0], sizes = [8, 512], strides = [1, 1]} : vector<16x512xi32> to vector<8x512xi32>
    %lt3A_866 = arith.cmpf olt, %slice3A_863, %slice3A_862 : vector<8x512xf32>
    %select_n3A_867 = arith.select %lt3A_866, %slice3A_863, %slice3A_862 : vector<8x512xi1>, vector<8x512xf32>
    %select_n3A_868 = arith.select %lt3A_866, %slice3A_865, %slice3A_864 : vector<8x512xi1>, vector<8x512xi32>
    %slice3A_869 = vector.extract_strided_slice %select_n3A_867 {offsets = [0, 0], sizes = [4, 512], strides = [1, 1]} : vector<8x512xf32> to vector<4x512xf32>
    %slice3A_870 = vector.extract_strided_slice %select_n3A_867 {offsets = [4, 0], sizes = [4, 512], strides = [1, 1]} : vector<8x512xf32> to vector<4x512xf32>
    %slice3A_871 = vector.extract_strided_slice %select_n3A_868 {offsets = [0, 0], sizes = [4, 512], strides = [1, 1]} : vector<8x512xi32> to vector<4x512xi32>
    %slice3A_872 = vector.extract_strided_slice %select_n3A_868 {offsets = [4, 0], sizes = [4, 512], strides = [1, 1]} : vector<8x512xi32> to vector<4x512xi32>
    %lt3A_873 = arith.cmpf olt, %slice3A_870, %slice3A_869 : vector<4x512xf32>
    %select_n3A_874 = arith.select %lt3A_873, %slice3A_870, %slice3A_869 : vector<4x512xi1>, vector<4x512xf32>
    %select_n3A_875 = arith.select %lt3A_873, %slice3A_872, %slice3A_871 : vector<4x512xi1>, vector<4x512xi32>
    %slice3A_876 = vector.extract_strided_slice %select_n3A_874 {offsets = [0, 0], sizes = [2, 512], strides = [1, 1]} : vector<4x512xf32> to vector<2x512xf32>
    %slice3A_877 = vector.extract_strided_slice %select_n3A_874 {offsets = [2, 0], sizes = [2, 512], strides = [1, 1]} : vector<4x512xf32> to vector<2x512xf32>
    %slice3A_878 = vector.extract_strided_slice %select_n3A_875 {offsets = [0, 0], sizes = [2, 512], strides = [1, 1]} : vector<4x512xi32> to vector<2x512xi32>
    %slice3A_879 = vector.extract_strided_slice %select_n3A_875 {offsets = [2, 0], sizes = [2, 512], strides = [1, 1]} : vector<4x512xi32> to vector<2x512xi32>
    %lt3A_880 = arith.cmpf olt, %slice3A_877, %slice3A_876 : vector<2x512xf32>
    %select_n3A_881 = arith.select %lt3A_880, %slice3A_877, %slice3A_876 : vector<2x512xi1>, vector<2x512xf32>
    %select_n3A_882 = arith.select %lt3A_880, %slice3A_879, %slice3A_878 : vector<2x512xi1>, vector<2x512xi32>
    %slice3A_883 = vector.extract_strided_slice %select_n3A_881 {offsets = [0, 0], sizes = [1, 512], strides = [1, 1]} : vector<2x512xf32> to vector<1x512xf32>
    %slice3A_884 = vector.extract_strided_slice %select_n3A_881 {offsets = [1, 0], sizes = [1, 512], strides = [1, 1]} : vector<2x512xf32> to vector<1x512xf32>
    %slice3A_885 = vector.extract_strided_slice %select_n3A_882 {offsets = [0, 0], sizes = [1, 512], strides = [1, 1]} : vector<2x512xi32> to vector<1x512xi32>
    %slice3A_886 = vector.extract_strided_slice %select_n3A_882 {offsets = [1, 0], sizes = [1, 512], strides = [1, 1]} : vector<2x512xi32> to vector<1x512xi32>
    %lt3A_887 = arith.cmpf olt, %slice3A_884, %slice3A_883 : vector<1x512xf32>
    %select_n3A_888 = arith.select %lt3A_887, %slice3A_886, %slice3A_885 : vector<1x512xi1>, vector<1x512xi32>
    %squeeze3A_889 = vector.shape_cast %select_n3A_888 : vector<1x512xi32> to vector<512xi32>
    %broadcast_in_dim3A_890 = vector.shape_cast %squeeze3A_889 : vector<512xi32> to vector<1x512xi32>
    %eq3A_891 = vector.broadcast %broadcast_in_dim3A_890 : vector<1x512xi32> to vector<256x512xi32>
    %eq3A_892 = arith.cmpi eq, %iota3A, %eq3A_891 : vector<256x512xi32>
    %convert_element_type3A_893 = arith.extui %eq3A_892 : vector<256x512xi1> to vector<256x512xi32>
    %convert_element_type3A_894 = arith.sitofp %convert_element_type3A_893 : vector<256x512xi32> to vector<256x512xf32>
    %slice3A_895 = vector.extract_strided_slice %scan3A_213#5 {offsets = [0, 0], sizes = [256, 1], strides = [1, 1]} : vector<256x3xf32> to vector<256x1xf32>
    %mul3A_896 = vector.broadcast %slice3A_895 : vector<256x1xf32> to vector<256x512xf32>
    %mul3A_897 = arith.mulf %convert_element_type3A_894, %mul3A_896 : vector<256x512xf32>
    %reduce_sum3A_898 = arith.constant dense<0.000000e+00> : vector<512xf32>
    %reduce_sum3A_899 = vector.multi_reduction <add>, %mul3A_897, %reduce_sum3A_898 [0] : vector<256x512xf32> to vector<512xf32>
    %slice3A_900 = vector.extract_strided_slice %scan3A_213#5 {offsets = [0, 1], sizes = [256, 1], strides = [1, 1]} : vector<256x3xf32> to vector<256x1xf32>
    %mul3A_901 = vector.broadcast %slice3A_900 : vector<256x1xf32> to vector<256x512xf32>
    %mul3A_902 = arith.mulf %convert_element_type3A_894, %mul3A_901 : vector<256x512xf32>
    %reduce_sum3A_903 = arith.constant dense<0.000000e+00> : vector<512xf32>
    %reduce_sum3A_904 = vector.multi_reduction <add>, %mul3A_902, %reduce_sum3A_903 [0] : vector<256x512xf32> to vector<512xf32>
    %slice3A_905 = vector.extract_strided_slice %scan3A_213#5 {offsets = [0, 2], sizes = [256, 1], strides = [1, 1]} : vector<256x3xf32> to vector<256x1xf32>
    %mul3A_906 = vector.broadcast %slice3A_905 : vector<256x1xf32> to vector<256x512xf32>
    %mul3A_907 = arith.mulf %convert_element_type3A_894, %mul3A_906 : vector<256x512xf32>
    %reduce_sum3A_908 = arith.constant dense<0.000000e+00> : vector<512xf32>
    %reduce_sum3A_909 = vector.multi_reduction <add>, %mul3A_907, %reduce_sum3A_908 [0] : vector<256x512xf32> to vector<512xf32>
    %sub3A_910 = arith.subf %squeeze3A_115, %reduce_sum3A_899 : vector<512xf32>
    %abs3A_911 = math.absf %sub3A_910 : vector<512xf32>
    %sub3A_912 = arith.subf %squeeze3A_117, %reduce_sum3A_904 : vector<512xf32>
    %abs3A_913 = math.absf %sub3A_912 : vector<512xf32>
    %add3A_914 = arith.addf %abs3A_911, %abs3A_913 : vector<512xf32>
    %sub3A_915 = arith.subf %squeeze3A_119, %reduce_sum3A_909 : vector<512xf32>
    %abs3A_916 = math.absf %sub3A_915 : vector<512xf32>
    %add3A_917 = arith.addf %add3A_914, %abs3A_916 : vector<512xf32>
    %reduce_sum3A_918 = vector.shape_cast %add3A_917 : vector<512xf32> to vector<1x512xf32>
    %reduce_sum3A_919 = arith.constant dense<0.000000e+00> : vector<1xf32>
    %reduce_sum3A_920 = vector.multi_reduction <add>, %reduce_sum3A_918, %reduce_sum3A_919 [1] : vector<1x512xf32> to vector<1xf32>
    %reduce_sum3A_921 = vector.shape_cast %reduce_sum3A_920 : vector<1xf32> to vector<1x1xf32>
    %reduce_sum3A_922 = vector.extract %reduce_sum3A_921[0, 0] : f32 from vector<1x1xf32>
    %swap3A_923 = arith.constant 5 : index
    %swap3A_924 = arith.constant 0 : index
    %swap3A_925 = arith.constant 0 : index
    %swap3A_926 = vector.load %arg4[%swap3A_923, %swap3A_924, %swap3A_925] : memref<8x1x512xi32, #tpu.memory_space<vmem>>, vector<1x1x512xi32>
    %swap3A_927 = vector.shape_cast %swap3A_926 : vector<1x1x512xi32> to vector<512xi32>
    %swap3A_928 = vector.shape_cast %squeeze3A_889 : vector<512xi32> to vector<1x1x512xi32>
    tpu.vector_store %arg4[%swap3A_923, %swap3A_924, %swap3A_925], %swap3A_928 {strides = array<i32>} : memref<8x1x512xi32, #tpu.memory_space<vmem>>, vector<1x1x512xi32>,
    %broadcast_in_dim3A_929 = vector.broadcast %reduce_sum3A_922 : f32 to vector<128xf32>
    %swap3A_930 = arith.constant 5 : index
    %swap3A_931 = arith.constant 0 : index
    %swap3A_932 = arith.constant 0 : index
    %swap3A_933 = vector.load %arg5[%swap3A_930, %swap3A_931, %swap3A_932] : memref<8x1x128xf32, #tpu.memory_space<vmem>>, vector<1x1x128xf32>
    %swap3A_934 = vector.shape_cast %swap3A_933 : vector<1x1x128xf32> to vector<128xf32>
    %swap3A_935 = vector.shape_cast %broadcast_in_dim3A_929 : vector<128xf32> to vector<1x1x128xf32>
    tpu.vector_store %arg5[%swap3A_930, %swap3A_931, %swap3A_932], %swap3A_935 {strides = array<i32>} : memref<8x1x128xf32, #tpu.memory_space<vmem>>, vector<1x1x128xf32>,
    %dot_general3A_936 = arith.constant dense<0.000000e+00> : vector<256x512xf32>
    %dot_general3A_937 = tpu.matmul %scan3A_213#6, %get3A_135, %dot_general3A_936 {dimension_numbers = #tpu.dot_dimension_numbers<[1], [0], [0], [1], [0, 0, 1, 1], [], []>, transpose_lhs_hint = false} : vector<256x3xf32>, vector<3x512xf32>, vector<256x512xf32> -> vector<256x512xf32>
    %slice3A_938 = vector.extract_strided_slice %scan3A_213#6 {offsets = [0, 0], sizes = [256, 1], strides = [1, 1]} : vector<256x3xf32> to vector<256x1xf32>
    %slice3A_939 = vector.extract_strided_slice %scan3A_213#6 {offsets = [0, 1], sizes = [256, 1], strides = [1, 1]} : vector<256x3xf32> to vector<256x1xf32>
    %slice3A_940 = vector.extract_strided_slice %scan3A_213#6 {offsets = [0, 2], sizes = [256, 1], strides = [1, 1]} : vector<256x3xf32> to vector<256x1xf32>
    %mul3A_941 = arith.mulf %slice3A_938, %slice3A_938 : vector<256x1xf32>
    %mul3A_942 = arith.mulf %slice3A_939, %slice3A_939 : vector<256x1xf32>
    %add3A_943 = arith.addf %mul3A_941, %mul3A_942 : vector<256x1xf32>
    %mul3A_944 = arith.mulf %slice3A_940, %slice3A_940 : vector<256x1xf32>
    %add3A_945 = arith.addf %add3A_943, %mul3A_944 : vector<256x1xf32>
    %add3A_946 = vector.broadcast %broadcast_in_dim3A_147 : vector<1x512xf32> to vector<256x512xf32>
    %add3A_947 = vector.broadcast %add3A_945 : vector<256x1xf32> to vector<256x512xf32>
    %add3A_948 = arith.addf %add3A_946, %add3A_947 : vector<256x512xf32>
    %mul3A_949 = arith.constant 2.000000e+00 : f32
    %mul3A_950 = vector.broadcast %mul3A_949 : f32 to vector<256x512xf32>
    %mul3A_951 = arith.mulf %mul3A_950, %dot_general3A_937 : vector<256x512xf32>
    %sub3A_952 = arith.subf %add3A_948, %mul3A_951 : vector<256x512xf32>
    %max3A_953 = arith.constant 0.000000e+00 : f32
    %max3A_954 = vector.broadcast %max3A_953 : f32 to vector<256x512xf32>
    %max3A_955 = arith.maximumf %sub3A_952, %max3A_954 : vector<256x512xf32>
    %slice3A_956 = vector.extract_strided_slice %max3A_955 {offsets = [0, 0], sizes = [128, 512], strides = [1, 1]} : vector<256x512xf32> to vector<128x512xf32>
    %slice3A_957 = vector.extract_strided_slice %max3A_955 {offsets = [128, 0], sizes = [128, 512], strides = [1, 1]} : vector<256x512xf32> to vector<128x512xf32>
    %slice3A_958 = vector.extract_strided_slice %iota3A {offsets = [0, 0], sizes = [128, 512], strides = [1, 1]} : vector<256x512xi32> to vector<128x512xi32>
    %slice3A_959 = vector.extract_strided_slice %iota3A {offsets = [128, 0], sizes = [128, 512], strides = [1, 1]} : vector<256x512xi32> to vector<128x512xi32>
    %lt3A_960 = arith.cmpf olt, %slice3A_957, %slice3A_956 : vector<128x512xf32>
    %select_n3A_961 = arith.select %lt3A_960, %slice3A_957, %slice3A_956 : vector<128x512xi1>, vector<128x512xf32>
    %select_n3A_962 = arith.select %lt3A_960, %slice3A_959, %slice3A_958 : vector<128x512xi1>, vector<128x512xi32>
    %slice3A_963 = vector.extract_strided_slice %select_n3A_961 {offsets = [0, 0], sizes = [64, 512], strides = [1, 1]} : vector<128x512xf32> to vector<64x512xf32>
    %slice3A_964 = vector.extract_strided_slice %select_n3A_961 {offsets = [64, 0], sizes = [64, 512], strides = [1, 1]} : vector<128x512xf32> to vector<64x512xf32>
    %slice3A_965 = vector.extract_strided_slice %select_n3A_962 {offsets = [0, 0], sizes = [64, 512], strides = [1, 1]} : vector<128x512xi32> to vector<64x512xi32>
    %slice3A_966 = vector.extract_strided_slice %select_n3A_962 {offsets = [64, 0], sizes = [64, 512], strides = [1, 1]} : vector<128x512xi32> to vector<64x512xi32>
    %lt3A_967 = arith.cmpf olt, %slice3A_964, %slice3A_963 : vector<64x512xf32>
    %select_n3A_968 = arith.select %lt3A_967, %slice3A_964, %slice3A_963 : vector<64x512xi1>, vector<64x512xf32>
    %select_n3A_969 = arith.select %lt3A_967, %slice3A_966, %slice3A_965 : vector<64x512xi1>, vector<64x512xi32>
    %slice3A_970 = vector.extract_strided_slice %select_n3A_968 {offsets = [0, 0], sizes = [32, 512], strides = [1, 1]} : vector<64x512xf32> to vector<32x512xf32>
    %slice3A_971 = vector.extract_strided_slice %select_n3A_968 {offsets = [32, 0], sizes = [32, 512], strides = [1, 1]} : vector<64x512xf32> to vector<32x512xf32>
    %slice3A_972 = vector.extract_strided_slice %select_n3A_969 {offsets = [0, 0], sizes = [32, 512], strides = [1, 1]} : vector<64x512xi32> to vector<32x512xi32>
    %slice3A_973 = vector.extract_strided_slice %select_n3A_969 {offsets = [32, 0], sizes = [32, 512], strides = [1, 1]} : vector<64x512xi32> to vector<32x512xi32>
    %lt3A_974 = arith.cmpf olt, %slice3A_971, %slice3A_970 : vector<32x512xf32>
    %select_n3A_975 = arith.select %lt3A_974, %slice3A_971, %slice3A_970 : vector<32x512xi1>, vector<32x512xf32>
    %select_n3A_976 = arith.select %lt3A_974, %slice3A_973, %slice3A_972 : vector<32x512xi1>, vector<32x512xi32>
    %slice3A_977 = vector.extract_strided_slice %select_n3A_975 {offsets = [0, 0], sizes = [16, 512], strides = [1, 1]} : vector<32x512xf32> to vector<16x512xf32>
    %slice3A_978 = vector.extract_strided_slice %select_n3A_975 {offsets = [16, 0], sizes = [16, 512], strides = [1, 1]} : vector<32x512xf32> to vector<16x512xf32>
    %slice3A_979 = vector.extract_strided_slice %select_n3A_976 {offsets = [0, 0], sizes = [16, 512], strides = [1, 1]} : vector<32x512xi32> to vector<16x512xi32>
    %slice3A_980 = vector.extract_strided_slice %select_n3A_976 {offsets = [16, 0], sizes = [16, 512], strides = [1, 1]} : vector<32x512xi32> to vector<16x512xi32>
    %lt3A_981 = arith.cmpf olt, %slice3A_978, %slice3A_977 : vector<16x512xf32>
    %select_n3A_982 = arith.select %lt3A_981, %slice3A_978, %slice3A_977 : vector<16x512xi1>, vector<16x512xf32>
    %select_n3A_983 = arith.select %lt3A_981, %slice3A_980, %slice3A_979 : vector<16x512xi1>, vector<16x512xi32>
    %slice3A_984 = vector.extract_strided_slice %select_n3A_982 {offsets = [0, 0], sizes = [8, 512], strides = [1, 1]} : vector<16x512xf32> to vector<8x512xf32>
    %slice3A_985 = vector.extract_strided_slice %select_n3A_982 {offsets = [8, 0], sizes = [8, 512], strides = [1, 1]} : vector<16x512xf32> to vector<8x512xf32>
    %slice3A_986 = vector.extract_strided_slice %select_n3A_983 {offsets = [0, 0], sizes = [8, 512], strides = [1, 1]} : vector<16x512xi32> to vector<8x512xi32>
    %slice3A_987 = vector.extract_strided_slice %select_n3A_983 {offsets = [8, 0], sizes = [8, 512], strides = [1, 1]} : vector<16x512xi32> to vector<8x512xi32>
    %lt3A_988 = arith.cmpf olt, %slice3A_985, %slice3A_984 : vector<8x512xf32>
    %select_n3A_989 = arith.select %lt3A_988, %slice3A_985, %slice3A_984 : vector<8x512xi1>, vector<8x512xf32>
    %select_n3A_990 = arith.select %lt3A_988, %slice3A_987, %slice3A_986 : vector<8x512xi1>, vector<8x512xi32>
    %slice3A_991 = vector.extract_strided_slice %select_n3A_989 {offsets = [0, 0], sizes = [4, 512], strides = [1, 1]} : vector<8x512xf32> to vector<4x512xf32>
    %slice3A_992 = vector.extract_strided_slice %select_n3A_989 {offsets = [4, 0], sizes = [4, 512], strides = [1, 1]} : vector<8x512xf32> to vector<4x512xf32>
    %slice3A_993 = vector.extract_strided_slice %select_n3A_990 {offsets = [0, 0], sizes = [4, 512], strides = [1, 1]} : vector<8x512xi32> to vector<4x512xi32>
    %slice3A_994 = vector.extract_strided_slice %select_n3A_990 {offsets = [4, 0], sizes = [4, 512], strides = [1, 1]} : vector<8x512xi32> to vector<4x512xi32>
    %lt3A_995 = arith.cmpf olt, %slice3A_992, %slice3A_991 : vector<4x512xf32>
    %select_n3A_996 = arith.select %lt3A_995, %slice3A_992, %slice3A_991 : vector<4x512xi1>, vector<4x512xf32>
    %select_n3A_997 = arith.select %lt3A_995, %slice3A_994, %slice3A_993 : vector<4x512xi1>, vector<4x512xi32>
    %slice3A_998 = vector.extract_strided_slice %select_n3A_996 {offsets = [0, 0], sizes = [2, 512], strides = [1, 1]} : vector<4x512xf32> to vector<2x512xf32>
    %slice3A_999 = vector.extract_strided_slice %select_n3A_996 {offsets = [2, 0], sizes = [2, 512], strides = [1, 1]} : vector<4x512xf32> to vector<2x512xf32>
    %slice3A_1000 = vector.extract_strided_slice %select_n3A_997 {offsets = [0, 0], sizes = [2, 512], strides = [1, 1]} : vector<4x512xi32> to vector<2x512xi32>
    %slice3A_1001 = vector.extract_strided_slice %select_n3A_997 {offsets = [2, 0], sizes = [2, 512], strides = [1, 1]} : vector<4x512xi32> to vector<2x512xi32>
    %lt3A_1002 = arith.cmpf olt, %slice3A_999, %slice3A_998 : vector<2x512xf32>
    %select_n3A_1003 = arith.select %lt3A_1002, %slice3A_999, %slice3A_998 : vector<2x512xi1>, vector<2x512xf32>
    %select_n3A_1004 = arith.select %lt3A_1002, %slice3A_1001, %slice3A_1000 : vector<2x512xi1>, vector<2x512xi32>
    %slice3A_1005 = vector.extract_strided_slice %select_n3A_1003 {offsets = [0, 0], sizes = [1, 512], strides = [1, 1]} : vector<2x512xf32> to vector<1x512xf32>
    %slice3A_1006 = vector.extract_strided_slice %select_n3A_1003 {offsets = [1, 0], sizes = [1, 512], strides = [1, 1]} : vector<2x512xf32> to vector<1x512xf32>
    %slice3A_1007 = vector.extract_strided_slice %select_n3A_1004 {offsets = [0, 0], sizes = [1, 512], strides = [1, 1]} : vector<2x512xi32> to vector<1x512xi32>
    %slice3A_1008 = vector.extract_strided_slice %select_n3A_1004 {offsets = [1, 0], sizes = [1, 512], strides = [1, 1]} : vector<2x512xi32> to vector<1x512xi32>
    %lt3A_1009 = arith.cmpf olt, %slice3A_1006, %slice3A_1005 : vector<1x512xf32>
    %select_n3A_1010 = arith.select %lt3A_1009, %slice3A_1008, %slice3A_1007 : vector<1x512xi1>, vector<1x512xi32>
    %squeeze3A_1011 = vector.shape_cast %select_n3A_1010 : vector<1x512xi32> to vector<512xi32>
    %broadcast_in_dim3A_1012 = vector.shape_cast %squeeze3A_1011 : vector<512xi32> to vector<1x512xi32>
    %eq3A_1013 = vector.broadcast %broadcast_in_dim3A_1012 : vector<1x512xi32> to vector<256x512xi32>
    %eq3A_1014 = arith.cmpi eq, %iota3A, %eq3A_1013 : vector<256x512xi32>
    %convert_element_type3A_1015 = arith.extui %eq3A_1014 : vector<256x512xi1> to vector<256x512xi32>
    %convert_element_type3A_1016 = arith.sitofp %convert_element_type3A_1015 : vector<256x512xi32> to vector<256x512xf32>
    %slice3A_1017 = vector.extract_strided_slice %scan3A_213#6 {offsets = [0, 0], sizes = [256, 1], strides = [1, 1]} : vector<256x3xf32> to vector<256x1xf32>
    %mul3A_1018 = vector.broadcast %slice3A_1017 : vector<256x1xf32> to vector<256x512xf32>
    %mul3A_1019 = arith.mulf %convert_element_type3A_1016, %mul3A_1018 : vector<256x512xf32>
    %reduce_sum3A_1020 = arith.constant dense<0.000000e+00> : vector<512xf32>
    %reduce_sum3A_1021 = vector.multi_reduction <add>, %mul3A_1019, %reduce_sum3A_1020 [0] : vector<256x512xf32> to vector<512xf32>
    %slice3A_1022 = vector.extract_strided_slice %scan3A_213#6 {offsets = [0, 1], sizes = [256, 1], strides = [1, 1]} : vector<256x3xf32> to vector<256x1xf32>
    %mul3A_1023 = vector.broadcast %slice3A_1022 : vector<256x1xf32> to vector<256x512xf32>
    %mul3A_1024 = arith.mulf %convert_element_type3A_1016, %mul3A_1023 : vector<256x512xf32>
    %reduce_sum3A_1025 = arith.constant dense<0.000000e+00> : vector<512xf32>
    %reduce_sum3A_1026 = vector.multi_reduction <add>, %mul3A_1024, %reduce_sum3A_1025 [0] : vector<256x512xf32> to vector<512xf32>
    %slice3A_1027 = vector.extract_strided_slice %scan3A_213#6 {offsets = [0, 2], sizes = [256, 1], strides = [1, 1]} : vector<256x3xf32> to vector<256x1xf32>
    %mul3A_1028 = vector.broadcast %slice3A_1027 : vector<256x1xf32> to vector<256x512xf32>
    %mul3A_1029 = arith.mulf %convert_element_type3A_1016, %mul3A_1028 : vector<256x512xf32>
    %reduce_sum3A_1030 = arith.constant dense<0.000000e+00> : vector<512xf32>
    %reduce_sum3A_1031 = vector.multi_reduction <add>, %mul3A_1029, %reduce_sum3A_1030 [0] : vector<256x512xf32> to vector<512xf32>
    %sub3A_1032 = arith.subf %squeeze3A_137, %reduce_sum3A_1021 : vector<512xf32>
    %abs3A_1033 = math.absf %sub3A_1032 : vector<512xf32>
    %sub3A_1034 = arith.subf %squeeze3A_139, %reduce_sum3A_1026 : vector<512xf32>
    %abs3A_1035 = math.absf %sub3A_1034 : vector<512xf32>
    %add3A_1036 = arith.addf %abs3A_1033, %abs3A_1035 : vector<512xf32>
    %sub3A_1037 = arith.subf %squeeze3A_141, %reduce_sum3A_1031 : vector<512xf32>
    %abs3A_1038 = math.absf %sub3A_1037 : vector<512xf32>
    %add3A_1039 = arith.addf %add3A_1036, %abs3A_1038 : vector<512xf32>
    %reduce_sum3A_1040 = vector.shape_cast %add3A_1039 : vector<512xf32> to vector<1x512xf32>
    %reduce_sum3A_1041 = arith.constant dense<0.000000e+00> : vector<1xf32>
    %reduce_sum3A_1042 = vector.multi_reduction <add>, %reduce_sum3A_1040, %reduce_sum3A_1041 [1] : vector<1x512xf32> to vector<1xf32>
    %reduce_sum3A_1043 = vector.shape_cast %reduce_sum3A_1042 : vector<1xf32> to vector<1x1xf32>
    %reduce_sum3A_1044 = vector.extract %reduce_sum3A_1043[0, 0] : f32 from vector<1x1xf32>
    %swap3A_1045 = arith.constant 6 : index
    %swap3A_1046 = arith.constant 0 : index
    %swap3A_1047 = arith.constant 0 : index
    %swap3A_1048 = vector.load %arg4[%swap3A_1045, %swap3A_1046, %swap3A_1047] : memref<8x1x512xi32, #tpu.memory_space<vmem>>, vector<1x1x512xi32>
    %swap3A_1049 = vector.shape_cast %swap3A_1048 : vector<1x1x512xi32> to vector<512xi32>
    %swap3A_1050 = vector.shape_cast %squeeze3A_1011 : vector<512xi32> to vector<1x1x512xi32>
    tpu.vector_store %arg4[%swap3A_1045, %swap3A_1046, %swap3A_1047], %swap3A_1050 {strides = array<i32>} : memref<8x1x512xi32, #tpu.memory_space<vmem>>, vector<1x1x512xi32>,
    %broadcast_in_dim3A_1051 = vector.broadcast %reduce_sum3A_1044 : f32 to vector<128xf32>
    %swap3A_1052 = arith.constant 6 : index
    %swap3A_1053 = arith.constant 0 : index
    %swap3A_1054 = arith.constant 0 : index
    %swap3A_1055 = vector.load %arg5[%swap3A_1052, %swap3A_1053, %swap3A_1054] : memref<8x1x128xf32, #tpu.memory_space<vmem>>, vector<1x1x128xf32>
    %swap3A_1056 = vector.shape_cast %swap3A_1055 : vector<1x1x128xf32> to vector<128xf32>
    %swap3A_1057 = vector.shape_cast %broadcast_in_dim3A_1051 : vector<128xf32> to vector<1x1x128xf32>
    tpu.vector_store %arg5[%swap3A_1052, %swap3A_1053, %swap3A_1054], %swap3A_1057 {strides = array<i32>} : memref<8x1x128xf32, #tpu.memory_space<vmem>>, vector<1x1x128xf32>,
    %dot_general3A_1058 = arith.constant dense<0.000000e+00> : vector<256x512xf32>
    %dot_general3A_1059 = tpu.matmul %scan3A_213#7, %get3A_157, %dot_general3A_1058 {dimension_numbers = #tpu.dot_dimension_numbers<[1], [0], [0], [1], [0, 0, 1, 1], [], []>, transpose_lhs_hint = false} : vector<256x3xf32>, vector<3x512xf32>, vector<256x512xf32> -> vector<256x512xf32>
    %slice3A_1060 = vector.extract_strided_slice %scan3A_213#7 {offsets = [0, 0], sizes = [256, 1], strides = [1, 1]} : vector<256x3xf32> to vector<256x1xf32>
    %slice3A_1061 = vector.extract_strided_slice %scan3A_213#7 {offsets = [0, 1], sizes = [256, 1], strides = [1, 1]} : vector<256x3xf32> to vector<256x1xf32>
    %slice3A_1062 = vector.extract_strided_slice %scan3A_213#7 {offsets = [0, 2], sizes = [256, 1], strides = [1, 1]} : vector<256x3xf32> to vector<256x1xf32>
    %mul3A_1063 = arith.mulf %slice3A_1060, %slice3A_1060 : vector<256x1xf32>
    %mul3A_1064 = arith.mulf %slice3A_1061, %slice3A_1061 : vector<256x1xf32>
    %add3A_1065 = arith.addf %mul3A_1063, %mul3A_1064 : vector<256x1xf32>
    %mul3A_1066 = arith.mulf %slice3A_1062, %slice3A_1062 : vector<256x1xf32>
    %add3A_1067 = arith.addf %add3A_1065, %mul3A_1066 : vector<256x1xf32>
    %add3A_1068 = vector.broadcast %broadcast_in_dim3A_169 : vector<1x512xf32> to vector<256x512xf32>
    %add3A_1069 = vector.broadcast %add3A_1067 : vector<256x1xf32> to vector<256x512xf32>
    %add3A_1070 = arith.addf %add3A_1068, %add3A_1069 : vector<256x512xf32>
    %mul3A_1071 = arith.constant 2.000000e+00 : f32
    %mul3A_1072 = vector.broadcast %mul3A_1071 : f32 to vector<256x512xf32>
    %mul3A_1073 = arith.mulf %mul3A_1072, %dot_general3A_1059 : vector<256x512xf32>
    %sub3A_1074 = arith.subf %add3A_1070, %mul3A_1073 : vector<256x512xf32>
    %max3A_1075 = arith.constant 0.000000e+00 : f32
    %max3A_1076 = vector.broadcast %max3A_1075 : f32 to vector<256x512xf32>
    %max3A_1077 = arith.maximumf %sub3A_1074, %max3A_1076 : vector<256x512xf32>
    %slice3A_1078 = vector.extract_strided_slice %max3A_1077 {offsets = [0, 0], sizes = [128, 512], strides = [1, 1]} : vector<256x512xf32> to vector<128x512xf32>
    %slice3A_1079 = vector.extract_strided_slice %max3A_1077 {offsets = [128, 0], sizes = [128, 512], strides = [1, 1]} : vector<256x512xf32> to vector<128x512xf32>
    %slice3A_1080 = vector.extract_strided_slice %iota3A {offsets = [0, 0], sizes = [128, 512], strides = [1, 1]} : vector<256x512xi32> to vector<128x512xi32>
    %slice3A_1081 = vector.extract_strided_slice %iota3A {offsets = [128, 0], sizes = [128, 512], strides = [1, 1]} : vector<256x512xi32> to vector<128x512xi32>
    %lt3A_1082 = arith.cmpf olt, %slice3A_1079, %slice3A_1078 : vector<128x512xf32>
    %select_n3A_1083 = arith.select %lt3A_1082, %slice3A_1079, %slice3A_1078 : vector<128x512xi1>, vector<128x512xf32>
    %select_n3A_1084 = arith.select %lt3A_1082, %slice3A_1081, %slice3A_1080 : vector<128x512xi1>, vector<128x512xi32>
    %slice3A_1085 = vector.extract_strided_slice %select_n3A_1083 {offsets = [0, 0], sizes = [64, 512], strides = [1, 1]} : vector<128x512xf32> to vector<64x512xf32>
    %slice3A_1086 = vector.extract_strided_slice %select_n3A_1083 {offsets = [64, 0], sizes = [64, 512], strides = [1, 1]} : vector<128x512xf32> to vector<64x512xf32>
    %slice3A_1087 = vector.extract_strided_slice %select_n3A_1084 {offsets = [0, 0], sizes = [64, 512], strides = [1, 1]} : vector<128x512xi32> to vector<64x512xi32>
    %slice3A_1088 = vector.extract_strided_slice %select_n3A_1084 {offsets = [64, 0], sizes = [64, 512], strides = [1, 1]} : vector<128x512xi32> to vector<64x512xi32>
    %lt3A_1089 = arith.cmpf olt, %slice3A_1086, %slice3A_1085 : vector<64x512xf32>
    %select_n3A_1090 = arith.select %lt3A_1089, %slice3A_1086, %slice3A_1085 : vector<64x512xi1>, vector<64x512xf32>
    %select_n3A_1091 = arith.select %lt3A_1089, %slice3A_1088, %slice3A_1087 : vector<64x512xi1>, vector<64x512xi32>
    %slice3A_1092 = vector.extract_strided_slice %select_n3A_1090 {offsets = [0, 0], sizes = [32, 512], strides = [1, 1]} : vector<64x512xf32> to vector<32x512xf32>
    %slice3A_1093 = vector.extract_strided_slice %select_n3A_1090 {offsets = [32, 0], sizes = [32, 512], strides = [1, 1]} : vector<64x512xf32> to vector<32x512xf32>
    %slice3A_1094 = vector.extract_strided_slice %select_n3A_1091 {offsets = [0, 0], sizes = [32, 512], strides = [1, 1]} : vector<64x512xi32> to vector<32x512xi32>
    %slice3A_1095 = vector.extract_strided_slice %select_n3A_1091 {offsets = [32, 0], sizes = [32, 512], strides = [1, 1]} : vector<64x512xi32> to vector<32x512xi32>
    %lt3A_1096 = arith.cmpf olt, %slice3A_1093, %slice3A_1092 : vector<32x512xf32>
    %select_n3A_1097 = arith.select %lt3A_1096, %slice3A_1093, %slice3A_1092 : vector<32x512xi1>, vector<32x512xf32>
    %select_n3A_1098 = arith.select %lt3A_1096, %slice3A_1095, %slice3A_1094 : vector<32x512xi1>, vector<32x512xi32>
    %slice3A_1099 = vector.extract_strided_slice %select_n3A_1097 {offsets = [0, 0], sizes = [16, 512], strides = [1, 1]} : vector<32x512xf32> to vector<16x512xf32>
    %slice3A_1100 = vector.extract_strided_slice %select_n3A_1097 {offsets = [16, 0], sizes = [16, 512], strides = [1, 1]} : vector<32x512xf32> to vector<16x512xf32>
    %slice3A_1101 = vector.extract_strided_slice %select_n3A_1098 {offsets = [0, 0], sizes = [16, 512], strides = [1, 1]} : vector<32x512xi32> to vector<16x512xi32>
    %slice3A_1102 = vector.extract_strided_slice %select_n3A_1098 {offsets = [16, 0], sizes = [16, 512], strides = [1, 1]} : vector<32x512xi32> to vector<16x512xi32>
    %lt3A_1103 = arith.cmpf olt, %slice3A_1100, %slice3A_1099 : vector<16x512xf32>
    %select_n3A_1104 = arith.select %lt3A_1103, %slice3A_1100, %slice3A_1099 : vector<16x512xi1>, vector<16x512xf32>
    %select_n3A_1105 = arith.select %lt3A_1103, %slice3A_1102, %slice3A_1101 : vector<16x512xi1>, vector<16x512xi32>
    %slice3A_1106 = vector.extract_strided_slice %select_n3A_1104 {offsets = [0, 0], sizes = [8, 512], strides = [1, 1]} : vector<16x512xf32> to vector<8x512xf32>
    %slice3A_1107 = vector.extract_strided_slice %select_n3A_1104 {offsets = [8, 0], sizes = [8, 512], strides = [1, 1]} : vector<16x512xf32> to vector<8x512xf32>
    %slice3A_1108 = vector.extract_strided_slice %select_n3A_1105 {offsets = [0, 0], sizes = [8, 512], strides = [1, 1]} : vector<16x512xi32> to vector<8x512xi32>
    %slice3A_1109 = vector.extract_strided_slice %select_n3A_1105 {offsets = [8, 0], sizes = [8, 512], strides = [1, 1]} : vector<16x512xi32> to vector<8x512xi32>
    %lt3A_1110 = arith.cmpf olt, %slice3A_1107, %slice3A_1106 : vector<8x512xf32>
    %select_n3A_1111 = arith.select %lt3A_1110, %slice3A_1107, %slice3A_1106 : vector<8x512xi1>, vector<8x512xf32>
    %select_n3A_1112 = arith.select %lt3A_1110, %slice3A_1109, %slice3A_1108 : vector<8x512xi1>, vector<8x512xi32>
    %slice3A_1113 = vector.extract_strided_slice %select_n3A_1111 {offsets = [0, 0], sizes = [4, 512], strides = [1, 1]} : vector<8x512xf32> to vector<4x512xf32>
    %slice3A_1114 = vector.extract_strided_slice %select_n3A_1111 {offsets = [4, 0], sizes = [4, 512], strides = [1, 1]} : vector<8x512xf32> to vector<4x512xf32>
    %slice3A_1115 = vector.extract_strided_slice %select_n3A_1112 {offsets = [0, 0], sizes = [4, 512], strides = [1, 1]} : vector<8x512xi32> to vector<4x512xi32>
    %slice3A_1116 = vector.extract_strided_slice %select_n3A_1112 {offsets = [4, 0], sizes = [4, 512], strides = [1, 1]} : vector<8x512xi32> to vector<4x512xi32>
    %lt3A_1117 = arith.cmpf olt, %slice3A_1114, %slice3A_1113 : vector<4x512xf32>
    %select_n3A_1118 = arith.select %lt3A_1117, %slice3A_1114, %slice3A_1113 : vector<4x512xi1>, vector<4x512xf32>
    %select_n3A_1119 = arith.select %lt3A_1117, %slice3A_1116, %slice3A_1115 : vector<4x512xi1>, vector<4x512xi32>
    %slice3A_1120 = vector.extract_strided_slice %select_n3A_1118 {offsets = [0, 0], sizes = [2, 512], strides = [1, 1]} : vector<4x512xf32> to vector<2x512xf32>
    %slice3A_1121 = vector.extract_strided_slice %select_n3A_1118 {offsets = [2, 0], sizes = [2, 512], strides = [1, 1]} : vector<4x512xf32> to vector<2x512xf32>
    %slice3A_1122 = vector.extract_strided_slice %select_n3A_1119 {offsets = [0, 0], sizes = [2, 512], strides = [1, 1]} : vector<4x512xi32> to vector<2x512xi32>
    %slice3A_1123 = vector.extract_strided_slice %select_n3A_1119 {offsets = [2, 0], sizes = [2, 512], strides = [1, 1]} : vector<4x512xi32> to vector<2x512xi32>
    %lt3A_1124 = arith.cmpf olt, %slice3A_1121, %slice3A_1120 : vector<2x512xf32>
    %select_n3A_1125 = arith.select %lt3A_1124, %slice3A_1121, %slice3A_1120 : vector<2x512xi1>, vector<2x512xf32>
    %select_n3A_1126 = arith.select %lt3A_1124, %slice3A_1123, %slice3A_1122 : vector<2x512xi1>, vector<2x512xi32>
    %slice3A_1127 = vector.extract_strided_slice %select_n3A_1125 {offsets = [0, 0], sizes = [1, 512], strides = [1, 1]} : vector<2x512xf32> to vector<1x512xf32>
    %slice3A_1128 = vector.extract_strided_slice %select_n3A_1125 {offsets = [1, 0], sizes = [1, 512], strides = [1, 1]} : vector<2x512xf32> to vector<1x512xf32>
    %slice3A_1129 = vector.extract_strided_slice %select_n3A_1126 {offsets = [0, 0], sizes = [1, 512], strides = [1, 1]} : vector<2x512xi32> to vector<1x512xi32>
    %slice3A_1130 = vector.extract_strided_slice %select_n3A_1126 {offsets = [1, 0], sizes = [1, 512], strides = [1, 1]} : vector<2x512xi32> to vector<1x512xi32>
    %lt3A_1131 = arith.cmpf olt, %slice3A_1128, %slice3A_1127 : vector<1x512xf32>
    %select_n3A_1132 = arith.select %lt3A_1131, %slice3A_1130, %slice3A_1129 : vector<1x512xi1>, vector<1x512xi32>
    %squeeze3A_1133 = vector.shape_cast %select_n3A_1132 : vector<1x512xi32> to vector<512xi32>
    %broadcast_in_dim3A_1134 = vector.shape_cast %squeeze3A_1133 : vector<512xi32> to vector<1x512xi32>
    %eq3A_1135 = vector.broadcast %broadcast_in_dim3A_1134 : vector<1x512xi32> to vector<256x512xi32>
    %eq3A_1136 = arith.cmpi eq, %iota3A, %eq3A_1135 : vector<256x512xi32>
    %convert_element_type3A_1137 = arith.extui %eq3A_1136 : vector<256x512xi1> to vector<256x512xi32>
    %convert_element_type3A_1138 = arith.sitofp %convert_element_type3A_1137 : vector<256x512xi32> to vector<256x512xf32>
    %slice3A_1139 = vector.extract_strided_slice %scan3A_213#7 {offsets = [0, 0], sizes = [256, 1], strides = [1, 1]} : vector<256x3xf32> to vector<256x1xf32>
    %mul3A_1140 = vector.broadcast %slice3A_1139 : vector<256x1xf32> to vector<256x512xf32>
    %mul3A_1141 = arith.mulf %convert_element_type3A_1138, %mul3A_1140 : vector<256x512xf32>
    %reduce_sum3A_1142 = arith.constant dense<0.000000e+00> : vector<512xf32>
    %reduce_sum3A_1143 = vector.multi_reduction <add>, %mul3A_1141, %reduce_sum3A_1142 [0] : vector<256x512xf32> to vector<512xf32>
    %slice3A_1144 = vector.extract_strided_slice %scan3A_213#7 {offsets = [0, 1], sizes = [256, 1], strides = [1, 1]} : vector<256x3xf32> to vector<256x1xf32>
    %mul3A_1145 = vector.broadcast %slice3A_1144 : vector<256x1xf32> to vector<256x512xf32>
    %mul3A_1146 = arith.mulf %convert_element_type3A_1138, %mul3A_1145 : vector<256x512xf32>
    %reduce_sum3A_1147 = arith.constant dense<0.000000e+00> : vector<512xf32>
    %reduce_sum3A_1148 = vector.multi_reduction <add>, %mul3A_1146, %reduce_sum3A_1147 [0] : vector<256x512xf32> to vector<512xf32>
    %slice3A_1149 = vector.extract_strided_slice %scan3A_213#7 {offsets = [0, 2], sizes = [256, 1], strides = [1, 1]} : vector<256x3xf32> to vector<256x1xf32>
    %mul3A_1150 = vector.broadcast %slice3A_1149 : vector<256x1xf32> to vector<256x512xf32>
    %mul3A_1151 = arith.mulf %convert_element_type3A_1138, %mul3A_1150 : vector<256x512xf32>
    %reduce_sum3A_1152 = arith.constant dense<0.000000e+00> : vector<512xf32>
    %reduce_sum3A_1153 = vector.multi_reduction <add>, %mul3A_1151, %reduce_sum3A_1152 [0] : vector<256x512xf32> to vector<512xf32>
    %sub3A_1154 = arith.subf %squeeze3A_159, %reduce_sum3A_1143 : vector<512xf32>
    %abs3A_1155 = math.absf %sub3A_1154 : vector<512xf32>
    %sub3A_1156 = arith.subf %squeeze3A_161, %reduce_sum3A_1148 : vector<512xf32>
    %abs3A_1157 = math.absf %sub3A_1156 : vector<512xf32>
    %add3A_1158 = arith.addf %abs3A_1155, %abs3A_1157 : vector<512xf32>
    %sub3A_1159 = arith.subf %squeeze3A_163, %reduce_sum3A_1153 : vector<512xf32>
    %abs3A_1160 = math.absf %sub3A_1159 : vector<512xf32>
    %add3A_1161 = arith.addf %add3A_1158, %abs3A_1160 : vector<512xf32>
    %reduce_sum3A_1162 = vector.shape_cast %add3A_1161 : vector<512xf32> to vector<1x512xf32>
    %reduce_sum3A_1163 = arith.constant dense<0.000000e+00> : vector<1xf32>
    %reduce_sum3A_1164 = vector.multi_reduction <add>, %reduce_sum3A_1162, %reduce_sum3A_1163 [1] : vector<1x512xf32> to vector<1xf32>
    %reduce_sum3A_1165 = vector.shape_cast %reduce_sum3A_1164 : vector<1xf32> to vector<1x1xf32>
    %reduce_sum3A_1166 = vector.extract %reduce_sum3A_1165[0, 0] : f32 from vector<1x1xf32>
    %swap3A_1167 = arith.constant 7 : index
    %swap3A_1168 = arith.constant 0 : index
    %swap3A_1169 = arith.constant 0 : index
    %swap3A_1170 = vector.load %arg4[%swap3A_1167, %swap3A_1168, %swap3A_1169] : memref<8x1x512xi32, #tpu.memory_space<vmem>>, vector<1x1x512xi32>
    %swap3A_1171 = vector.shape_cast %swap3A_1170 : vector<1x1x512xi32> to vector<512xi32>
    %swap3A_1172 = vector.shape_cast %squeeze3A_1133 : vector<512xi32> to vector<1x1x512xi32>
    tpu.vector_store %arg4[%swap3A_1167, %swap3A_1168, %swap3A_1169], %swap3A_1172 {strides = array<i32>} : memref<8x1x512xi32, #tpu.memory_space<vmem>>, vector<1x1x512xi32>,
    %broadcast_in_dim3A_1173 = vector.broadcast %reduce_sum3A_1166 : f32 to vector<128xf32>
    %swap3A_1174 = arith.constant 7 : index
    %swap3A_1175 = arith.constant 0 : index
    %swap3A_1176 = arith.constant 0 : index
    %swap3A_1177 = vector.load %arg5[%swap3A_1174, %swap3A_1175, %swap3A_1176] : memref<8x1x128xf32, #tpu.memory_space<vmem>>, vector<1x1x128xf32>
    %swap3A_1178 = vector.shape_cast %swap3A_1177 : vector<1x1x128xf32> to vector<128xf32>
    %swap3A_1179 = vector.shape_cast %broadcast_in_dim3A_1173 : vector<128xf32> to vector<1x1x128xf32>
    tpu.vector_store %arg5[%swap3A_1174, %swap3A_1175, %swap3A_1176], %swap3A_1179 {strides = array<i32>} : memref<8x1x128xf32, #tpu.memory_space<vmem>>, vector<1x1x128xf32>,
    return
  }
  func.func @transform_0(%arg0: i32) -> (i32, i32, i32) {
    %c0_i32 = arith.constant 0 : i32
    %c0_i32_0 = arith.constant 0 : i32
    %c0_i32_1 = arith.constant 0 : i32
    return %arg0, %c0_i32, %c0_i32_0 : i32, i32, i32
  }
  func.func @transform_1(%arg0: i32) -> (i32, i32, i32) {
    %c0_i32 = arith.constant 0 : i32
    %c0_i32_0 = arith.constant 0 : i32
    %c0_i32_1 = arith.constant 0 : i32
    return %arg0, %c0_i32, %c0_i32_0 : i32, i32, i32
  }
  func.func @transform_2(%arg0: i32) -> (i32, i32, i32) {
    %c0_i32 = arith.constant 0 : i32
    %c0_i32_0 = arith.constant 0 : i32
    %c0_i32_1 = arith.constant 0 : i32
    return %arg0, %c0_i32, %c0_i32_0 : i32, i32, i32
  }
  func.func @transform_3(%arg0: i32) -> (i32, i32, i32) {
    %c0_i32 = arith.constant 0 : i32
    %c0_i32_0 = arith.constant 0 : i32
    %c0_i32_1 = arith.constant 0 : i32
    return %arg0, %c0_i32, %c0_i32_0 : i32, i32, i32
  }
  func.func @transform_4(%arg0: i32) -> (i32, i32, i32) {
    %c0_i32 = arith.constant 0 : i32
    %c0_i32_0 = arith.constant 0 : i32
    %c0_i32_1 = arith.constant 0 : i32
    return %arg0, %c0_i32, %c0_i32_0 : i32, i32, i32
  }
}

</mosaic_0001>

<sc_bundles>
// kernel: kernel.5.cloned.1.call-start
scs
__scs_entry_jumppad:
0x0: {  	(pc) =	sbr.rel $0x88, $3  }
0x1: {  	(tag) =	ssettag $0x0;
	lr =	simm.s32 $0x1  }
0x2: {  	[smem:$0x3FA0] =	sst lr;
	_ =	strace $0xD0000000  }
0x3: {  	_ = 	snop  }
0x4: {  	_ = 	snop  }
0x5: {  	_ = 	snop  }
0x6: {  	_ = 	snop  }
0x7: {  	_ = 	snop  }
__scs_overlays_trampoline_lowered:
0x8: {  	[smem:$0x3FAF] =	sst s0  }
0x9: {  	[smem:$0x3FB0] =	sst s1  }
0xa: {  	[smem:$0x3FB1] =	sst s2  }
0xb: {  	[smem:$0x3FB2] =	sst s3  }
0xc: {  	[smem:$0x3FB3] =	sst s4  }
0xd: {  	[smem:$0x3FB4] =	sst s5  }
0xe: {  	[smem:$0x3FB5] =	sst s6  }
0xf: {  	[smem:$0x3FB6] =	sst s7  }
0x10: {  	[smem:$0x3FB7] =	sst s8  }
0x11: {  	[smem:$0x3FB8] =	sst s9;
	s0 =	simm.s32 @!p0 $0x0  }
0x12: {  	s1 =	sld [smem:$0x3F9E];
	s0 =	simm.s32 @p0 $0x1  }
0x13: {  	[smem:$0x3FB9] =	sst s0;
	s0 =	simm.s32 @!p1 $0x0  }
0x14: {  	s2 =	sld [smem:$0x3F9D];
	s0 =	simm.s32 @p1 $0x1  }
0x15: {  	[smem:$0x3FBA] =	sst s0;
	s0 =	simm.s32 @!p2 $0x0  }
0x16: {  	s3 =	sld [smem:$0x3FDB];
	s0 =	simm.s32 @p2 $0x1  }
0x17: {  	s4 =	simm.s32 $0x1BF5;
	[smem:$0x3FBC] =	sst s0  }
0x18: {  	s0 =	sld [smem:$0x3F9F];
	_ =	swait.ge [sflag:s4], $0x0  }
0x19: {  	s7 =	sld [smem:$0x3FA0]  }
0x1a: {  	s8 =	sadd.s32 $0xFFFFE003, lr  }
0x1b: {  	s9 =	sadd.s32 $0xFFFFFEF7, lr;
	s5 =	simm.s32 $0xFFFFFFFF;
	p2 =	slt.u32 s8, $0xFFFFF086  }
0x1c: {  	p1 =	slt.u32 s9, $0xF7A;
	s5 =	simm.s32 @!p2 $0x0  }
0x1d: {  	s5 =	simm.s32 @p1 $0x1;
	p0 =	seq.s32 s7, s2  }
0x1e: {  	s7 =	smul.u32 @!p0 $0xF7A, s2;
	p2 =	seq.s32 @!p0 s5, $0x0  }
0x1f: {  	s9 =	smul.u32 $0xF7A, s1;
	s8 =	simm.s32 @!p0 $0x1BF5;
	p2 =	por !p2, p0  }
0x20: {  	[sflag:s8] =	ssyncset.s32 @!p0 $0xFFFFF086;
	s6 =	sadd.s32 @!p0 s3, s7;
	s7 =	simm.s32 @!p0 $0x108  }
0x21: {  	s3 =	sadd.s32 s3, s9;
	s6 =	sadd.s32 @!p0 $0x88, s6;
	s7 =	simm.s32 @p2 $0x1082  }
0x22: {  	[simem:s7], [sflag:s8] =	dma.local @!p0 [hbm:s6], $0xF7A  }
0x23: {  	s9 =	sor.u32 $0xD0000000, s2;
	s6 =	simm.s32 $0x108;
	_ =	swait.ge @!p0 [sflag:s8], $0x0  }
0x24: {  	s3 =	sadd.s32 $0x88, s3;
	s6 =	simm.s32 @!p1 $0x1082;
	[sflag:s4] =	ssyncset.s32 $0xFFFFF086  }
0x25: {  	[simem:s6], [sflag:s4] =	dma.local [hbm:s3], $0xF7A  }
0x26: {  	[smem:$0x3FA0] =	sst s1;
	(tag) =	ssettag s2;
	_ =	strace s9  }
0x27: {  	s1 =	sld [smem:$0x3FB0]  }
0x28: {  	s2 =	sld [smem:$0x3FB1]  }
0x29: {  	s4 =	sld [smem:$0x3FB3]  }
0x2a: {  	p0 =	seq.s32 s5, $0x0;
	s5 =	sld [smem:$0x3FB4]  }
0x2b: {  	s6 =	sld [smem:$0x3FB5]  }
0x2c: {  	s7 =	sld [smem:$0x3FB6]  }
0x2d: {  	s3 =	simm.s32 $0x108;
	s8 =	sld [smem:$0x3FB7]  }
0x2e: {  	s3 =	simm.s32 @!p0 $0x1082;
	s9 =	sld [smem:$0x3FB8]  }
0x2f: {  	lr =	sadd.s32 s0, s3;
	s0 =	sld [smem:$0x3FAF]  }
0x30: {  	s3 =	sld [smem:$0x3FB2]  }
0x31: {  	[smem:$0x3FBB] =	sst s10  }
0x32: {  	s10 =	sld [smem:$0x3FB9];
	_ =	sdelay $0x3  }
0x33: {  	p0 =	seq.s32 s10, $0x1;
	s10 =	sld [smem:$0x3FBB];
	_ =	sdelay $0x3  }
0x34: {  	[smem:$0x3FBB] =	sst s10  }
0x35: {  	s10 =	sld [smem:$0x3FBA];
	_ =	sdelay $0x3  }
0x36: {  	p1 =	seq.s32 s10, $0x1;
	s10 =	sld [smem:$0x3FBB];
	_ =	sdelay $0x3  }
0x37: {  	[smem:$0x3FBB] =	sst s10  }
0x38: {  	s10 =	sld [smem:$0x3FBC]  }
0x39: {  	_ = 	snop;
	(pc) =	sbr.ind lr, $3  }
0x3a: {  	_ = 	snop  }
0x3b: {  	_ = 	snop  }
0x3c: {  	p2 =	seq.s32 s10, $0x1;
	s10 =	sld [smem:$0x3FBB]  }
0x3d: {  	_ =	shalt  }
0x3e: {  	_ =	shalt  }
0x3f: {  	_ =	shalt  }
0x40: {  	_ =	shalt  }
0x41: {  	_ =	shalt  }
0x42: {  	_ =	shalt  }
0x43: {  	_ =	shalt  }
0x44: {  	_ =	shalt  }
0x45: {  	_ =	shalt  }
0x46: {  	_ =	shalt  }
0x47: {  	_ =	shalt  }
0x48: {  	_ =	shalt  }
0x49: {  	_ =	shalt  }
0x4a: {  	_ =	shalt  }
0x4b: {  	_ =	shalt  }
0x4c: {  	_ =	shalt  }
0x4d: {  	_ =	shalt  }
0x4e: {  	_ =	shalt  }
0x4f: {  	_ =	shalt  }
0x50: {  	_ =	shalt  }
0x51: {  	_ =	shalt  }
0x52: {  	_ =	shalt  }
0x53: {  	_ =	shalt  }
0x54: {  	_ =	shalt  }
0x55: {  	_ =	shalt  }
0x56: {  	_ =	shalt  }
0x57: {  	_ =	shalt  }
0x58: {  	_ =	shalt  }
0x59: {  	_ =	shalt  }
0x5a: {  	_ =	shalt  }
0x5b: {  	_ =	shalt  }
0x5c: {  	_ =	shalt  }
0x5d: {  	_ =	shalt  }
0x5e: {  	_ =	shalt  }
0x5f: {  	_ =	shalt  }
0x60: {  	_ =	shalt  }
0x61: {  	_ =	shalt  }
0x62: {  	_ =	shalt  }
0x63: {  	_ =	shalt  }
0x64: {  	_ =	shalt  }
0x65: {  	_ =	shalt  }
0x66: {  	_ =	shalt  }
0x67: {  	_ =	shalt  }
0x68: {  	_ =	shalt  }
0x69: {  	_ =	shalt  }
0x6a: {  	_ =	shalt  }
0x6b: {  	_ =	shalt  }
0x6c: {  	_ =	shalt  }
0x6d: {  	_ =	shalt  }
0x6e: {  	_ =	shalt  }
0x6f: {  	_ =	shalt  }
0x70: {  	_ =	shalt  }
0x71: {  	_ =	shalt  }
0x72: {  	_ =	shalt  }
0x73: {  	_ =	shalt  }
0x74: {  	_ =	shalt  }
0x75: {  	_ =	shalt  }
0x76: {  	_ =	shalt  }
0x77: {  	_ =	shalt  }
0x78: {  	_ =	shalt  }
0x79: {  	_ =	shalt  }
0x7a: {  	_ =	shalt  }
0x7b: {  	_ =	shalt  }
0x7c: {  	_ =	shalt  }
0x7d: {  	_ =	shalt  }
0x7e: {  	_ =	shalt  }
0x7f: {  	_ =	shalt  }
0x80: {  	_ =	shalt  }
0x81: {  	_ =	shalt  }
0x82: {  	_ =	shalt  }
0x83: {  	_ =	shalt  }
0x84: {  	_ =	shalt  }
0x85: {  	_ =	shalt  }
0x86: {  	_ =	shalt  }
0x87: {  	_ =	shalt  }
.Lfunc_end0:
.L_simem_size_0:
called_computation_lowered:
.L_overlay_start_0:
0x88: {  	s2 =	sld [smem:$0x3FD9]  }
0x89: {  	s3 =	sld [smem:$0x3FFE];
	_ =	sdelay $0x1  }
0x8a: {  	s1 =	srdreg.scid  }
0x8b: {  	s0 =	sand.u32 $0x1, s1  }
0x8c: {  	s14 =	sshll.u32 s0, $0xA;
	s2 =	sadd.s32 s3, s2  }
0x8d: {  	s2 =	sadd.s32 s2, s14  }
0x8e: {  	[smem:$0x3FC7] =	sst s2  }
0x8f: {  	_ = 	snop  }
0x90: {  	s2 =	sld [smem:$0x3FD0];
	_ =	sdelay $0x2  }
0x91: {  	s15 =	simm.s32 $0xA;
	s4 =	simm.s32 $0x10  }
0x92: {  	[smem:s4], [sflag:s15] =	dma.local [hbm:s2], $0x1  }
0x93: {  	_ =	swait.eq [sflag:s15], $0x1  }
0x94: {  	[sflag:s15] =	ssyncset.done $0x0  }
0x95: {  	[sflag:s15] =	ssyncadd.s32 $0xFFFFFFFF  }
0x96: {  	s16 =	sld [smem:$0x10];
	(tm) =	ssettm $0x1  }
0x97: {  	s17 =	sld [smem:$0x3FFB];
	_ =	sdelay $0x3  }
0x98: {  	_ =	strace s17  }
0x99: {  	s3 =	sld [smem:$0x3FFC];
	_ =	sdelay $0x3  }
0x9a: {  	_ =	strace s3  }
0x9b: {  	s3 =	sld [smem:$0x3FFD];
	_ =	sdelay $0x3  }
0x9c: {  	_ =	strace s3  }
0x9d: {  	_ =	strace $0x8FFFFFFF  }
0x9e: {  	s18 =	sld [smem:$0x3FDB];
	_ =	sdelay $0x1  }
0x9f: {  	s19 =	simm.s32 $_scs_section_size  }
0xa0: {  	s5 =	simm.s32 $_size__tile_overlayer_lowered;
	s6 =	simm.s32 $_tile_overlayer_lowered  }
0xa1: {  	s22 =	simm.s32 $0x1BFF;
	s21 =	sshll.u32 s6, $0x1;
	s3 =	sadd.s32 s19, s18  }
0xa2: {  	s7 =	simm.s32 $0x0;
	s20 =	sshll.u32 s5, $0x1;
	s5 =	sadd.s32 s21, s3  }
0xa3: {  	[timem:s7], [sflag:s22] =	dma.local [hbm:s5], s20  }
0xa4: {  	_ =	swait.ge [sflag:s22], s20  }
0xa5: {  	s4 =	ssub.s32 $0x0, s20;
	[sflag:s22] =	ssyncset.done $0x0  }
0xa6: {  	[sflag:s22] =	ssyncadd.s32 s4;
	_ =	sdelay $0x1  }
0xa7: {  	s23 =	simm.s32 $0x1B8B  }
0xa8: {  	_ =	swait.ge [sflag:s23], $0x1  }
0xa9: {  	[sflag:s23] =	ssyncset.done $0x0  }
0xaa: {  	s25 =	simm.s32 $0x1B8E;
	s24 =	sld [smem:$0x3FFE];
	[sflag:s23] =	ssyncadd.s32 $0xFFFFFFFF  }
0xab: {  	s26 =	simm.s32 $execute0_lowered;
	[smem:$0x3FD2] =	sst s25  }
0xac: {  	s5 =	sshll.u32 s26, $0x1;
	_ =	strace $0x80000046;
	[dreg:$0x1] =	wrdreg $0xFFFFFFFF  }
0xad: {  	s28 =	simm.s32 $_size_execute0_lowered;
	s3 =	sadd.s32 s3, s5;
	[dreg:$0x0] =	wrdreg $0x0  }
0xae: {  	s5 =	sshll.u32 s28, $0x1;
	[dreg:$0x2] =	wrdreg s3  }
0xaf: {  	[dreg:$0x3] =	wrdreg s5  }
0xb0: {  	[dreg:$0x4] =	wrdreg $0xC0  }
0xb1: {  	_ =	task [dreg:s7], $0x5FFFF  }
0xb2: {  	[dreg:$0x1] =	wrdreg $0xFFFFFFFF  }
0xb3: {  	[dreg:$0x0] =	wrdreg $0x60  }
0xb4: {  	[dreg:$0x2] =	wrdreg s16  }
0xb5: {  	[dreg:$0x3] =	wrdreg s24  }
0xb6: {  	[dreg:$0x4] =	wrdreg $0x9  }
0xb7: {  	_ =	task.clear_ibuf [dreg:s7], $0x5FFFF;
	_ =	strace $0x90000046  }
0xb8: {  	s29 =	simm.s32 $0x9;
	_ =	strace $0x80000048  }
0xb9: {  	_ =	swait.ge [sflag:s29], $0x1  }
0xba: {  	[sflag:s29] =	ssyncadd.s32 $0xFFFFFFFF  }
0xbb: {  	_ =	strace $0x90000048  }
0xbc: {  	_ =	sfence  }
0xbd: {  	s30 =	sld [smem:$0x0];
	_ =	sdelay $0x2  }
0xbe: {  	s31 =	sshll.u32 s1, $0xD;
	s1 =	sshrl.u32 s1, $0x2  }
0xbf: {  	s3 =	sand.u32 $0x4000, s31;
	s1 =	sadd.s32 s1, s30  }
0xc0: {  	s0 =	sor.u32 s3, s0;
	s1 =	sshll.u32 s1, $0x11  }
0xc1: {  	s0 =	sor.u32 s1, s0  }
0xc2: {  	s0 =	sadd.s32 $0x8F2B, s0  }
0xc3: {  	[sflag:s0] =	ssyncadd.remote.s32 $0x1  }
0xc4: {  	_ =	sfence.sel $0xFFFF  }
0xc5: {  	[dreg:$0x0] =	wrdreg $0xFFFFFFFF;
	(pc) =	sbr.abs _section_cstart, $3  }
0xc6: {  	[dreg:$0x1] =	wrdreg $0xFFFFFFFF  }
0xc7: {  	_ =	task.clear_ibuf [dreg:s7], $0x2FFFF;
	_ =	strace $0x9FFFFFFF  }
0xc8: {  	(tm) =	ssettm $0x7FFFFFFF  }
0xc9: {  	_ =	shalt  }
tec
execute0_lowered:
.L_overlay_start_1:
0x0: {  	(tag) =	ssettag $0x1  }
0x1: {  	s0 =	srdreg.scid  }
0x2: {  	s12 =	sand.u32 $0x1, s0;
	s0 =	stileid.u32  }
0x3: {  	s3 =	sshll.u32 s0, $0x1;
	s4 =	ssub.s32 $0x0, s12  }
0x4: {  	p0 =	sne.s32 s3, s4  }
.Ltmp0:
0x5: {  	_ = 	snop;
	(pc) =	sbr.rel @p0 .LBB2_4-.Ltmp0, $4  }
0x6: {  	_ = 	snop  }
0x7: {  	s2 =	rddreg [dreg:$0x0]  }
0x8: {  	s14 =	rddreg [dreg:$0x1]  }
0x9: {  	s1 =	rddreg [dreg:$0x2];
	_ =	strace $0x80000047  }
0xa: {  	s4 =	simm.s32 $0x0;
	s3 =	simm.s32 $0x2  }
0xb: {  	v0 =	vimm.s32 $0xFEDCBA98;
	[tilespmem:s4], [sflag:$0x2] =	stream.linear.gather [hbm4b:s2+s4], $0x20, $0x38;
	[tilespmem:$0x2180] =	vst v63  }
0xc: {  	v1 =	vimm.s32 $0x76543210;
	v0 =	vunpack.c.l.s4.s8 v0;
	_ =	swait.ge [sflag:s3], $0x20  }
0xd: {  	v1 =	vunpack.c.l.s4.s8 v1;
	[sflag:s3] =	ssyncset.done $0x0  }
0xe: {  	v0 =	vunpack.c.0.s8.s32 v0;
	[sflag:s3] =	ssyncadd.s32 $0xFFFFFFE0  }
0xf: {  	v1 =	vunpack.c.0.s8.s32 v1;
	v3 =	vld [tilespmem:$0x0]  }
0x10: {  	v0 =	vand.u32 $0xF, v0;
	v4 =	vld [tilespmem:$0x10]  }
0x11: {  	v0 =	vcombine.low v0, v1;
	_ =	sdelay $0x3  }
0x12: {  	v2 =	vmin.f32 v3, v4  }
0x13: {  	s5 =	simm.s32 $0x80;
	[tilespmem:$0x80] =	vst v2  }
0x14: {  	v5 =	vld.idx.msk [tilespmem:v0+s5+$0x0], $0xffff;
	_ =	sdelay $0x3  }
0x15: {  	v6 =	vlaneseq.u32  }
0x16: {  	v1 =	vshrl.u32 v6, $0x3;
	v5 =	vmin.f32 v2, v5  }
0x17: {  	v2 =	vor.u32 $0x2, v1;
	vm0 =	veq.f32 v4, v5  }
0x18: {  	vm1 =	veq.f32 v3, v5;
	v3 =	vnsel vm0, $0x20, v2  }
0x19: {  	v3 =	vsel vm1, v1, v3  }
0x1a: {  	s6 =	simm.s32 $0x100;
	[tilespmem:$0x100] =	vst v3  }
0x1b: {  	v4 =	vld.idx.msk [tilespmem:v0+s6+$0x0], $0xffff;
	_ =	sdelay $0x4  }
0x1c: {  	vm0 =	vlt.s32 v3, v4  }
0x1d: {  	v7 =	vsel vm0, v3, v4  }
0x1e: {  	v3 =	vand.u32 $0x7, v6;
	v4 =	vshll.u32 v7, $0x5  }
0x1f: {  	v8 =	vor.u32 v3, v4  }
0x20: {  	v4 =	vmul.u32 $0x8, v1;
	v5 =	vperm.xlane v8, v3;
	_ =	sdelay $0x1  }
0x21: {  	v9 =	vadd.s32 v4, v5  }
0x22: {  	v5 =	vor.u32 $0x8, v6  }
0x23: {  	v6 =	vshll.u32 v7, $0x3;
	v7 =	vperm.xlane v8, v5  }
0x24: {  	s15 =	ssub.s32 $0x2, s12;
	v6 =	vor.u32 v3, v6  }
0x25: {  	s7 =	sadd.s32 $0x400, s14;
	s8 =	simm.s32 $0x180;
	s16 =	sshrl.u32 s15, $0x1;
	vm0 =	vmmov $0xffff;
	[tilespmem:$0x100] =	vst v6;
	v6 =	vadd.s32 v4, v7  }
0x26: {  	[tilespmem:s8], [sflag:$0x1] =	stream.indirect_vreg.gather [hbm4b:s7+s4], $0x80, v9, vm0, $0xb8;
	[tilespmem:$0x2180] =	vst v63  }
0x27: {  	s9 =	sadd.s32 $0x500, s14;
	s10 =	simm.s32 $0x980;
	s15 =	ssub.s32 s15, s16  }
0x28: {  	[tilespmem:s10], [sflag:$0x1] =	stream.indirect_vreg.gather [hbm4b:s9+s4], $0x80, v9, vm0, $0xb8;
	[tilespmem:$0x2180] =	vst v63  }
0x29: {  	s11 =	simm.s32 $0x1180;
	s15 =	smax.u32 s15, $0x1  }
0x2a: {  	[tilespmem:s11], [sflag:$0x1] =	stream.indirect_vreg.gather [hbm4b:s7+s4], $0x80, v6, vm0, $0xb8;
	[tilespmem:$0x2180] =	vst v63  }
0x2b: {  	s12 =	simm.s32 $0x1980;
	s13 =	simm.s32 $0x1;
	p0 =	sne.s32 s15, $0x1  }
0x2c: {  	[tilespmem:s12], [sflag:$0x1] =	stream.indirect_vreg.gather [hbm4b:s9+s4], $0x80, v6, vm0, $0xb8;
	[tilespmem:$0x2180] =	vst v63  }
.Ltmp1:
0x2d: {  	_ =	swait.ge [sflag:s13], $0x2000;
	(pc) =	sbr.rel @!p0 .LBB2_3-.Ltmp1, $4  }
0x2e: {  	[sflag:s13] =	ssyncset.done $0x0  }
0x2f: {  	s14 =	sadd.s32 $0xC00, s14;
	[sflag:s13] =	ssyncadd.s32 $0xFFFFE000  }
0x30: {  	[hbm4b:s14+s4] =	stream.linear.scatter [tilespmem:s8], [sflag:$0x2], $0x1000, $0x38;
	[tilespmem:$0x2180] =	vst v63  }
0x31: {  	s15 =	sadd.s32 $0xFFFFFFFF, s15;
	_ =	swait.ge [sflag:s3], $0x1000  }
.LBB2_2:
0x32: {  	p0 =	sne.s32 s15, $0x1;
	s15 =	sadd.s32 $0xFFFFFFFF, s15;
	[sflag:s3] =	ssyncset.done $0x0  }
0x33: {  	[sflag:s3] =	ssyncadd.s32 $0xFFFFF000  }
0x34: {  	[tilespmem:s4], [sflag:$0x2] =	stream.linear.gather [hbm4b:s2+s4], $0x20, $0x38;
	[tilespmem:$0x2180] =	vst v63  }
0x35: {  	_ =	swait.ge [sflag:s3], $0x20  }
0x36: {  	[sflag:s3] =	ssyncset.done $0x0  }
0x37: {  	[sflag:s3] =	ssyncadd.s32 $0xFFFFFFE0  }
0x38: {  	v6 =	vld [tilespmem:$0x0]  }
0x39: {  	v7 =	vld [tilespmem:$0x10];
	_ =	sdelay $0x4  }
0x3a: {  	v8 =	vmin.f32 v6, v7  }
0x3b: {  	[tilespmem:$0x80] =	vst v8  }
0x3c: {  	v9 =	vld.idx.msk [tilespmem:v0+s5+$0x0], $0xffff;
	_ =	sdelay $0x5  }
0x3d: {  	v8 =	vmin.f32 v8, v9  }
0x3e: {  	vm1 =	veq.f32 v6, v8;
	vm2 =	veq.f32 v7, v8  }
0x3f: {  	v6 =	vnsel vm2, $0x20, v2  }
0x40: {  	v6 =	vsel vm1, v1, v6  }
0x41: {  	[tilespmem:$0x100] =	vst v6  }
0x42: {  	v7 =	vld.idx.msk [tilespmem:v0+s6+$0x0], $0xffff;
	_ =	sdelay $0x5  }
0x43: {  	vm1 =	vlt.s32 v6, v7  }
0x44: {  	v6 =	vsel vm1, v6, v7  }
0x45: {  	v7 =	vshll.u32 v6, $0x3;
	v6 =	vshll.u32 v6, $0x5  }
0x46: {  	v7 =	vor.u32 v3, v7;
	v6 =	vor.u32 v3, v6  }
0x47: {  	[tilespmem:$0x100] =	vst v7;
	v7 =	vperm.xlane v6, v3;
	v6 =	vperm.xlane v6, v5;
	_ =	sdelay $0x1  }
0x48: {  	v7 =	vadd.s32 v4, v7;
	_ =	sdelay $0x2  }
0x49: {  	v6 =	vadd.s32 v4, v6;
	_ =	sdelay $0x1  }
0x4a: {  	[tilespmem:s8], [sflag:$0x1] =	stream.indirect_vreg.gather [hbm4b:s7+s4], $0x80, v7, vm0, $0xb8;
	[tilespmem:$0x2180] =	vst v63  }
0x4b: {  	_ = 	snop  }
0x4c: {  	[tilespmem:s10], [sflag:$0x1] =	stream.indirect_vreg.gather [hbm4b:s9+s4], $0x80, v7, vm0, $0xb8;
	[tilespmem:$0x2180] =	vst v63  }
0x4d: {  	_ = 	snop  }
0x4e: {  	[tilespmem:s11], [sflag:$0x1] =	stream.indirect_vreg.gather [hbm4b:s7+s4], $0x80, v6, vm0, $0xb8;
	[tilespmem:$0x2180] =	vst v63  }
0x4f: {  	_ = 	snop  }
0x50: {  	[tilespmem:s12], [sflag:$0x1] =	stream.indirect_vreg.gather [hbm4b:s9+s4], $0x80, v6, vm0, $0xb8;
	[tilespmem:$0x2180] =	vst v63  }
.Ltmp2:
0x51: {  	_ =	swait.ge [sflag:s13], $0x2000;
	(pc) =	sbr.rel @p0 .LBB2_2-.Ltmp2, $4  }
0x52: {  	[sflag:s13] =	ssyncset.done $0x0  }
0x53: {  	[sflag:s13] =	ssyncadd.s32 $0xFFFFE000  }
0x54: {  	[hbm4b:s14+s4] =	stream.linear.scatter [tilespmem:s8], [sflag:$0x2], $0x1000, $0x38;
	[tilespmem:$0x2180] =	vst v63  }
0x55: {  	_ =	swait.ge [sflag:s3], $0x1000  }
.LBB2_3:
0x56: {  	[sflag:s3] =	ssyncset.done $0x0  }
0x57: {  	[sflag:s3] =	ssyncadd.s32 $0xFFFFF000  }
.LBB2_4:
0x58: {  	_ =	sfence.sel $0x180000  }
0x59: {  	[bflag:$0x0] =	sbarrier.arrive $0xFFFF  }
0x5a: {  	p0 =	sne.s32 s0, $0x0;
	_ =	strace $0x90000047  }
0x5b: {  	s0 =	sadd.s32 @!p0 $0x100000, s1;
	[bflag:$0x2] =	sbarrier.arrive $0xFFFF  }
0x5c: {  	[sflag:s0] =	ssyncadd.tile.s32 @!p0 $0x1;
	_ =	shalt  }
.Lfunc_end2:
_tile_overlayer_lowered:
.L_overlay_start_2:
0x5d: {  	(tag) =	ssettag $0x2  }
0x5e: {  	s0 =	rddreg [dreg:$0x0];
	s2 =	stileid.u32  }
0x5f: {  	s1 =	rddreg [dreg:$0x1];
	p0 =	sne.s32 s2, $0x0  }
0x60: {  	s3 =	rddreg [dreg:$0x2];
	[bflag:$0x3] =	sbarrier.arrive $0xFFFF;
	s2 =	simm.s32 @!p0 $0x1C02  }
0x61: {  	[timem:s3], [sflag:s2] =	dma.local @!p0 [hbm:s0], s1  }
0x62: {  	s0 =	simm.s32 @!p0 $0x2  }
0x63: {  	_ =	swait.ge @!p0 [sflag:s0], s1  }
0x64: {  	s1 =	ssub.s32 @!p0 $0x0, s1;
	[sflag:s0] =	ssyncset.done @!p0 $0x0  }
0x65: {  	[sflag:s0] =	ssyncadd.s32 @!p0 s1  }
0x66: {  	[bflag:$0x3] =	sbarrier.arrive $0xFFFF  }
0x67: {  	_ =	shalt  }

</sc_bundles>
